<compile_context>
chip_gen: v7x
topology: tpu7x:2x2x1
jax: 0.10.2.dev20260603
libtpu: 0.0.44.dev20260713+nightly
codegen_flags: <defaults>
</compile_context>

<pallas_src>
import math

import jax
import jax.numpy as jnp
from jax import lax
from jax.experimental import pallas as pl
from jax.experimental.pallas import tpu as pltpu
from jax.experimental.pallas import tpu_sc as plsc

NUM_NODES = 10000
N_EDGES = 320000
D = 128
H = 4

LANES = 16
N_TILES = 16
E_TILE = N_EDGES // N_TILES
NSEG_ROWS = 640
BLK = 3200

_INV_SQRT_D = 1.0 / math.sqrt(D)
_INV_SQRT_2 = 1.0 / math.sqrt(2.0)



def _aqk_body(wq_ref, wk_ref, aqk_ref):
    for h in range(H):
        wq = wq_ref[:, h * D:(h + 1) * D]
        wk = wk_ref[:, h * D:(h + 1) * D]
        aqk_ref[:, h * D:(h + 1) * D] = lax.dot_general(
            wq, wk, (((1,), (1,)), ((), ())),
            preferred_element_type=jnp.float32).astype(jnp.bfloat16)


def _att_body(z_ref, aqk_ref, hsum_ref, out_ref):
    z = z_ref[...]
    zb = z.astype(jnp.bfloat16)
    p = jnp.dot(zb, aqk_ref[...],
                preferred_element_type=jnp.float32).astype(jnp.bfloat16)
    q = p * jnp.concatenate([zb] * H, axis=1)
    att_b8 = jnp.dot(q, hsum_ref[...], preferred_element_type=jnp.float32)
    out_ref[...] = att_b8.T



NSEG = NSEG_ROWS * LANES


def _softmax_body(att_hbm, row_hbm, w_hbm,
                  att0, att1, rowv, acc0, acc1, tmp_v, sum_v,
                  st0_sh, st1_sh, f0_sh, f1_sh):
    cid = lax.axis_index("c")
    sid = lax.axis_index("s")
    base = sid * E_TILE
    off0 = (2 * cid) * N_EDGES + base
    off1 = (2 * cid + 1) * N_EDGES + base

    pltpu.sync_copy(row_hbm.at[pl.ds(base, E_TILE)], rowv)
    pltpu.sync_copy(att_hbm.at[pl.ds(off0, E_TILE)], att0)
    pltpu.sync_copy(att_hbm.at[pl.ds(off1, E_TILE)], att1)

    zero16 = jnp.zeros((LANES,), jnp.float32)

    def _zero(i, _):
        acc0[pl.ds(i * LANES, LANES)] = zero16
        acc1[pl.ds(i * LANES, LANES)] = zero16
        return 0

    lax.fori_loop(0, NSEG // LANES, _zero, 0)

    n_vec = E_TILE // LANES

    def _pass1(i, _):
        sl = pl.ds(i * LANES, LANES)
        idx = rowv[sl]
        e0 = jnp.exp(att0[sl])
        att0[sl] = e0
        plsc.addupdate_scatter(acc0, [idx], e0)
        e1 = jnp.exp(att1[sl])
        att1[sl] = e1
        plsc.addupdate_scatter(acc1, [idx], e1)
        return 0

    lax.fori_loop(0, n_vec, _pass1, 0)

    pltpu.sync_copy(acc0, st0_sh.at[sid])
    pltpu.sync_copy(acc1, st1_sh.at[sid])
    plsc.subcore_barrier()

    nseg_tile = NSEG // N_TILES
    seg_base = sid * nseg_tile

    for j, (st_sh, f_sh) in enumerate(((st0_sh, f0_sh), (st1_sh, f1_sh))):
        def _zs(i, _):
            sum_v[pl.ds(i * LANES, LANES)] = zero16
            return 0
        lax.fori_loop(0, nseg_tile // LANES, _zs, 0)
        for t in range(N_TILES):
            pltpu.sync_copy(st_sh.at[t, pl.ds(seg_base, nseg_tile)], tmp_v)

            def _acc(i, _):
                sl = pl.ds(i * LANES, LANES)
                sum_v[sl] = sum_v[sl] + tmp_v[sl]
                return 0

            lax.fori_loop(0, nseg_tile // LANES, _acc, 0)
        pltpu.sync_copy(sum_v, f_sh.at[pl.ds(seg_base, nseg_tile)])

    plsc.subcore_barrier()

    pltpu.sync_copy(f0_sh, acc0)
    pltpu.sync_copy(f1_sh, acc1)

    def _pass2(i, _):
        sl = pl.ds(i * LANES, LANES)
        idx = rowv[sl]
        s0 = plsc.load_gather(acc0, [idx])
        att0[sl] = att0[sl] / s0
        s1 = plsc.load_gather(acc1, [idx])
        att1[sl] = att1[sl] / s1
        return 0

    lax.fori_loop(0, n_vec, _pass2, 0)

    pltpu.sync_copy(att0, w_hbm.at[pl.ds(off0, E_TILE)])
    pltpu.sync_copy(att1, w_hbm.at[pl.ds(off1, E_TILE)])



def _out_body(z_ref, w_ref, wv_ref, wg_ref, bg_ref, w1_ref, b1_ref,
              w2_ref, b2_ref, out_ref):
    z = z_ref[...]
    zb = z.astype(jnp.bfloat16)
    v = jnp.dot(zb, wv_ref[...], preferred_element_type=jnp.float32)
    g = jax.nn.sigmoid(
        jnp.dot(zb, wg_ref[...], preferred_element_type=jnp.float32)
        + bg_ref[...])
    vg = v * g
    wt = w_ref[...].T
    out1 = z
    for h in range(H):
        out1 = out1 + wt[:, h:h + 1] * vg[:, h * D:(h + 1) * D]
    t = jnp.dot(out1.astype(jnp.bfloat16), w1_ref[...],
                preferred_element_type=jnp.float32) + b1_ref[...]
    ge = 0.5 * t * (1.0 + lax.erf(t * _INV_SQRT_2))
    out_ref[...] = out1 \
        + jnp.dot(ge.astype(jnp.bfloat16), w2_ref[...],
                  preferred_element_type=jnp.float32) + b2_ref[...]



def kernel(Z, edges, Wq, Wk, Wv, Wg, bg, W1, b1, W2, b2):
    row = edges[0]

    wq_all = jnp.transpose(Wq, (1, 0, 2)).reshape(D, H * D)
    wk_all = jnp.transpose(Wk, (1, 0, 2)).reshape(D, H * D)
    wv_all = jnp.transpose(Wv, (1, 0, 2)).reshape(D, H * D).astype(
        jnp.bfloat16)
    wg_all = jnp.transpose(Wg, (1, 0, 2)).reshape(D, H * D).astype(
        jnp.bfloat16)
    bg_all = bg.reshape(1, H * D)

    aqk = pl.pallas_call(
        _aqk_body,
        out_shape=jax.ShapeDtypeStruct((D, H * D), jnp.bfloat16),
    )(wq_all, wk_all)

    hsum = (jnp.where(
        jnp.arange(H * D)[:, None] // D == jnp.arange(8)[None, :],
        _INV_SQRT_D, 0.0)).astype(jnp.bfloat16)

    att8 = pl.pallas_call(
        _att_body,
        grid=(N_EDGES // BLK,),
        in_specs=[
            pl.BlockSpec((BLK, D), lambda i: (i, 0)),
            pl.BlockSpec((D, H * D), lambda i: (0, 0)),
            pl.BlockSpec((H * D, 8), lambda i: (0, 0)),
        ],
        out_specs=pl.BlockSpec((8, BLK), lambda i: (0, i)),
        out_shape=jax.ShapeDtypeStruct((8, N_EDGES), jnp.float32),
    )(Z, aqk, hsum)

    att_flat = att8.reshape(8 * N_EDGES)

    mesh = plsc.VectorSubcoreMesh(core_axis_name="c", subcore_axis_name="s")
    w_flat = pl.kernel(
        _softmax_body,
        out_type=jax.ShapeDtypeStruct((8 * N_EDGES,), jnp.float32),
        mesh=mesh,
        compiler_params=pltpu.CompilerParams(needs_layout_passes=False),
        scratch_types=[
            pltpu.VMEM((E_TILE,), jnp.float32),
            pltpu.VMEM((E_TILE,), jnp.float32),
            pltpu.VMEM((E_TILE,), jnp.int32),
            pltpu.VMEM((NSEG,), jnp.float32),
            pltpu.VMEM((NSEG,), jnp.float32),
            pltpu.VMEM((NSEG // N_TILES,), jnp.float32),
            pltpu.VMEM((NSEG // N_TILES,), jnp.float32),
            pltpu.VMEM_SHARED((N_TILES, NSEG), jnp.float32),
            pltpu.VMEM_SHARED((N_TILES, NSEG), jnp.float32),
            pltpu.VMEM_SHARED((NSEG,), jnp.float32),
            pltpu.VMEM_SHARED((NSEG,), jnp.float32),
        ],
    )(att_flat, row)

    w8 = w_flat.reshape(8, N_EDGES)

    out = pl.pallas_call(
        _out_body,
        grid=(N_EDGES // BLK,),
        in_specs=[
            pl.BlockSpec((BLK, D), lambda i: (i, 0)),
            pl.BlockSpec((8, BLK), lambda i: (0, i)),
            pl.BlockSpec((D, H * D), lambda i: (0, 0)),
            pl.BlockSpec((D, H * D), lambda i: (0, 0)),
            pl.BlockSpec((1, H * D), lambda i: (0, 0)),
            pl.BlockSpec((D, D), lambda i: (0, 0)),
            pl.BlockSpec((1, D), lambda i: (0, 0)),
            pl.BlockSpec((D, D), lambda i: (0, 0)),
            pl.BlockSpec((1, D), lambda i: (0, 0)),
        ],
        out_specs=pl.BlockSpec((BLK, D), lambda i: (i, 0)),
        out_shape=jax.ShapeDtypeStruct((N_EDGES, D), jnp.float32),
    )(Z, w8, wv_all, wg_all, bg_all, W1.astype(jnp.bfloat16),
      b1.reshape(1, D), W2.astype(jnp.bfloat16), b2.reshape(1, D))

    return out

# --- scband reference (transcript-rebuilt; emitter-appended) ---
"""Pipeline reference for scband-transformer-gcl-83236466196760 (READ-ONLY COPY).

The authoritative reference and input builder live on the scoring server;
editing this copy changes nothing except your own understanding.
"""

import jax, jax.numpy as jnp
import numpy as np

NUM_NODES = 10000
N_EDGES = 320000
D = 128
H = 4


def setup_inputs(seed: int = 0) -> dict:
    key = jax.random.key(seed)
    ks = jax.random.split(key, 12)
    Z = jax.random.normal(ks[0], (N_EDGES, D), dtype=jnp.float32)
    edges = jax.random.randint(ks[1], (2, N_EDGES), 0, NUM_NODES, dtype=jnp.int32)
    Wq = jax.random.normal(ks[2], (H, D, D), dtype=jnp.float32) * 0.05
    Wk = jax.random.normal(ks[3], (H, D, D), dtype=jnp.float32) * 0.05
    Wv = jax.random.normal(ks[4], (H, D, D), dtype=jnp.float32) * 0.05
    Wg = jax.random.normal(ks[5], (H, D, D), dtype=jnp.float32) * 0.05
    bg = jax.random.normal(ks[6], (H, D), dtype=jnp.float32) * 0.05
    W1 = jax.random.normal(ks[7], (D, D), dtype=jnp.float32) * 0.05
    b1 = jnp.zeros((D,), dtype=jnp.float32)
    W2 = jax.random.normal(ks[8], (D, D), dtype=jnp.float32) * 0.05
    b2 = jnp.zeros((D,), dtype=jnp.float32)
    return {"Z": Z, "edges": edges, "Wq": Wq, "Wk": Wk, "Wv": Wv, "Wg": Wg, "bg": bg, "W1": W1, "b1": b1, "W2": W2, "b2": b2}


def _scatter_softmax(att, row, num_segments):
    seg_max = jax.ops.segment_max(att, row, num_segments=num_segments)
    att_exp = jnp.exp(att - seg_max[row])
    seg_sum = jax.ops.segment_sum(att_exp, row, num_segments=num_segments)
    return att_exp / seg_sum[row]


def reference(Z, edges, Wq, Wk, Wv, Wg, bg, W1, b1, W2, b2):
    row = edges[0]
    inv_sqrt = 1.0 / np.sqrt(D)
    z_update = jnp.zeros_like(Z)
    for h in range(H):
        q = Z @ Wq[h]
        k = Z @ Wk[h]
        v = Z @ Wv[h]
        g = jax.nn.sigmoid(Z @ Wg[h] + bg[h])
        att = inv_sqrt * jnp.sum(q * k, axis=-1)
        att = _scatter_softmax(att, row, NUM_NODES)
        z_update = z_update + att[:, None] * v * g
    out = Z + z_update
    out = out + (jax.nn.gelu(out @ W1 + b1, approximate=False) @ W2 + b2)
    # dropout is identity in eval mode
    return out

if __name__ == "__main__":
    import jax
    _d = setup_inputs()
    print(jax.jit(kernel)(*tuple(_d.values())))

</pallas_src>

<mosaic_0001>
#map = affine_map<(d0, d1) -> (0)>
module attributes {stable_mosaic.version = 14 : i64} {
  func.func @_softmax_body(%arg0: i32, %arg1: i32, %arg2: memref<2560000xf32, #tpu.memory_space<hbm>>, %arg3: memref<320000xi32, #tpu.memory_space<hbm>>, %arg4: memref<2560000xf32, #tpu.memory_space<hbm>>, %arg5: memref<20000xf32, #tpu.memory_space<vmem>>, %arg6: memref<20000xf32, #tpu.memory_space<vmem>>, %arg7: memref<20000xi32, #tpu.memory_space<vmem>>, %arg8: memref<10240xf32, #tpu.memory_space<vmem>>, %arg9: memref<10240xf32, #tpu.memory_space<vmem>>, %arg10: memref<640xf32, #tpu.memory_space<vmem>>, %arg11: memref<640xf32, #tpu.memory_space<vmem>>, %arg12: memref<16x10240xf32, #tpu.memory_space<vmem_shared>>, %arg13: memref<16x10240xf32, #tpu.memory_space<vmem_shared>>, %arg14: memref<10240xf32, #tpu.memory_space<vmem_shared>>, %arg15: memref<10240xf32, #tpu.memory_space<vmem_shared>>) attributes {dimension_semantics = [#tpu.dimension_semantics<core_parallel>, #tpu.dimension_semantics<subcore_parallel>], iteration_bounds = array<i64: 2, 16>, scalar_prefetch = 0 : i64, scratch_operands = 11 : i64, tpu.core_type = #tpu.core_type<sc_vector_subcore>, window_params = [{transform_indices = #map}, {transform_indices = #map}, {transform_indices = #map}]} {
    %mul3A = arith.constant 20000 : i32
    %mul3A_0 = arith.muli %arg1, %mul3A : i32
    %mul3A_1 = arith.constant 2 : i32
    %mul3A_2 = arith.muli %mul3A_1, %arg0 : i32
    %mul3A_3 = arith.constant 320000 : i32
    %mul3A_4 = arith.muli %mul3A_2, %mul3A_3 : i32
    %add3A = arith.addi %mul3A_4, %mul3A_0 : i32
    %mul3A_5 = arith.constant 2 : i32
    %mul3A_6 = arith.muli %mul3A_5, %arg0 : i32
    %add3A_7 = arith.constant 1 : i32
    %add3A_8 = arith.addi %mul3A_6, %add3A_7 : i32
    %mul3A_9 = arith.constant 320000 : i32
    %mul3A_10 = arith.muli %add3A_8, %mul3A_9 : i32
    %add3A_11 = arith.addi %mul3A_10, %mul3A_0 : i32
    "tpu.region"() ({
      %run_scoped3A_305 = tpu.sem_alloc : memref<!tpu.dma_semaphore, #tpu.memory_space<semaphore_mem>>
      %dma_start3A = tpu.memref_slice %arg3[%mul3A_0] : memref<320000xi32, #tpu.memory_space<hbm>> -> memref<20000xi32, #tpu.memory_space<hbm>>
      %dma_start3A_306 = tpu.memref_slice %arg3[%mul3A_0] : memref<320000xi32, #tpu.memory_space<hbm>> -> memref<20000xi32, #tpu.memory_space<hbm>>
      tpu.enqueue_dma source(%dma_start3A_306 : memref<20000xi32, #tpu.memory_space<hbm>>) target(%arg7 : memref<20000xi32, #tpu.memory_space<vmem>>) target_semaphore(%run_scoped3A_305 : memref<!tpu.dma_semaphore, #tpu.memory_space<semaphore_mem>>)
      %dma_wait3A = tpu.memref_slice %arg3[%mul3A_0] : memref<320000xi32, #tpu.memory_space<hbm>> -> memref<20000xi32, #tpu.memory_space<hbm>>
      %dma_wait3A_307 = tpu.memref_slice %arg3[%mul3A_0] : memref<320000xi32, #tpu.memory_space<hbm>> -> memref<20000xi32, #tpu.memory_space<hbm>>
      tpu.wait_dma2 semaphore(%run_scoped3A_305 : memref<!tpu.dma_semaphore, #tpu.memory_space<semaphore_mem>>) src(%dma_wait3A_307 : memref<20000xi32, #tpu.memory_space<hbm>>) dst(%arg7 : memref<20000xi32, #tpu.memory_space<vmem>>)
      tpu.yield
    }) : () -> ()
    "tpu.region"() ({
      %run_scoped3A_305 = tpu.sem_alloc : memref<!tpu.dma_semaphore, #tpu.memory_space<semaphore_mem>>
      %dma_start3A = tpu.memref_slice %arg2[%add3A] : memref<2560000xf32, #tpu.memory_space<hbm>> -> memref<20000xf32, #tpu.memory_space<hbm>>
      %dma_start3A_306 = tpu.memref_slice %arg2[%add3A] : memref<2560000xf32, #tpu.memory_space<hbm>> -> memref<20000xf32, #tpu.memory_space<hbm>>
      tpu.enqueue_dma source(%dma_start3A_306 : memref<20000xf32, #tpu.memory_space<hbm>>) target(%arg5 : memref<20000xf32, #tpu.memory_space<vmem>>) target_semaphore(%run_scoped3A_305 : memref<!tpu.dma_semaphore, #tpu.memory_space<semaphore_mem>>)
      %dma_wait3A = tpu.memref_slice %arg2[%add3A] : memref<2560000xf32, #tpu.memory_space<hbm>> -> memref<20000xf32, #tpu.memory_space<hbm>>
      %dma_wait3A_307 = tpu.memref_slice %arg2[%add3A] : memref<2560000xf32, #tpu.memory_space<hbm>> -> memref<20000xf32, #tpu.memory_space<hbm>>
      tpu.wait_dma2 semaphore(%run_scoped3A_305 : memref<!tpu.dma_semaphore, #tpu.memory_space<semaphore_mem>>) src(%dma_wait3A_307 : memref<20000xf32, #tpu.memory_space<hbm>>) dst(%arg5 : memref<20000xf32, #tpu.memory_space<vmem>>)
      tpu.yield
    }) : () -> ()
    "tpu.region"() ({
      %run_scoped3A_305 = tpu.sem_alloc : memref<!tpu.dma_semaphore, #tpu.memory_space<semaphore_mem>>
      %dma_start3A = tpu.memref_slice %arg2[%add3A_11] : memref<2560000xf32, #tpu.memory_space<hbm>> -> memref<20000xf32, #tpu.memory_space<hbm>>
      %dma_start3A_306 = tpu.memref_slice %arg2[%add3A_11] : memref<2560000xf32, #tpu.memory_space<hbm>> -> memref<20000xf32, #tpu.memory_space<hbm>>
      tpu.enqueue_dma source(%dma_start3A_306 : memref<20000xf32, #tpu.memory_space<hbm>>) target(%arg6 : memref<20000xf32, #tpu.memory_space<vmem>>) target_semaphore(%run_scoped3A_305 : memref<!tpu.dma_semaphore, #tpu.memory_space<semaphore_mem>>)
      %dma_wait3A = tpu.memref_slice %arg2[%add3A_11] : memref<2560000xf32, #tpu.memory_space<hbm>> -> memref<20000xf32, #tpu.memory_space<hbm>>
      %dma_wait3A_307 = tpu.memref_slice %arg2[%add3A_11] : memref<2560000xf32, #tpu.memory_space<hbm>> -> memref<20000xf32, #tpu.memory_space<hbm>>
      tpu.wait_dma2 semaphore(%run_scoped3A_305 : memref<!tpu.dma_semaphore, #tpu.memory_space<semaphore_mem>>) src(%dma_wait3A_307 : memref<20000xf32, #tpu.memory_space<hbm>>) dst(%arg6 : memref<20000xf32, #tpu.memory_space<vmem>>)
      tpu.yield
    }) : () -> ()
    %broadcast_in_dim3A = arith.constant 0.000000e+00 : f32
    %broadcast_in_dim3A_12 = vector.broadcast %broadcast_in_dim3A : f32 to vector<16xf32>
    %scan3A = arith.constant 0 : i32
    %scan3A_13 = arith.constant 0 : i32
    %scan3A_14 = arith.constant 640 : i32
    %scan3A_15 = arith.addi %scan3A_13, %scan3A_14 : i32
    %scan3A_16 = arith.constant 1 : i32
    %scan3A_17 = scf.for %scan3A_305 = %scan3A_13 to %scan3A_15 step %scan3A_16 iter_args(%scan3A_306 = %scan3A) -> (i32)  : i32 {
      %mul3A_307 = arith.constant 16 : i32
      %mul3A_308 = arith.muli %scan3A_305, %mul3A_307 : i32
      %swap3A = arith.index_cast %mul3A_308 : i32 to index
      %swap3A_309 = tpu.vector_load %arg8[%swap3A] {strides = array<i32>} : memref<10240xf32, #tpu.memory_space<vmem>>, vector<16xf32>,
      tpu.vector_store %arg8[%swap3A], %broadcast_in_dim3A_12 {strides = array<i32>} : memref<10240xf32, #tpu.memory_space<vmem>>, vector<16xf32>,
      %mul3A_310 = arith.constant 16 : i32
      %mul3A_311 = arith.muli %scan3A_305, %mul3A_310 : i32
      %swap3A_312 = arith.index_cast %mul3A_311 : i32 to index
      %swap3A_313 = tpu.vector_load %arg9[%swap3A_312] {strides = array<i32>} : memref<10240xf32, #tpu.memory_space<vmem>>, vector<16xf32>,
      tpu.vector_store %arg9[%swap3A_312], %broadcast_in_dim3A_12 {strides = array<i32>} : memref<10240xf32, #tpu.memory_space<vmem>>, vector<16xf32>,
      %scan3A_314 = arith.constant 0 : i32
      scf.yield %scan3A_314 : i32
    }
    %scan3A_18 = arith.constant 640 : i32
    %scan3A_19 = arith.constant 0 : i32
    %scan3A_20 = arith.constant 0 : i32
    %scan3A_21 = arith.constant 1250 : i32
    %scan3A_22 = arith.addi %scan3A_20, %scan3A_21 : i32
    %scan3A_23 = arith.constant 1 : i32
    %scan3A_24 = scf.for %scan3A_305 = %scan3A_20 to %scan3A_22 step %scan3A_23 iter_args(%scan3A_306 = %scan3A_19) -> (i32)  : i32 {
      %mul3A_307 = arith.constant 16 : i32
      %mul3A_308 = arith.muli %scan3A_305, %mul3A_307 : i32
      %get3A = arith.index_cast %mul3A_308 : i32 to index
      %get3A_309 = tpu.vector_load %arg7[%get3A] {strides = array<i32>} : memref<20000xi32, #tpu.memory_space<vmem>>, vector<16xi32>,
      %get3A_310 = arith.index_cast %mul3A_308 : i32 to index
      %get3A_311 = tpu.vector_load %arg5[%get3A_310] {strides = array<i32>} : memref<20000xf32, #tpu.memory_space<vmem>>, vector<16xf32>,
      %exp3A = math.exp %get3A_311 : vector<16xf32>
      %swap3A = arith.index_cast %mul3A_308 : i32 to index
      %swap3A_312 = tpu.vector_load %arg5[%swap3A] {strides = array<i32>} : memref<20000xf32, #tpu.memory_space<vmem>>, vector<16xf32>,
      tpu.vector_store %arg5[%swap3A], %exp3A {strides = array<i32>} : memref<20000xf32, #tpu.memory_space<vmem>>, vector<16xf32>,
      tpu.vector_store_idx %arg8[%get3A_309], %exp3A {add = true} : memref<10240xf32, #tpu.memory_space<vmem>>[vector<16xi32>], vector<16xf32>,
      %get3A_313 = arith.index_cast %mul3A_308 : i32 to index
      %get3A_314 = tpu.vector_load %arg6[%get3A_313] {strides = array<i32>} : memref<20000xf32, #tpu.memory_space<vmem>>, vector<16xf32>,
      %exp3A_315 = math.exp %get3A_314 : vector<16xf32>
      %swap3A_316 = arith.index_cast %mul3A_308 : i32 to index
      %swap3A_317 = tpu.vector_load %arg6[%swap3A_316] {strides = array<i32>} : memref<20000xf32, #tpu.memory_space<vmem>>, vector<16xf32>,
      tpu.vector_store %arg6[%swap3A_316], %exp3A_315 {strides = array<i32>} : memref<20000xf32, #tpu.memory_space<vmem>>, vector<16xf32>,
      tpu.vector_store_idx %arg9[%get3A_309], %exp3A_315 {add = true} : memref<10240xf32, #tpu.memory_space<vmem>>[vector<16xi32>], vector<16xf32>,
      %scan3A_318 = arith.constant 0 : i32
      scf.yield %scan3A_318 : i32
    }
    %scan3A_25 = arith.constant 1250 : i32
    "tpu.region"() ({
      %run_scoped3A_305 = tpu.sem_alloc : memref<!tpu.dma_semaphore, #tpu.memory_space<semaphore_mem>>
      %dma_start3A = arith.constant 0 : i32
      %dma_start3A_306 = tpu.memref_slice %arg12[%arg1, %dma_start3A] : memref<16x10240xf32, #tpu.memory_space<vmem_shared>> -> memref<1x10240xf32, #tpu.memory_space<vmem_shared>>
      %dma_start3A_307 = tpu.memref_squeeze %dma_start3A_306 : memref<1x10240xf32, #tpu.memory_space<vmem_shared>> -> memref<10240xf32, #tpu.memory_space<vmem_shared>>
      %dma_start3A_308 = arith.constant 0 : i32
      %dma_start3A_309 = tpu.memref_slice %arg12[%arg1, %dma_start3A_308] : memref<16x10240xf32, #tpu.memory_space<vmem_shared>> -> memref<1x10240xf32, #tpu.memory_space<vmem_shared>>
      %dma_start3A_310 = tpu.memref_squeeze %dma_start3A_309 : memref<1x10240xf32, #tpu.memory_space<vmem_shared>> -> memref<10240xf32, #tpu.memory_space<vmem_shared>>
      tpu.enqueue_dma source(%arg8 : memref<10240xf32, #tpu.memory_space<vmem>>) target(%dma_start3A_310 : memref<10240xf32, #tpu.memory_space<vmem_shared>>) target_semaphore(%run_scoped3A_305 : memref<!tpu.dma_semaphore, #tpu.memory_space<semaphore_mem>>)
      %dma_wait3A = arith.constant 0 : i32
      %dma_wait3A_311 = tpu.memref_slice %arg12[%arg1, %dma_wait3A] : memref<16x10240xf32, #tpu.memory_space<vmem_shared>> -> memref<1x10240xf32, #tpu.memory_space<vmem_shared>>
      %dma_wait3A_312 = tpu.memref_squeeze %dma_wait3A_311 : memref<1x10240xf32, #tpu.memory_space<vmem_shared>> -> memref<10240xf32, #tpu.memory_space<vmem_shared>>
      %dma_wait3A_313 = arith.constant 0 : i32
      %dma_wait3A_314 = tpu.memref_slice %arg12[%arg1, %dma_wait3A_313] : memref<16x10240xf32, #tpu.memory_space<vmem_shared>> -> memref<1x10240xf32, #tpu.memory_space<vmem_shared>>
      %dma_wait3A_315 = tpu.memref_squeeze %dma_wait3A_314 : memref<1x10240xf32, #tpu.memory_space<vmem_shared>> -> memref<10240xf32, #tpu.memory_space<vmem_shared>>
      tpu.wait_dma2 semaphore(%run_scoped3A_305 : memref<!tpu.dma_semaphore, #tpu.memory_space<semaphore_mem>>) src(%arg8 : memref<10240xf32, #tpu.memory_space<vmem>>) dst(%dma_wait3A_315 : memref<10240xf32, #tpu.memory_space<vmem_shared>>)
      tpu.yield
    }) : () -> ()
    "tpu.region"() ({
      %run_scoped3A_305 = tpu.sem_alloc : memref<!tpu.dma_semaphore, #tpu.memory_space<semaphore_mem>>
      %dma_start3A = arith.constant 0 : i32
      %dma_start3A_306 = tpu.memref_slice %arg13[%arg1, %dma_start3A] : memref<16x10240xf32, #tpu.memory_space<vmem_shared>> -> memref<1x10240xf32, #tpu.memory_space<vmem_shared>>
      %dma_start3A_307 = tpu.memref_squeeze %dma_start3A_306 : memref<1x10240xf32, #tpu.memory_space<vmem_shared>> -> memref<10240xf32, #tpu.memory_space<vmem_shared>>
      %dma_start3A_308 = arith.constant 0 : i32
      %dma_start3A_309 = tpu.memref_slice %arg13[%arg1, %dma_start3A_308] : memref<16x10240xf32, #tpu.memory_space<vmem_shared>> -> memref<1x10240xf32, #tpu.memory_space<vmem_shared>>
      %dma_start3A_310 = tpu.memref_squeeze %dma_start3A_309 : memref<1x10240xf32, #tpu.memory_space<vmem_shared>> -> memref<10240xf32, #tpu.memory_space<vmem_shared>>
      tpu.enqueue_dma source(%arg9 : memref<10240xf32, #tpu.memory_space<vmem>>) target(%dma_start3A_310 : memref<10240xf32, #tpu.memory_space<vmem_shared>>) target_semaphore(%run_scoped3A_305 : memref<!tpu.dma_semaphore, #tpu.memory_space<semaphore_mem>>)
      %dma_wait3A = arith.constant 0 : i32
      %dma_wait3A_311 = tpu.memref_slice %arg13[%arg1, %dma_wait3A] : memref<16x10240xf32, #tpu.memory_space<vmem_shared>> -> memref<1x10240xf32, #tpu.memory_space<vmem_shared>>
      %dma_wait3A_312 = tpu.memref_squeeze %dma_wait3A_311 : memref<1x10240xf32, #tpu.memory_space<vmem_shared>> -> memref<10240xf32, #tpu.memory_space<vmem_shared>>
      %dma_wait3A_313 = arith.constant 0 : i32
      %dma_wait3A_314 = tpu.memref_slice %arg13[%arg1, %dma_wait3A_313] : memref<16x10240xf32, #tpu.memory_space<vmem_shared>> -> memref<1x10240xf32, #tpu.memory_space<vmem_shared>>
      %dma_wait3A_315 = tpu.memref_squeeze %dma_wait3A_314 : memref<1x10240xf32, #tpu.memory_space<vmem_shared>> -> memref<10240xf32, #tpu.memory_space<vmem_shared>>
      tpu.wait_dma2 semaphore(%run_scoped3A_305 : memref<!tpu.dma_semaphore, #tpu.memory_space<semaphore_mem>>) src(%arg9 : memref<10240xf32, #tpu.memory_space<vmem>>) dst(%dma_wait3A_315 : memref<10240xf32, #tpu.memory_space<vmem_shared>>)
      tpu.yield
    }) : () -> ()
    %barrier3A = arith.constant 0 : index
    tpu.barrier barrier_id(%barrier3A)
    %mul3A_26 = arith.constant 640 : i32
    %mul3A_27 = arith.muli %arg1, %mul3A_26 : i32
    %scan3A_28 = arith.constant 0 : i32
    %scan3A_29 = arith.constant 0 : i32
    %scan3A_30 = arith.constant 40 : i32
    %scan3A_31 = arith.addi %scan3A_29, %scan3A_30 : i32
    %scan3A_32 = arith.constant 1 : i32
    %scan3A_33 = scf.for %scan3A_305 = %scan3A_29 to %scan3A_31 step %scan3A_32 iter_args(%scan3A_306 = %scan3A_28) -> (i32)  : i32 {
      %mul3A_307 = arith.constant 16 : i32
      %mul3A_308 = arith.muli %scan3A_305, %mul3A_307 : i32
      %swap3A = arith.index_cast %mul3A_308 : i32 to index
      %swap3A_309 = tpu.vector_load %arg11[%swap3A] {strides = array<i32>} : memref<640xf32, #tpu.memory_space<vmem>>, vector<16xf32>,
      tpu.vector_store %arg11[%swap3A], %broadcast_in_dim3A_12 {strides = array<i32>} : memref<640xf32, #tpu.memory_space<vmem>>, vector<16xf32>,
      %scan3A_310 = arith.constant 0 : i32
      scf.yield %scan3A_310 : i32
    }
    %scan3A_34 = arith.constant 40 : i32
    %run_scoped3A = arith.constant 0 : i32
    "tpu.region"() ({
      %run_scoped3A_305 = tpu.sem_alloc : memref<!tpu.dma_semaphore, #tpu.memory_space<semaphore_mem>>
      %dma_start3A = tpu.memref_slice %arg12[%run_scoped3A, %mul3A_27] : memref<16x10240xf32, #tpu.memory_space<vmem_shared>> -> memref<1x640xf32, #tpu.memory_space<vmem_shared>>
      %dma_start3A_306 = tpu.memref_squeeze %dma_start3A : memref<1x640xf32, #tpu.memory_space<vmem_shared>> -> memref<640xf32, #tpu.memory_space<vmem_shared>>
      %dma_start3A_307 = tpu.memref_slice %arg12[%run_scoped3A, %mul3A_27] : memref<16x10240xf32, #tpu.memory_space<vmem_shared>> -> memref<1x640xf32, #tpu.memory_space<vmem_shared>>
      %dma_start3A_308 = tpu.memref_squeeze %dma_start3A_307 : memref<1x640xf32, #tpu.memory_space<vmem_shared>> -> memref<640xf32, #tpu.memory_space<vmem_shared>>
      tpu.enqueue_dma source(%dma_start3A_308 : memref<640xf32, #tpu.memory_space<vmem_shared>>) target(%arg10 : memref<640xf32, #tpu.memory_space<vmem>>) target_semaphore(%run_scoped3A_305 : memref<!tpu.dma_semaphore, #tpu.memory_space<semaphore_mem>>)
      %dma_wait3A = tpu.memref_slice %arg12[%run_scoped3A, %mul3A_27] : memref<16x10240xf32, #tpu.memory_space<vmem_shared>> -> memref<1x640xf32, #tpu.memory_space<vmem_shared>>
      %dma_wait3A_309 = tpu.memref_squeeze %dma_wait3A : memref<1x640xf32, #tpu.memory_space<vmem_shared>> -> memref<640xf32, #tpu.memory_space<vmem_shared>>
      %dma_wait3A_310 = tpu.memref_slice %arg12[%run_scoped3A, %mul3A_27] : memref<16x10240xf32, #tpu.memory_space<vmem_shared>> -> memref<1x640xf32, #tpu.memory_space<vmem_shared>>
      %dma_wait3A_311 = tpu.memref_squeeze %dma_wait3A_310 : memref<1x640xf32, #tpu.memory_space<vmem_shared>> -> memref<640xf32, #tpu.memory_space<vmem_shared>>
      tpu.wait_dma2 semaphore(%run_scoped3A_305 : memref<!tpu.dma_semaphore, #tpu.memory_space<semaphore_mem>>) src(%dma_wait3A_311 : memref<640xf32, #tpu.memory_space<vmem_shared>>) dst(%arg10 : memref<640xf32, #tpu.memory_space<vmem>>)
      tpu.yield
    }) : () -> ()
    %scan3A_35 = arith.constant 0 : i32
    %scan3A_36 = arith.constant 0 : i32
    %scan3A_37 = arith.constant 40 : i32
    %scan3A_38 = arith.addi %scan3A_36, %scan3A_37 : i32
    %scan3A_39 = arith.constant 1 : i32
    %scan3A_40 = scf.for %scan3A_305 = %scan3A_36 to %scan3A_38 step %scan3A_39 iter_args(%scan3A_306 = %scan3A_35) -> (i32)  : i32 {
      %mul3A_307 = arith.constant 16 : i32
      %mul3A_308 = arith.muli %scan3A_305, %mul3A_307 : i32
      %get3A = arith.index_cast %mul3A_308 : i32 to index
      %get3A_309 = tpu.vector_load %arg11[%get3A] {strides = array<i32>} : memref<640xf32, #tpu.memory_space<vmem>>, vector<16xf32>,
      %get3A_310 = arith.index_cast %mul3A_308 : i32 to index
      %get3A_311 = tpu.vector_load %arg10[%get3A_310] {strides = array<i32>} : memref<640xf32, #tpu.memory_space<vmem>>, vector<16xf32>,
      %add3A_312 = arith.addf %get3A_309, %get3A_311 : vector<16xf32>
      %swap3A = arith.index_cast %mul3A_308 : i32 to index
      %swap3A_313 = tpu.vector_load %arg11[%swap3A] {strides = array<i32>} : memref<640xf32, #tpu.memory_space<vmem>>, vector<16xf32>,
      tpu.vector_store %arg11[%swap3A], %add3A_312 {strides = array<i32>} : memref<640xf32, #tpu.memory_space<vmem>>, vector<16xf32>,
      %scan3A_314 = arith.constant 0 : i32
      scf.yield %scan3A_314 : i32
    }
    %scan3A_41 = arith.constant 40 : i32
    %run_scoped3A_42 = arith.constant 1 : i32
    "tpu.region"() ({
      %run_scoped3A_305 = tpu.sem_alloc : memref<!tpu.dma_semaphore, #tpu.memory_space<semaphore_mem>>
      %dma_start3A = tpu.memref_slice %arg12[%run_scoped3A_42, %mul3A_27] : memref<16x10240xf32, #tpu.memory_space<vmem_shared>> -> memref<1x640xf32, #tpu.memory_space<vmem_shared>>
      %dma_start3A_306 = tpu.memref_squeeze %dma_start3A : memref<1x640xf32, #tpu.memory_space<vmem_shared>> -> memref<640xf32, #tpu.memory_space<vmem_shared>>
      %dma_start3A_307 = tpu.memref_slice %arg12[%run_scoped3A_42, %mul3A_27] : memref<16x10240xf32, #tpu.memory_space<vmem_shared>> -> memref<1x640xf32, #tpu.memory_space<vmem_shared>>
      %dma_start3A_308 = tpu.memref_squeeze %dma_start3A_307 : memref<1x640xf32, #tpu.memory_space<vmem_shared>> -> memref<640xf32, #tpu.memory_space<vmem_shared>>
      tpu.enqueue_dma source(%dma_start3A_308 : memref<640xf32, #tpu.memory_space<vmem_shared>>) target(%arg10 : memref<640xf32, #tpu.memory_space<vmem>>) target_semaphore(%run_scoped3A_305 : memref<!tpu.dma_semaphore, #tpu.memory_space<semaphore_mem>>)
      %dma_wait3A = tpu.memref_slice %arg12[%run_scoped3A_42, %mul3A_27] : memref<16x10240xf32, #tpu.memory_space<vmem_shared>> -> memref<1x640xf32, #tpu.memory_space<vmem_shared>>
      %dma_wait3A_309 = tpu.memref_squeeze %dma_wait3A : memref<1x640xf32, #tpu.memory_space<vmem_shared>> -> memref<640xf32, #tpu.memory_space<vmem_shared>>
      %dma_wait3A_310 = tpu.memref_slice %arg12[%run_scoped3A_42, %mul3A_27] : memref<16x10240xf32, #tpu.memory_space<vmem_shared>> -> memref<1x640xf32, #tpu.memory_space<vmem_shared>>
      %dma_wait3A_311 = tpu.memref_squeeze %dma_wait3A_310 : memref<1x640xf32, #tpu.memory_space<vmem_shared>> -> memref<640xf32, #tpu.memory_space<vmem_shared>>
      tpu.wait_dma2 semaphore(%run_scoped3A_305 : memref<!tpu.dma_semaphore, #tpu.memory_space<semaphore_mem>>) src(%dma_wait3A_311 : memref<640xf32, #tpu.memory_space<vmem_shared>>) dst(%arg10 : memref<640xf32, #tpu.memory_space<vmem>>)
      tpu.yield
    }) : () -> ()
    %scan3A_43 = arith.constant 0 : i32
    %scan3A_44 = arith.constant 0 : i32
    %scan3A_45 = arith.constant 40 : i32
    %scan3A_46 = arith.addi %scan3A_44, %scan3A_45 : i32
    %scan3A_47 = arith.constant 1 : i32
    %scan3A_48 = scf.for %scan3A_305 = %scan3A_44 to %scan3A_46 step %scan3A_47 iter_args(%scan3A_306 = %scan3A_43) -> (i32)  : i32 {
      %mul3A_307 = arith.constant 16 : i32
      %mul3A_308 = arith.muli %scan3A_305, %mul3A_307 : i32
      %get3A = arith.index_cast %mul3A_308 : i32 to index
      %get3A_309 = tpu.vector_load %arg11[%get3A] {strides = array<i32>} : memref<640xf32, #tpu.memory_space<vmem>>, vector<16xf32>,
      %get3A_310 = arith.index_cast %mul3A_308 : i32 to index
      %get3A_311 = tpu.vector_load %arg10[%get3A_310] {strides = array<i32>} : memref<640xf32, #tpu.memory_space<vmem>>, vector<16xf32>,
      %add3A_312 = arith.addf %get3A_309, %get3A_311 : vector<16xf32>
      %swap3A = arith.index_cast %mul3A_308 : i32 to index
      %swap3A_313 = tpu.vector_load %arg11[%swap3A] {strides = array<i32>} : memref<640xf32, #tpu.memory_space<vmem>>, vector<16xf32>,
      tpu.vector_store %arg11[%swap3A], %add3A_312 {strides = array<i32>} : memref<640xf32, #tpu.memory_space<vmem>>, vector<16xf32>,
      %scan3A_314 = arith.constant 0 : i32
      scf.yield %scan3A_314 : i32
    }
    %scan3A_49 = arith.constant 40 : i32
    %run_scoped3A_50 = arith.constant 2 : i32
    "tpu.region"() ({
      %run_scoped3A_305 = tpu.sem_alloc : memref<!tpu.dma_semaphore, #tpu.memory_space<semaphore_mem>>
      %dma_start3A = tpu.memref_slice %arg12[%run_scoped3A_50, %mul3A_27] : memref<16x10240xf32, #tpu.memory_space<vmem_shared>> -> memref<1x640xf32, #tpu.memory_space<vmem_shared>>
      %dma_start3A_306 = tpu.memref_squeeze %dma_start3A : memref<1x640xf32, #tpu.memory_space<vmem_shared>> -> memref<640xf32, #tpu.memory_space<vmem_shared>>
      %dma_start3A_307 = tpu.memref_slice %arg12[%run_scoped3A_50, %mul3A_27] : memref<16x10240xf32, #tpu.memory_space<vmem_shared>> -> memref<1x640xf32, #tpu.memory_space<vmem_shared>>
      %dma_start3A_308 = tpu.memref_squeeze %dma_start3A_307 : memref<1x640xf32, #tpu.memory_space<vmem_shared>> -> memref<640xf32, #tpu.memory_space<vmem_shared>>
      tpu.enqueue_dma source(%dma_start3A_308 : memref<640xf32, #tpu.memory_space<vmem_shared>>) target(%arg10 : memref<640xf32, #tpu.memory_space<vmem>>) target_semaphore(%run_scoped3A_305 : memref<!tpu.dma_semaphore, #tpu.memory_space<semaphore_mem>>)
      %dma_wait3A = tpu.memref_slice %arg12[%run_scoped3A_50, %mul3A_27] : memref<16x10240xf32, #tpu.memory_space<vmem_shared>> -> memref<1x640xf32, #tpu.memory_space<vmem_shared>>
      %dma_wait3A_309 = tpu.memref_squeeze %dma_wait3A : memref<1x640xf32, #tpu.memory_space<vmem_shared>> -> memref<640xf32, #tpu.memory_space<vmem_shared>>
      %dma_wait3A_310 = tpu.memref_slice %arg12[%run_scoped3A_50, %mul3A_27] : memref<16x10240xf32, #tpu.memory_space<vmem_shared>> -> memref<1x640xf32, #tpu.memory_space<vmem_shared>>
      %dma_wait3A_311 = tpu.memref_squeeze %dma_wait3A_310 : memref<1x640xf32, #tpu.memory_space<vmem_shared>> -> memref<640xf32, #tpu.memory_space<vmem_shared>>
      tpu.wait_dma2 semaphore(%run_scoped3A_305 : memref<!tpu.dma_semaphore, #tpu.memory_space<semaphore_mem>>) src(%dma_wait3A_311 : memref<640xf32, #tpu.memory_space<vmem_shared>>) dst(%arg10 : memref<640xf32, #tpu.memory_space<vmem>>)
      tpu.yield
    }) : () -> ()
    %scan3A_51 = arith.constant 0 : i32
    %scan3A_52 = arith.constant 0 : i32
    %scan3A_53 = arith.constant 40 : i32
    %scan3A_54 = arith.addi %scan3A_52, %scan3A_53 : i32
    %scan3A_55 = arith.constant 1 : i32
    %scan3A_56 = scf.for %scan3A_305 = %scan3A_52 to %scan3A_54 step %scan3A_55 iter_args(%scan3A_306 = %scan3A_51) -> (i32)  : i32 {
      %mul3A_307 = arith.constant 16 : i32
      %mul3A_308 = arith.muli %scan3A_305, %mul3A_307 : i32
      %get3A = arith.index_cast %mul3A_308 : i32 to index
      %get3A_309 = tpu.vector_load %arg11[%get3A] {strides = array<i32>} : memref<640xf32, #tpu.memory_space<vmem>>, vector<16xf32>,
      %get3A_310 = arith.index_cast %mul3A_308 : i32 to index
      %get3A_311 = tpu.vector_load %arg10[%get3A_310] {strides = array<i32>} : memref<640xf32, #tpu.memory_space<vmem>>, vector<16xf32>,
      %add3A_312 = arith.addf %get3A_309, %get3A_311 : vector<16xf32>
      %swap3A = arith.index_cast %mul3A_308 : i32 to index
      %swap3A_313 = tpu.vector_load %arg11[%swap3A] {strides = array<i32>} : memref<640xf32, #tpu.memory_space<vmem>>, vector<16xf32>,
      tpu.vector_store %arg11[%swap3A], %add3A_312 {strides = array<i32>} : memref<640xf32, #tpu.memory_space<vmem>>, vector<16xf32>,
      %scan3A_314 = arith.constant 0 : i32
      scf.yield %scan3A_314 : i32
    }
    %scan3A_57 = arith.constant 40 : i32
    %run_scoped3A_58 = arith.constant 3 : i32
    "tpu.region"() ({
      %run_scoped3A_305 = tpu.sem_alloc : memref<!tpu.dma_semaphore, #tpu.memory_space<semaphore_mem>>
      %dma_start3A = tpu.memref_slice %arg12[%run_scoped3A_58, %mul3A_27] : memref<16x10240xf32, #tpu.memory_space<vmem_shared>> -> memref<1x640xf32, #tpu.memory_space<vmem_shared>>
      %dma_start3A_306 = tpu.memref_squeeze %dma_start3A : memref<1x640xf32, #tpu.memory_space<vmem_shared>> -> memref<640xf32, #tpu.memory_space<vmem_shared>>
      %dma_start3A_307 = tpu.memref_slice %arg12[%run_scoped3A_58, %mul3A_27] : memref<16x10240xf32, #tpu.memory_space<vmem_shared>> -> memref<1x640xf32, #tpu.memory_space<vmem_shared>>
      %dma_start3A_308 = tpu.memref_squeeze %dma_start3A_307 : memref<1x640xf32, #tpu.memory_space<vmem_shared>> -> memref<640xf32, #tpu.memory_space<vmem_shared>>
      tpu.enqueue_dma source(%dma_start3A_308 : memref<640xf32, #tpu.memory_space<vmem_shared>>) target(%arg10 : memref<640xf32, #tpu.memory_space<vmem>>) target_semaphore(%run_scoped3A_305 : memref<!tpu.dma_semaphore, #tpu.memory_space<semaphore_mem>>)
      %dma_wait3A = tpu.memref_slice %arg12[%run_scoped3A_58, %mul3A_27] : memref<16x10240xf32, #tpu.memory_space<vmem_shared>> -> memref<1x640xf32, #tpu.memory_space<vmem_shared>>
      %dma_wait3A_309 = tpu.memref_squeeze %dma_wait3A : memref<1x640xf32, #tpu.memory_space<vmem_shared>> -> memref<640xf32, #tpu.memory_space<vmem_shared>>
      %dma_wait3A_310 = tpu.memref_slice %arg12[%run_scoped3A_58, %mul3A_27] : memref<16x10240xf32, #tpu.memory_space<vmem_shared>> -> memref<1x640xf32, #tpu.memory_space<vmem_shared>>
      %dma_wait3A_311 = tpu.memref_squeeze %dma_wait3A_310 : memref<1x640xf32, #tpu.memory_space<vmem_shared>> -> memref<640xf32, #tpu.memory_space<vmem_shared>>
      tpu.wait_dma2 semaphore(%run_scoped3A_305 : memref<!tpu.dma_semaphore, #tpu.memory_space<semaphore_mem>>) src(%dma_wait3A_311 : memref<640xf32, #tpu.memory_space<vmem_shared>>) dst(%arg10 : memref<640xf32, #tpu.memory_space<vmem>>)
      tpu.yield
    }) : () -> ()
    %scan3A_59 = arith.constant 0 : i32
    %scan3A_60 = arith.constant 0 : i32
    %scan3A_61 = arith.constant 40 : i32
    %scan3A_62 = arith.addi %scan3A_60, %scan3A_61 : i32
    %scan3A_63 = arith.constant 1 : i32
    %scan3A_64 = scf.for %scan3A_305 = %scan3A_60 to %scan3A_62 step %scan3A_63 iter_args(%scan3A_306 = %scan3A_59) -> (i32)  : i32 {
      %mul3A_307 = arith.constant 16 : i32
      %mul3A_308 = arith.muli %scan3A_305, %mul3A_307 : i32
      %get3A = arith.index_cast %mul3A_308 : i32 to index
      %get3A_309 = tpu.vector_load %arg11[%get3A] {strides = array<i32>} : memref<640xf32, #tpu.memory_space<vmem>>, vector<16xf32>,
      %get3A_310 = arith.index_cast %mul3A_308 : i32 to index
      %get3A_311 = tpu.vector_load %arg10[%get3A_310] {strides = array<i32>} : memref<640xf32, #tpu.memory_space<vmem>>, vector<16xf32>,
      %add3A_312 = arith.addf %get3A_309, %get3A_311 : vector<16xf32>
      %swap3A = arith.index_cast %mul3A_308 : i32 to index
      %swap3A_313 = tpu.vector_load %arg11[%swap3A] {strides = array<i32>} : memref<640xf32, #tpu.memory_space<vmem>>, vector<16xf32>,
      tpu.vector_store %arg11[%swap3A], %add3A_312 {strides = array<i32>} : memref<640xf32, #tpu.memory_space<vmem>>, vector<16xf32>,
      %scan3A_314 = arith.constant 0 : i32
      scf.yield %scan3A_314 : i32
    }
    %scan3A_65 = arith.constant 40 : i32
    %run_scoped3A_66 = arith.constant 4 : i32
    "tpu.region"() ({
      %run_scoped3A_305 = tpu.sem_alloc : memref<!tpu.dma_semaphore, #tpu.memory_space<semaphore_mem>>
      %dma_start3A = tpu.memref_slice %arg12[%run_scoped3A_66, %mul3A_27] : memref<16x10240xf32, #tpu.memory_space<vmem_shared>> -> memref<1x640xf32, #tpu.memory_space<vmem_shared>>
      %dma_start3A_306 = tpu.memref_squeeze %dma_start3A : memref<1x640xf32, #tpu.memory_space<vmem_shared>> -> memref<640xf32, #tpu.memory_space<vmem_shared>>
      %dma_start3A_307 = tpu.memref_slice %arg12[%run_scoped3A_66, %mul3A_27] : memref<16x10240xf32, #tpu.memory_space<vmem_shared>> -> memref<1x640xf32, #tpu.memory_space<vmem_shared>>
      %dma_start3A_308 = tpu.memref_squeeze %dma_start3A_307 : memref<1x640xf32, #tpu.memory_space<vmem_shared>> -> memref<640xf32, #tpu.memory_space<vmem_shared>>
      tpu.enqueue_dma source(%dma_start3A_308 : memref<640xf32, #tpu.memory_space<vmem_shared>>) target(%arg10 : memref<640xf32, #tpu.memory_space<vmem>>) target_semaphore(%run_scoped3A_305 : memref<!tpu.dma_semaphore, #tpu.memory_space<semaphore_mem>>)
      %dma_wait3A = tpu.memref_slice %arg12[%run_scoped3A_66, %mul3A_27] : memref<16x10240xf32, #tpu.memory_space<vmem_shared>> -> memref<1x640xf32, #tpu.memory_space<vmem_shared>>
      %dma_wait3A_309 = tpu.memref_squeeze %dma_wait3A : memref<1x640xf32, #tpu.memory_space<vmem_shared>> -> memref<640xf32, #tpu.memory_space<vmem_shared>>
      %dma_wait3A_310 = tpu.memref_slice %arg12[%run_scoped3A_66, %mul3A_27] : memref<16x10240xf32, #tpu.memory_space<vmem_shared>> -> memref<1x640xf32, #tpu.memory_space<vmem_shared>>
      %dma_wait3A_311 = tpu.memref_squeeze %dma_wait3A_310 : memref<1x640xf32, #tpu.memory_space<vmem_shared>> -> memref<640xf32, #tpu.memory_space<vmem_shared>>
      tpu.wait_dma2 semaphore(%run_scoped3A_305 : memref<!tpu.dma_semaphore, #tpu.memory_space<semaphore_mem>>) src(%dma_wait3A_311 : memref<640xf32, #tpu.memory_space<vmem_shared>>) dst(%arg10 : memref<640xf32, #tpu.memory_space<vmem>>)
      tpu.yield
    }) : () -> ()
    %scan3A_67 = arith.constant 0 : i32
    %scan3A_68 = arith.constant 0 : i32
    %scan3A_69 = arith.constant 40 : i32
    %scan3A_70 = arith.addi %scan3A_68, %scan3A_69 : i32
    %scan3A_71 = arith.constant 1 : i32
    %scan3A_72 = scf.for %scan3A_305 = %scan3A_68 to %scan3A_70 step %scan3A_71 iter_args(%scan3A_306 = %scan3A_67) -> (i32)  : i32 {
      %mul3A_307 = arith.constant 16 : i32
      %mul3A_308 = arith.muli %scan3A_305, %mul3A_307 : i32
      %get3A = arith.index_cast %mul3A_308 : i32 to index
      %get3A_309 = tpu.vector_load %arg11[%get3A] {strides = array<i32>} : memref<640xf32, #tpu.memory_space<vmem>>, vector<16xf32>,
      %get3A_310 = arith.index_cast %mul3A_308 : i32 to index
      %get3A_311 = tpu.vector_load %arg10[%get3A_310] {strides = array<i32>} : memref<640xf32, #tpu.memory_space<vmem>>, vector<16xf32>,
      %add3A_312 = arith.addf %get3A_309, %get3A_311 : vector<16xf32>
      %swap3A = arith.index_cast %mul3A_308 : i32 to index
      %swap3A_313 = tpu.vector_load %arg11[%swap3A] {strides = array<i32>} : memref<640xf32, #tpu.memory_space<vmem>>, vector<16xf32>,
      tpu.vector_store %arg11[%swap3A], %add3A_312 {strides = array<i32>} : memref<640xf32, #tpu.memory_space<vmem>>, vector<16xf32>,
      %scan3A_314 = arith.constant 0 : i32
      scf.yield %scan3A_314 : i32
    }
    %scan3A_73 = arith.constant 40 : i32
    %run_scoped3A_74 = arith.constant 5 : i32
    "tpu.region"() ({
      %run_scoped3A_305 = tpu.sem_alloc : memref<!tpu.dma_semaphore, #tpu.memory_space<semaphore_mem>>
      %dma_start3A = tpu.memref_slice %arg12[%run_scoped3A_74, %mul3A_27] : memref<16x10240xf32, #tpu.memory_space<vmem_shared>> -> memref<1x640xf32, #tpu.memory_space<vmem_shared>>
      %dma_start3A_306 = tpu.memref_squeeze %dma_start3A : memref<1x640xf32, #tpu.memory_space<vmem_shared>> -> memref<640xf32, #tpu.memory_space<vmem_shared>>
      %dma_start3A_307 = tpu.memref_slice %arg12[%run_scoped3A_74, %mul3A_27] : memref<16x10240xf32, #tpu.memory_space<vmem_shared>> -> memref<1x640xf32, #tpu.memory_space<vmem_shared>>
      %dma_start3A_308 = tpu.memref_squeeze %dma_start3A_307 : memref<1x640xf32, #tpu.memory_space<vmem_shared>> -> memref<640xf32, #tpu.memory_space<vmem_shared>>
      tpu.enqueue_dma source(%dma_start3A_308 : memref<640xf32, #tpu.memory_space<vmem_shared>>) target(%arg10 : memref<640xf32, #tpu.memory_space<vmem>>) target_semaphore(%run_scoped3A_305 : memref<!tpu.dma_semaphore, #tpu.memory_space<semaphore_mem>>)
      %dma_wait3A = tpu.memref_slice %arg12[%run_scoped3A_74, %mul3A_27] : memref<16x10240xf32, #tpu.memory_space<vmem_shared>> -> memref<1x640xf32, #tpu.memory_space<vmem_shared>>
      %dma_wait3A_309 = tpu.memref_squeeze %dma_wait3A : memref<1x640xf32, #tpu.memory_space<vmem_shared>> -> memref<640xf32, #tpu.memory_space<vmem_shared>>
      %dma_wait3A_310 = tpu.memref_slice %arg12[%run_scoped3A_74, %mul3A_27] : memref<16x10240xf32, #tpu.memory_space<vmem_shared>> -> memref<1x640xf32, #tpu.memory_space<vmem_shared>>
      %dma_wait3A_311 = tpu.memref_squeeze %dma_wait3A_310 : memref<1x640xf32, #tpu.memory_space<vmem_shared>> -> memref<640xf32, #tpu.memory_space<vmem_shared>>
      tpu.wait_dma2 semaphore(%run_scoped3A_305 : memref<!tpu.dma_semaphore, #tpu.memory_space<semaphore_mem>>) src(%dma_wait3A_311 : memref<640xf32, #tpu.memory_space<vmem_shared>>) dst(%arg10 : memref<640xf32, #tpu.memory_space<vmem>>)
      tpu.yield
    }) : () -> ()
    %scan3A_75 = arith.constant 0 : i32
    %scan3A_76 = arith.constant 0 : i32
    %scan3A_77 = arith.constant 40 : i32
    %scan3A_78 = arith.addi %scan3A_76, %scan3A_77 : i32
    %scan3A_79 = arith.constant 1 : i32
    %scan3A_80 = scf.for %scan3A_305 = %scan3A_76 to %scan3A_78 step %scan3A_79 iter_args(%scan3A_306 = %scan3A_75) -> (i32)  : i32 {
      %mul3A_307 = arith.constant 16 : i32
      %mul3A_308 = arith.muli %scan3A_305, %mul3A_307 : i32
      %get3A = arith.index_cast %mul3A_308 : i32 to index
      %get3A_309 = tpu.vector_load %arg11[%get3A] {strides = array<i32>} : memref<640xf32, #tpu.memory_space<vmem>>, vector<16xf32>,
      %get3A_310 = arith.index_cast %mul3A_308 : i32 to index
      %get3A_311 = tpu.vector_load %arg10[%get3A_310] {strides = array<i32>} : memref<640xf32, #tpu.memory_space<vmem>>, vector<16xf32>,
      %add3A_312 = arith.addf %get3A_309, %get3A_311 : vector<16xf32>
      %swap3A = arith.index_cast %mul3A_308 : i32 to index
      %swap3A_313 = tpu.vector_load %arg11[%swap3A] {strides = array<i32>} : memref<640xf32, #tpu.memory_space<vmem>>, vector<16xf32>,
      tpu.vector_store %arg11[%swap3A], %add3A_312 {strides = array<i32>} : memref<640xf32, #tpu.memory_space<vmem>>, vector<16xf32>,
      %scan3A_314 = arith.constant 0 : i32
      scf.yield %scan3A_314 : i32
    }
    %scan3A_81 = arith.constant 40 : i32
    %run_scoped3A_82 = arith.constant 6 : i32
    "tpu.region"() ({
      %run_scoped3A_305 = tpu.sem_alloc : memref<!tpu.dma_semaphore, #tpu.memory_space<semaphore_mem>>
      %dma_start3A = tpu.memref_slice %arg12[%run_scoped3A_82, %mul3A_27] : memref<16x10240xf32, #tpu.memory_space<vmem_shared>> -> memref<1x640xf32, #tpu.memory_space<vmem_shared>>
      %dma_start3A_306 = tpu.memref_squeeze %dma_start3A : memref<1x640xf32, #tpu.memory_space<vmem_shared>> -> memref<640xf32, #tpu.memory_space<vmem_shared>>
      %dma_start3A_307 = tpu.memref_slice %arg12[%run_scoped3A_82, %mul3A_27] : memref<16x10240xf32, #tpu.memory_space<vmem_shared>> -> memref<1x640xf32, #tpu.memory_space<vmem_shared>>
      %dma_start3A_308 = tpu.memref_squeeze %dma_start3A_307 : memref<1x640xf32, #tpu.memory_space<vmem_shared>> -> memref<640xf32, #tpu.memory_space<vmem_shared>>
      tpu.enqueue_dma source(%dma_start3A_308 : memref<640xf32, #tpu.memory_space<vmem_shared>>) target(%arg10 : memref<640xf32, #tpu.memory_space<vmem>>) target_semaphore(%run_scoped3A_305 : memref<!tpu.dma_semaphore, #tpu.memory_space<semaphore_mem>>)
      %dma_wait3A = tpu.memref_slice %arg12[%run_scoped3A_82, %mul3A_27] : memref<16x10240xf32, #tpu.memory_space<vmem_shared>> -> memref<1x640xf32, #tpu.memory_space<vmem_shared>>
      %dma_wait3A_309 = tpu.memref_squeeze %dma_wait3A : memref<1x640xf32, #tpu.memory_space<vmem_shared>> -> memref<640xf32, #tpu.memory_space<vmem_shared>>
      %dma_wait3A_310 = tpu.memref_slice %arg12[%run_scoped3A_82, %mul3A_27] : memref<16x10240xf32, #tpu.memory_space<vmem_shared>> -> memref<1x640xf32, #tpu.memory_space<vmem_shared>>
      %dma_wait3A_311 = tpu.memref_squeeze %dma_wait3A_310 : memref<1x640xf32, #tpu.memory_space<vmem_shared>> -> memref<640xf32, #tpu.memory_space<vmem_shared>>
      tpu.wait_dma2 semaphore(%run_scoped3A_305 : memref<!tpu.dma_semaphore, #tpu.memory_space<semaphore_mem>>) src(%dma_wait3A_311 : memref<640xf32, #tpu.memory_space<vmem_shared>>) dst(%arg10 : memref<640xf32, #tpu.memory_space<vmem>>)
      tpu.yield
    }) : () -> ()
    %scan3A_83 = arith.constant 0 : i32
    %scan3A_84 = arith.constant 0 : i32
    %scan3A_85 = arith.constant 40 : i32
    %scan3A_86 = arith.addi %scan3A_84, %scan3A_85 : i32
    %scan3A_87 = arith.constant 1 : i32
    %scan3A_88 = scf.for %scan3A_305 = %scan3A_84 to %scan3A_86 step %scan3A_87 iter_args(%scan3A_306 = %scan3A_83) -> (i32)  : i32 {
      %mul3A_307 = arith.constant 16 : i32
      %mul3A_308 = arith.muli %scan3A_305, %mul3A_307 : i32
      %get3A = arith.index_cast %mul3A_308 : i32 to index
      %get3A_309 = tpu.vector_load %arg11[%get3A] {strides = array<i32>} : memref<640xf32, #tpu.memory_space<vmem>>, vector<16xf32>,
      %get3A_310 = arith.index_cast %mul3A_308 : i32 to index
      %get3A_311 = tpu.vector_load %arg10[%get3A_310] {strides = array<i32>} : memref<640xf32, #tpu.memory_space<vmem>>, vector<16xf32>,
      %add3A_312 = arith.addf %get3A_309, %get3A_311 : vector<16xf32>
      %swap3A = arith.index_cast %mul3A_308 : i32 to index
      %swap3A_313 = tpu.vector_load %arg11[%swap3A] {strides = array<i32>} : memref<640xf32, #tpu.memory_space<vmem>>, vector<16xf32>,
      tpu.vector_store %arg11[%swap3A], %add3A_312 {strides = array<i32>} : memref<640xf32, #tpu.memory_space<vmem>>, vector<16xf32>,
      %scan3A_314 = arith.constant 0 : i32
      scf.yield %scan3A_314 : i32
    }
    %scan3A_89 = arith.constant 40 : i32
    %run_scoped3A_90 = arith.constant 7 : i32
    "tpu.region"() ({
      %run_scoped3A_305 = tpu.sem_alloc : memref<!tpu.dma_semaphore, #tpu.memory_space<semaphore_mem>>
      %dma_start3A = tpu.memref_slice %arg12[%run_scoped3A_90, %mul3A_27] : memref<16x10240xf32, #tpu.memory_space<vmem_shared>> -> memref<1x640xf32, #tpu.memory_space<vmem_shared>>
      %dma_start3A_306 = tpu.memref_squeeze %dma_start3A : memref<1x640xf32, #tpu.memory_space<vmem_shared>> -> memref<640xf32, #tpu.memory_space<vmem_shared>>
      %dma_start3A_307 = tpu.memref_slice %arg12[%run_scoped3A_90, %mul3A_27] : memref<16x10240xf32, #tpu.memory_space<vmem_shared>> -> memref<1x640xf32, #tpu.memory_space<vmem_shared>>
      %dma_start3A_308 = tpu.memref_squeeze %dma_start3A_307 : memref<1x640xf32, #tpu.memory_space<vmem_shared>> -> memref<640xf32, #tpu.memory_space<vmem_shared>>
      tpu.enqueue_dma source(%dma_start3A_308 : memref<640xf32, #tpu.memory_space<vmem_shared>>) target(%arg10 : memref<640xf32, #tpu.memory_space<vmem>>) target_semaphore(%run_scoped3A_305 : memref<!tpu.dma_semaphore, #tpu.memory_space<semaphore_mem>>)
      %dma_wait3A = tpu.memref_slice %arg12[%run_scoped3A_90, %mul3A_27] : memref<16x10240xf32, #tpu.memory_space<vmem_shared>> -> memref<1x640xf32, #tpu.memory_space<vmem_shared>>
      %dma_wait3A_309 = tpu.memref_squeeze %dma_wait3A : memref<1x640xf32, #tpu.memory_space<vmem_shared>> -> memref<640xf32, #tpu.memory_space<vmem_shared>>
      %dma_wait3A_310 = tpu.memref_slice %arg12[%run_scoped3A_90, %mul3A_27] : memref<16x10240xf32, #tpu.memory_space<vmem_shared>> -> memref<1x640xf32, #tpu.memory_space<vmem_shared>>
      %dma_wait3A_311 = tpu.memref_squeeze %dma_wait3A_310 : memref<1x640xf32, #tpu.memory_space<vmem_shared>> -> memref<640xf32, #tpu.memory_space<vmem_shared>>
      tpu.wait_dma2 semaphore(%run_scoped3A_305 : memref<!tpu.dma_semaphore, #tpu.memory_space<semaphore_mem>>) src(%dma_wait3A_311 : memref<640xf32, #tpu.memory_space<vmem_shared>>) dst(%arg10 : memref<640xf32, #tpu.memory_space<vmem>>)
      tpu.yield
    }) : () -> ()
    %scan3A_91 = arith.constant 0 : i32
    %scan3A_92 = arith.constant 0 : i32
    %scan3A_93 = arith.constant 40 : i32
    %scan3A_94 = arith.addi %scan3A_92, %scan3A_93 : i32
    %scan3A_95 = arith.constant 1 : i32
    %scan3A_96 = scf.for %scan3A_305 = %scan3A_92 to %scan3A_94 step %scan3A_95 iter_args(%scan3A_306 = %scan3A_91) -> (i32)  : i32 {
      %mul3A_307 = arith.constant 16 : i32
      %mul3A_308 = arith.muli %scan3A_305, %mul3A_307 : i32
      %get3A = arith.index_cast %mul3A_308 : i32 to index
      %get3A_309 = tpu.vector_load %arg11[%get3A] {strides = array<i32>} : memref<640xf32, #tpu.memory_space<vmem>>, vector<16xf32>,
      %get3A_310 = arith.index_cast %mul3A_308 : i32 to index
      %get3A_311 = tpu.vector_load %arg10[%get3A_310] {strides = array<i32>} : memref<640xf32, #tpu.memory_space<vmem>>, vector<16xf32>,
      %add3A_312 = arith.addf %get3A_309, %get3A_311 : vector<16xf32>
      %swap3A = arith.index_cast %mul3A_308 : i32 to index
      %swap3A_313 = tpu.vector_load %arg11[%swap3A] {strides = array<i32>} : memref<640xf32, #tpu.memory_space<vmem>>, vector<16xf32>,
      tpu.vector_store %arg11[%swap3A], %add3A_312 {strides = array<i32>} : memref<640xf32, #tpu.memory_space<vmem>>, vector<16xf32>,
      %scan3A_314 = arith.constant 0 : i32
      scf.yield %scan3A_314 : i32
    }
    %scan3A_97 = arith.constant 40 : i32
    %run_scoped3A_98 = arith.constant 8 : i32
    "tpu.region"() ({
      %run_scoped3A_305 = tpu.sem_alloc : memref<!tpu.dma_semaphore, #tpu.memory_space<semaphore_mem>>
      %dma_start3A = tpu.memref_slice %arg12[%run_scoped3A_98, %mul3A_27] : memref<16x10240xf32, #tpu.memory_space<vmem_shared>> -> memref<1x640xf32, #tpu.memory_space<vmem_shared>>
      %dma_start3A_306 = tpu.memref_squeeze %dma_start3A : memref<1x640xf32, #tpu.memory_space<vmem_shared>> -> memref<640xf32, #tpu.memory_space<vmem_shared>>
      %dma_start3A_307 = tpu.memref_slice %arg12[%run_scoped3A_98, %mul3A_27] : memref<16x10240xf32, #tpu.memory_space<vmem_shared>> -> memref<1x640xf32, #tpu.memory_space<vmem_shared>>
      %dma_start3A_308 = tpu.memref_squeeze %dma_start3A_307 : memref<1x640xf32, #tpu.memory_space<vmem_shared>> -> memref<640xf32, #tpu.memory_space<vmem_shared>>
      tpu.enqueue_dma source(%dma_start3A_308 : memref<640xf32, #tpu.memory_space<vmem_shared>>) target(%arg10 : memref<640xf32, #tpu.memory_space<vmem>>) target_semaphore(%run_scoped3A_305 : memref<!tpu.dma_semaphore, #tpu.memory_space<semaphore_mem>>)
      %dma_wait3A = tpu.memref_slice %arg12[%run_scoped3A_98, %mul3A_27] : memref<16x10240xf32, #tpu.memory_space<vmem_shared>> -> memref<1x640xf32, #tpu.memory_space<vmem_shared>>
      %dma_wait3A_309 = tpu.memref_squeeze %dma_wait3A : memref<1x640xf32, #tpu.memory_space<vmem_shared>> -> memref<640xf32, #tpu.memory_space<vmem_shared>>
      %dma_wait3A_310 = tpu.memref_slice %arg12[%run_scoped3A_98, %mul3A_27] : memref<16x10240xf32, #tpu.memory_space<vmem_shared>> -> memref<1x640xf32, #tpu.memory_space<vmem_shared>>
      %dma_wait3A_311 = tpu.memref_squeeze %dma_wait3A_310 : memref<1x640xf32, #tpu.memory_space<vmem_shared>> -> memref<640xf32, #tpu.memory_space<vmem_shared>>
      tpu.wait_dma2 semaphore(%run_scoped3A_305 : memref<!tpu.dma_semaphore, #tpu.memory_space<semaphore_mem>>) src(%dma_wait3A_311 : memref<640xf32, #tpu.memory_space<vmem_shared>>) dst(%arg10 : memref<640xf32, #tpu.memory_space<vmem>>)
      tpu.yield
    }) : () -> ()
    %scan3A_99 = arith.constant 0 : i32
    %scan3A_100 = arith.constant 0 : i32
    %scan3A_101 = arith.constant 40 : i32
    %scan3A_102 = arith.addi %scan3A_100, %scan3A_101 : i32
    %scan3A_103 = arith.constant 1 : i32
    %scan3A_104 = scf.for %scan3A_305 = %scan3A_100 to %scan3A_102 step %scan3A_103 iter_args(%scan3A_306 = %scan3A_99) -> (i32)  : i32 {
      %mul3A_307 = arith.constant 16 : i32
      %mul3A_308 = arith.muli %scan3A_305, %mul3A_307 : i32
      %get3A = arith.index_cast %mul3A_308 : i32 to index
      %get3A_309 = tpu.vector_load %arg11[%get3A] {strides = array<i32>} : memref<640xf32, #tpu.memory_space<vmem>>, vector<16xf32>,
      %get3A_310 = arith.index_cast %mul3A_308 : i32 to index
      %get3A_311 = tpu.vector_load %arg10[%get3A_310] {strides = array<i32>} : memref<640xf32, #tpu.memory_space<vmem>>, vector<16xf32>,
      %add3A_312 = arith.addf %get3A_309, %get3A_311 : vector<16xf32>
      %swap3A = arith.index_cast %mul3A_308 : i32 to index
      %swap3A_313 = tpu.vector_load %arg11[%swap3A] {strides = array<i32>} : memref<640xf32, #tpu.memory_space<vmem>>, vector<16xf32>,
      tpu.vector_store %arg11[%swap3A], %add3A_312 {strides = array<i32>} : memref<640xf32, #tpu.memory_space<vmem>>, vector<16xf32>,
      %scan3A_314 = arith.constant 0 : i32
      scf.yield %scan3A_314 : i32
    }
    %scan3A_105 = arith.constant 40 : i32
    %run_scoped3A_106 = arith.constant 9 : i32
    "tpu.region"() ({
      %run_scoped3A_305 = tpu.sem_alloc : memref<!tpu.dma_semaphore, #tpu.memory_space<semaphore_mem>>
      %dma_start3A = tpu.memref_slice %arg12[%run_scoped3A_106, %mul3A_27] : memref<16x10240xf32, #tpu.memory_space<vmem_shared>> -> memref<1x640xf32, #tpu.memory_space<vmem_shared>>
      %dma_start3A_306 = tpu.memref_squeeze %dma_start3A : memref<1x640xf32, #tpu.memory_space<vmem_shared>> -> memref<640xf32, #tpu.memory_space<vmem_shared>>
      %dma_start3A_307 = tpu.memref_slice %arg12[%run_scoped3A_106, %mul3A_27] : memref<16x10240xf32, #tpu.memory_space<vmem_shared>> -> memref<1x640xf32, #tpu.memory_space<vmem_shared>>
      %dma_start3A_308 = tpu.memref_squeeze %dma_start3A_307 : memref<1x640xf32, #tpu.memory_space<vmem_shared>> -> memref<640xf32, #tpu.memory_space<vmem_shared>>
      tpu.enqueue_dma source(%dma_start3A_308 : memref<640xf32, #tpu.memory_space<vmem_shared>>) target(%arg10 : memref<640xf32, #tpu.memory_space<vmem>>) target_semaphore(%run_scoped3A_305 : memref<!tpu.dma_semaphore, #tpu.memory_space<semaphore_mem>>)
      %dma_wait3A = tpu.memref_slice %arg12[%run_scoped3A_106, %mul3A_27] : memref<16x10240xf32, #tpu.memory_space<vmem_shared>> -> memref<1x640xf32, #tpu.memory_space<vmem_shared>>
      %dma_wait3A_309 = tpu.memref_squeeze %dma_wait3A : memref<1x640xf32, #tpu.memory_space<vmem_shared>> -> memref<640xf32, #tpu.memory_space<vmem_shared>>
      %dma_wait3A_310 = tpu.memref_slice %arg12[%run_scoped3A_106, %mul3A_27] : memref<16x10240xf32, #tpu.memory_space<vmem_shared>> -> memref<1x640xf32, #tpu.memory_space<vmem_shared>>
      %dma_wait3A_311 = tpu.memref_squeeze %dma_wait3A_310 : memref<1x640xf32, #tpu.memory_space<vmem_shared>> -> memref<640xf32, #tpu.memory_space<vmem_shared>>
      tpu.wait_dma2 semaphore(%run_scoped3A_305 : memref<!tpu.dma_semaphore, #tpu.memory_space<semaphore_mem>>) src(%dma_wait3A_311 : memref<640xf32, #tpu.memory_space<vmem_shared>>) dst(%arg10 : memref<640xf32, #tpu.memory_space<vmem>>)
      tpu.yield
    }) : () -> ()
    %scan3A_107 = arith.constant 0 : i32
    %scan3A_108 = arith.constant 0 : i32
    %scan3A_109 = arith.constant 40 : i32
    %scan3A_110 = arith.addi %scan3A_108, %scan3A_109 : i32
    %scan3A_111 = arith.constant 1 : i32
    %scan3A_112 = scf.for %scan3A_305 = %scan3A_108 to %scan3A_110 step %scan3A_111 iter_args(%scan3A_306 = %scan3A_107) -> (i32)  : i32 {
      %mul3A_307 = arith.constant 16 : i32
      %mul3A_308 = arith.muli %scan3A_305, %mul3A_307 : i32
      %get3A = arith.index_cast %mul3A_308 : i32 to index
      %get3A_309 = tpu.vector_load %arg11[%get3A] {strides = array<i32>} : memref<640xf32, #tpu.memory_space<vmem>>, vector<16xf32>,
      %get3A_310 = arith.index_cast %mul3A_308 : i32 to index
      %get3A_311 = tpu.vector_load %arg10[%get3A_310] {strides = array<i32>} : memref<640xf32, #tpu.memory_space<vmem>>, vector<16xf32>,
      %add3A_312 = arith.addf %get3A_309, %get3A_311 : vector<16xf32>
      %swap3A = arith.index_cast %mul3A_308 : i32 to index
      %swap3A_313 = tpu.vector_load %arg11[%swap3A] {strides = array<i32>} : memref<640xf32, #tpu.memory_space<vmem>>, vector<16xf32>,
      tpu.vector_store %arg11[%swap3A], %add3A_312 {strides = array<i32>} : memref<640xf32, #tpu.memory_space<vmem>>, vector<16xf32>,
      %scan3A_314 = arith.constant 0 : i32
      scf.yield %scan3A_314 : i32
    }
    %scan3A_113 = arith.constant 40 : i32
    %run_scoped3A_114 = arith.constant 10 : i32
    "tpu.region"() ({
      %run_scoped3A_305 = tpu.sem_alloc : memref<!tpu.dma_semaphore, #tpu.memory_space<semaphore_mem>>
      %dma_start3A = tpu.memref_slice %arg12[%run_scoped3A_114, %mul3A_27] : memref<16x10240xf32, #tpu.memory_space<vmem_shared>> -> memref<1x640xf32, #tpu.memory_space<vmem_shared>>
      %dma_start3A_306 = tpu.memref_squeeze %dma_start3A : memref<1x640xf32, #tpu.memory_space<vmem_shared>> -> memref<640xf32, #tpu.memory_space<vmem_shared>>
      %dma_start3A_307 = tpu.memref_slice %arg12[%run_scoped3A_114, %mul3A_27] : memref<16x10240xf32, #tpu.memory_space<vmem_shared>> -> memref<1x640xf32, #tpu.memory_space<vmem_shared>>
      %dma_start3A_308 = tpu.memref_squeeze %dma_start3A_307 : memref<1x640xf32, #tpu.memory_space<vmem_shared>> -> memref<640xf32, #tpu.memory_space<vmem_shared>>
      tpu.enqueue_dma source(%dma_start3A_308 : memref<640xf32, #tpu.memory_space<vmem_shared>>) target(%arg10 : memref<640xf32, #tpu.memory_space<vmem>>) target_semaphore(%run_scoped3A_305 : memref<!tpu.dma_semaphore, #tpu.memory_space<semaphore_mem>>)
      %dma_wait3A = tpu.memref_slice %arg12[%run_scoped3A_114, %mul3A_27] : memref<16x10240xf32, #tpu.memory_space<vmem_shared>> -> memref<1x640xf32, #tpu.memory_space<vmem_shared>>
      %dma_wait3A_309 = tpu.memref_squeeze %dma_wait3A : memref<1x640xf32, #tpu.memory_space<vmem_shared>> -> memref<640xf32, #tpu.memory_space<vmem_shared>>
      %dma_wait3A_310 = tpu.memref_slice %arg12[%run_scoped3A_114, %mul3A_27] : memref<16x10240xf32, #tpu.memory_space<vmem_shared>> -> memref<1x640xf32, #tpu.memory_space<vmem_shared>>
      %dma_wait3A_311 = tpu.memref_squeeze %dma_wait3A_310 : memref<1x640xf32, #tpu.memory_space<vmem_shared>> -> memref<640xf32, #tpu.memory_space<vmem_shared>>
      tpu.wait_dma2 semaphore(%run_scoped3A_305 : memref<!tpu.dma_semaphore, #tpu.memory_space<semaphore_mem>>) src(%dma_wait3A_311 : memref<640xf32, #tpu.memory_space<vmem_shared>>) dst(%arg10 : memref<640xf32, #tpu.memory_space<vmem>>)
      tpu.yield
    }) : () -> ()
    %scan3A_115 = arith.constant 0 : i32
    %scan3A_116 = arith.constant 0 : i32
    %scan3A_117 = arith.constant 40 : i32
    %scan3A_118 = arith.addi %scan3A_116, %scan3A_117 : i32
    %scan3A_119 = arith.constant 1 : i32
    %scan3A_120 = scf.for %scan3A_305 = %scan3A_116 to %scan3A_118 step %scan3A_119 iter_args(%scan3A_306 = %scan3A_115) -> (i32)  : i32 {
      %mul3A_307 = arith.constant 16 : i32
      %mul3A_308 = arith.muli %scan3A_305, %mul3A_307 : i32
      %get3A = arith.index_cast %mul3A_308 : i32 to index
      %get3A_309 = tpu.vector_load %arg11[%get3A] {strides = array<i32>} : memref<640xf32, #tpu.memory_space<vmem>>, vector<16xf32>,
      %get3A_310 = arith.index_cast %mul3A_308 : i32 to index
      %get3A_311 = tpu.vector_load %arg10[%get3A_310] {strides = array<i32>} : memref<640xf32, #tpu.memory_space<vmem>>, vector<16xf32>,
      %add3A_312 = arith.addf %get3A_309, %get3A_311 : vector<16xf32>
      %swap3A = arith.index_cast %mul3A_308 : i32 to index
      %swap3A_313 = tpu.vector_load %arg11[%swap3A] {strides = array<i32>} : memref<640xf32, #tpu.memory_space<vmem>>, vector<16xf32>,
      tpu.vector_store %arg11[%swap3A], %add3A_312 {strides = array<i32>} : memref<640xf32, #tpu.memory_space<vmem>>, vector<16xf32>,
      %scan3A_314 = arith.constant 0 : i32
      scf.yield %scan3A_314 : i32
    }
    %scan3A_121 = arith.constant 40 : i32
    %run_scoped3A_122 = arith.constant 11 : i32
    "tpu.region"() ({
      %run_scoped3A_305 = tpu.sem_alloc : memref<!tpu.dma_semaphore, #tpu.memory_space<semaphore_mem>>
      %dma_start3A = tpu.memref_slice %arg12[%run_scoped3A_122, %mul3A_27] : memref<16x10240xf32, #tpu.memory_space<vmem_shared>> -> memref<1x640xf32, #tpu.memory_space<vmem_shared>>
      %dma_start3A_306 = tpu.memref_squeeze %dma_start3A : memref<1x640xf32, #tpu.memory_space<vmem_shared>> -> memref<640xf32, #tpu.memory_space<vmem_shared>>
      %dma_start3A_307 = tpu.memref_slice %arg12[%run_scoped3A_122, %mul3A_27] : memref<16x10240xf32, #tpu.memory_space<vmem_shared>> -> memref<1x640xf32, #tpu.memory_space<vmem_shared>>
      %dma_start3A_308 = tpu.memref_squeeze %dma_start3A_307 : memref<1x640xf32, #tpu.memory_space<vmem_shared>> -> memref<640xf32, #tpu.memory_space<vmem_shared>>
      tpu.enqueue_dma source(%dma_start3A_308 : memref<640xf32, #tpu.memory_space<vmem_shared>>) target(%arg10 : memref<640xf32, #tpu.memory_space<vmem>>) target_semaphore(%run_scoped3A_305 : memref<!tpu.dma_semaphore, #tpu.memory_space<semaphore_mem>>)
      %dma_wait3A = tpu.memref_slice %arg12[%run_scoped3A_122, %mul3A_27] : memref<16x10240xf32, #tpu.memory_space<vmem_shared>> -> memref<1x640xf32, #tpu.memory_space<vmem_shared>>
      %dma_wait3A_309 = tpu.memref_squeeze %dma_wait3A : memref<1x640xf32, #tpu.memory_space<vmem_shared>> -> memref<640xf32, #tpu.memory_space<vmem_shared>>
      %dma_wait3A_310 = tpu.memref_slice %arg12[%run_scoped3A_122, %mul3A_27] : memref<16x10240xf32, #tpu.memory_space<vmem_shared>> -> memref<1x640xf32, #tpu.memory_space<vmem_shared>>
      %dma_wait3A_311 = tpu.memref_squeeze %dma_wait3A_310 : memref<1x640xf32, #tpu.memory_space<vmem_shared>> -> memref<640xf32, #tpu.memory_space<vmem_shared>>
      tpu.wait_dma2 semaphore(%run_scoped3A_305 : memref<!tpu.dma_semaphore, #tpu.memory_space<semaphore_mem>>) src(%dma_wait3A_311 : memref<640xf32, #tpu.memory_space<vmem_shared>>) dst(%arg10 : memref<640xf32, #tpu.memory_space<vmem>>)
      tpu.yield
    }) : () -> ()
    %scan3A_123 = arith.constant 0 : i32
    %scan3A_124 = arith.constant 0 : i32
    %scan3A_125 = arith.constant 40 : i32
    %scan3A_126 = arith.addi %scan3A_124, %scan3A_125 : i32
    %scan3A_127 = arith.constant 1 : i32
    %scan3A_128 = scf.for %scan3A_305 = %scan3A_124 to %scan3A_126 step %scan3A_127 iter_args(%scan3A_306 = %scan3A_123) -> (i32)  : i32 {
      %mul3A_307 = arith.constant 16 : i32
      %mul3A_308 = arith.muli %scan3A_305, %mul3A_307 : i32
      %get3A = arith.index_cast %mul3A_308 : i32 to index
      %get3A_309 = tpu.vector_load %arg11[%get3A] {strides = array<i32>} : memref<640xf32, #tpu.memory_space<vmem>>, vector<16xf32>,
      %get3A_310 = arith.index_cast %mul3A_308 : i32 to index
      %get3A_311 = tpu.vector_load %arg10[%get3A_310] {strides = array<i32>} : memref<640xf32, #tpu.memory_space<vmem>>, vector<16xf32>,
      %add3A_312 = arith.addf %get3A_309, %get3A_311 : vector<16xf32>
      %swap3A = arith.index_cast %mul3A_308 : i32 to index
      %swap3A_313 = tpu.vector_load %arg11[%swap3A] {strides = array<i32>} : memref<640xf32, #tpu.memory_space<vmem>>, vector<16xf32>,
      tpu.vector_store %arg11[%swap3A], %add3A_312 {strides = array<i32>} : memref<640xf32, #tpu.memory_space<vmem>>, vector<16xf32>,
      %scan3A_314 = arith.constant 0 : i32
      scf.yield %scan3A_314 : i32
    }
    %scan3A_129 = arith.constant 40 : i32
    %run_scoped3A_130 = arith.constant 12 : i32
    "tpu.region"() ({
      %run_scoped3A_305 = tpu.sem_alloc : memref<!tpu.dma_semaphore, #tpu.memory_space<semaphore_mem>>
      %dma_start3A = tpu.memref_slice %arg12[%run_scoped3A_130, %mul3A_27] : memref<16x10240xf32, #tpu.memory_space<vmem_shared>> -> memref<1x640xf32, #tpu.memory_space<vmem_shared>>
      %dma_start3A_306 = tpu.memref_squeeze %dma_start3A : memref<1x640xf32, #tpu.memory_space<vmem_shared>> -> memref<640xf32, #tpu.memory_space<vmem_shared>>
      %dma_start3A_307 = tpu.memref_slice %arg12[%run_scoped3A_130, %mul3A_27] : memref<16x10240xf32, #tpu.memory_space<vmem_shared>> -> memref<1x640xf32, #tpu.memory_space<vmem_shared>>
      %dma_start3A_308 = tpu.memref_squeeze %dma_start3A_307 : memref<1x640xf32, #tpu.memory_space<vmem_shared>> -> memref<640xf32, #tpu.memory_space<vmem_shared>>
      tpu.enqueue_dma source(%dma_start3A_308 : memref<640xf32, #tpu.memory_space<vmem_shared>>) target(%arg10 : memref<640xf32, #tpu.memory_space<vmem>>) target_semaphore(%run_scoped3A_305 : memref<!tpu.dma_semaphore, #tpu.memory_space<semaphore_mem>>)
      %dma_wait3A = tpu.memref_slice %arg12[%run_scoped3A_130, %mul3A_27] : memref<16x10240xf32, #tpu.memory_space<vmem_shared>> -> memref<1x640xf32, #tpu.memory_space<vmem_shared>>
      %dma_wait3A_309 = tpu.memref_squeeze %dma_wait3A : memref<1x640xf32, #tpu.memory_space<vmem_shared>> -> memref<640xf32, #tpu.memory_space<vmem_shared>>
      %dma_wait3A_310 = tpu.memref_slice %arg12[%run_scoped3A_130, %mul3A_27] : memref<16x10240xf32, #tpu.memory_space<vmem_shared>> -> memref<1x640xf32, #tpu.memory_space<vmem_shared>>
      %dma_wait3A_311 = tpu.memref_squeeze %dma_wait3A_310 : memref<1x640xf32, #tpu.memory_space<vmem_shared>> -> memref<640xf32, #tpu.memory_space<vmem_shared>>
      tpu.wait_dma2 semaphore(%run_scoped3A_305 : memref<!tpu.dma_semaphore, #tpu.memory_space<semaphore_mem>>) src(%dma_wait3A_311 : memref<640xf32, #tpu.memory_space<vmem_shared>>) dst(%arg10 : memref<640xf32, #tpu.memory_space<vmem>>)
      tpu.yield
    }) : () -> ()
    %scan3A_131 = arith.constant 0 : i32
    %scan3A_132 = arith.constant 0 : i32
    %scan3A_133 = arith.constant 40 : i32
    %scan3A_134 = arith.addi %scan3A_132, %scan3A_133 : i32
    %scan3A_135 = arith.constant 1 : i32
    %scan3A_136 = scf.for %scan3A_305 = %scan3A_132 to %scan3A_134 step %scan3A_135 iter_args(%scan3A_306 = %scan3A_131) -> (i32)  : i32 {
      %mul3A_307 = arith.constant 16 : i32
      %mul3A_308 = arith.muli %scan3A_305, %mul3A_307 : i32
      %get3A = arith.index_cast %mul3A_308 : i32 to index
      %get3A_309 = tpu.vector_load %arg11[%get3A] {strides = array<i32>} : memref<640xf32, #tpu.memory_space<vmem>>, vector<16xf32>,
      %get3A_310 = arith.index_cast %mul3A_308 : i32 to index
      %get3A_311 = tpu.vector_load %arg10[%get3A_310] {strides = array<i32>} : memref<640xf32, #tpu.memory_space<vmem>>, vector<16xf32>,
      %add3A_312 = arith.addf %get3A_309, %get3A_311 : vector<16xf32>
      %swap3A = arith.index_cast %mul3A_308 : i32 to index
      %swap3A_313 = tpu.vector_load %arg11[%swap3A] {strides = array<i32>} : memref<640xf32, #tpu.memory_space<vmem>>, vector<16xf32>,
      tpu.vector_store %arg11[%swap3A], %add3A_312 {strides = array<i32>} : memref<640xf32, #tpu.memory_space<vmem>>, vector<16xf32>,
      %scan3A_314 = arith.constant 0 : i32
      scf.yield %scan3A_314 : i32
    }
    %scan3A_137 = arith.constant 40 : i32
    %run_scoped3A_138 = arith.constant 13 : i32
    "tpu.region"() ({
      %run_scoped3A_305 = tpu.sem_alloc : memref<!tpu.dma_semaphore, #tpu.memory_space<semaphore_mem>>
      %dma_start3A = tpu.memref_slice %arg12[%run_scoped3A_138, %mul3A_27] : memref<16x10240xf32, #tpu.memory_space<vmem_shared>> -> memref<1x640xf32, #tpu.memory_space<vmem_shared>>
      %dma_start3A_306 = tpu.memref_squeeze %dma_start3A : memref<1x640xf32, #tpu.memory_space<vmem_shared>> -> memref<640xf32, #tpu.memory_space<vmem_shared>>
      %dma_start3A_307 = tpu.memref_slice %arg12[%run_scoped3A_138, %mul3A_27] : memref<16x10240xf32, #tpu.memory_space<vmem_shared>> -> memref<1x640xf32, #tpu.memory_space<vmem_shared>>
      %dma_start3A_308 = tpu.memref_squeeze %dma_start3A_307 : memref<1x640xf32, #tpu.memory_space<vmem_shared>> -> memref<640xf32, #tpu.memory_space<vmem_shared>>
      tpu.enqueue_dma source(%dma_start3A_308 : memref<640xf32, #tpu.memory_space<vmem_shared>>) target(%arg10 : memref<640xf32, #tpu.memory_space<vmem>>) target_semaphore(%run_scoped3A_305 : memref<!tpu.dma_semaphore, #tpu.memory_space<semaphore_mem>>)
      %dma_wait3A = tpu.memref_slice %arg12[%run_scoped3A_138, %mul3A_27] : memref<16x10240xf32, #tpu.memory_space<vmem_shared>> -> memref<1x640xf32, #tpu.memory_space<vmem_shared>>
      %dma_wait3A_309 = tpu.memref_squeeze %dma_wait3A : memref<1x640xf32, #tpu.memory_space<vmem_shared>> -> memref<640xf32, #tpu.memory_space<vmem_shared>>
      %dma_wait3A_310 = tpu.memref_slice %arg12[%run_scoped3A_138, %mul3A_27] : memref<16x10240xf32, #tpu.memory_space<vmem_shared>> -> memref<1x640xf32, #tpu.memory_space<vmem_shared>>
      %dma_wait3A_311 = tpu.memref_squeeze %dma_wait3A_310 : memref<1x640xf32, #tpu.memory_space<vmem_shared>> -> memref<640xf32, #tpu.memory_space<vmem_shared>>
      tpu.wait_dma2 semaphore(%run_scoped3A_305 : memref<!tpu.dma_semaphore, #tpu.memory_space<semaphore_mem>>) src(%dma_wait3A_311 : memref<640xf32, #tpu.memory_space<vmem_shared>>) dst(%arg10 : memref<640xf32, #tpu.memory_space<vmem>>)
      tpu.yield
    }) : () -> ()
    %scan3A_139 = arith.constant 0 : i32
    %scan3A_140 = arith.constant 0 : i32
    %scan3A_141 = arith.constant 40 : i32
    %scan3A_142 = arith.addi %scan3A_140, %scan3A_141 : i32
    %scan3A_143 = arith.constant 1 : i32
    %scan3A_144 = scf.for %scan3A_305 = %scan3A_140 to %scan3A_142 step %scan3A_143 iter_args(%scan3A_306 = %scan3A_139) -> (i32)  : i32 {
      %mul3A_307 = arith.constant 16 : i32
      %mul3A_308 = arith.muli %scan3A_305, %mul3A_307 : i32
      %get3A = arith.index_cast %mul3A_308 : i32 to index
      %get3A_309 = tpu.vector_load %arg11[%get3A] {strides = array<i32>} : memref<640xf32, #tpu.memory_space<vmem>>, vector<16xf32>,
      %get3A_310 = arith.index_cast %mul3A_308 : i32 to index
      %get3A_311 = tpu.vector_load %arg10[%get3A_310] {strides = array<i32>} : memref<640xf32, #tpu.memory_space<vmem>>, vector<16xf32>,
      %add3A_312 = arith.addf %get3A_309, %get3A_311 : vector<16xf32>
      %swap3A = arith.index_cast %mul3A_308 : i32 to index
      %swap3A_313 = tpu.vector_load %arg11[%swap3A] {strides = array<i32>} : memref<640xf32, #tpu.memory_space<vmem>>, vector<16xf32>,
      tpu.vector_store %arg11[%swap3A], %add3A_312 {strides = array<i32>} : memref<640xf32, #tpu.memory_space<vmem>>, vector<16xf32>,
      %scan3A_314 = arith.constant 0 : i32
      scf.yield %scan3A_314 : i32
    }
    %scan3A_145 = arith.constant 40 : i32
    %run_scoped3A_146 = arith.constant 14 : i32
    "tpu.region"() ({
      %run_scoped3A_305 = tpu.sem_alloc : memref<!tpu.dma_semaphore, #tpu.memory_space<semaphore_mem>>
      %dma_start3A = tpu.memref_slice %arg12[%run_scoped3A_146, %mul3A_27] : memref<16x10240xf32, #tpu.memory_space<vmem_shared>> -> memref<1x640xf32, #tpu.memory_space<vmem_shared>>
      %dma_start3A_306 = tpu.memref_squeeze %dma_start3A : memref<1x640xf32, #tpu.memory_space<vmem_shared>> -> memref<640xf32, #tpu.memory_space<vmem_shared>>
      %dma_start3A_307 = tpu.memref_slice %arg12[%run_scoped3A_146, %mul3A_27] : memref<16x10240xf32, #tpu.memory_space<vmem_shared>> -> memref<1x640xf32, #tpu.memory_space<vmem_shared>>
      %dma_start3A_308 = tpu.memref_squeeze %dma_start3A_307 : memref<1x640xf32, #tpu.memory_space<vmem_shared>> -> memref<640xf32, #tpu.memory_space<vmem_shared>>
      tpu.enqueue_dma source(%dma_start3A_308 : memref<640xf32, #tpu.memory_space<vmem_shared>>) target(%arg10 : memref<640xf32, #tpu.memory_space<vmem>>) target_semaphore(%run_scoped3A_305 : memref<!tpu.dma_semaphore, #tpu.memory_space<semaphore_mem>>)
      %dma_wait3A = tpu.memref_slice %arg12[%run_scoped3A_146, %mul3A_27] : memref<16x10240xf32, #tpu.memory_space<vmem_shared>> -> memref<1x640xf32, #tpu.memory_space<vmem_shared>>
      %dma_wait3A_309 = tpu.memref_squeeze %dma_wait3A : memref<1x640xf32, #tpu.memory_space<vmem_shared>> -> memref<640xf32, #tpu.memory_space<vmem_shared>>
      %dma_wait3A_310 = tpu.memref_slice %arg12[%run_scoped3A_146, %mul3A_27] : memref<16x10240xf32, #tpu.memory_space<vmem_shared>> -> memref<1x640xf32, #tpu.memory_space<vmem_shared>>
      %dma_wait3A_311 = tpu.memref_squeeze %dma_wait3A_310 : memref<1x640xf32, #tpu.memory_space<vmem_shared>> -> memref<640xf32, #tpu.memory_space<vmem_shared>>
      tpu.wait_dma2 semaphore(%run_scoped3A_305 : memref<!tpu.dma_semaphore, #tpu.memory_space<semaphore_mem>>) src(%dma_wait3A_311 : memref<640xf32, #tpu.memory_space<vmem_shared>>) dst(%arg10 : memref<640xf32, #tpu.memory_space<vmem>>)
      tpu.yield
    }) : () -> ()
    %scan3A_147 = arith.constant 0 : i32
    %scan3A_148 = arith.constant 0 : i32
    %scan3A_149 = arith.constant 40 : i32
    %scan3A_150 = arith.addi %scan3A_148, %scan3A_149 : i32
    %scan3A_151 = arith.constant 1 : i32
    %scan3A_152 = scf.for %scan3A_305 = %scan3A_148 to %scan3A_150 step %scan3A_151 iter_args(%scan3A_306 = %scan3A_147) -> (i32)  : i32 {
      %mul3A_307 = arith.constant 16 : i32
      %mul3A_308 = arith.muli %scan3A_305, %mul3A_307 : i32
      %get3A = arith.index_cast %mul3A_308 : i32 to index
      %get3A_309 = tpu.vector_load %arg11[%get3A] {strides = array<i32>} : memref<640xf32, #tpu.memory_space<vmem>>, vector<16xf32>,
      %get3A_310 = arith.index_cast %mul3A_308 : i32 to index
      %get3A_311 = tpu.vector_load %arg10[%get3A_310] {strides = array<i32>} : memref<640xf32, #tpu.memory_space<vmem>>, vector<16xf32>,
      %add3A_312 = arith.addf %get3A_309, %get3A_311 : vector<16xf32>
      %swap3A = arith.index_cast %mul3A_308 : i32 to index
      %swap3A_313 = tpu.vector_load %arg11[%swap3A] {strides = array<i32>} : memref<640xf32, #tpu.memory_space<vmem>>, vector<16xf32>,
      tpu.vector_store %arg11[%swap3A], %add3A_312 {strides = array<i32>} : memref<640xf32, #tpu.memory_space<vmem>>, vector<16xf32>,
      %scan3A_314 = arith.constant 0 : i32
      scf.yield %scan3A_314 : i32
    }
    %scan3A_153 = arith.constant 40 : i32
    %run_scoped3A_154 = arith.constant 15 : i32
    "tpu.region"() ({
      %run_scoped3A_305 = tpu.sem_alloc : memref<!tpu.dma_semaphore, #tpu.memory_space<semaphore_mem>>
      %dma_start3A = tpu.memref_slice %arg12[%run_scoped3A_154, %mul3A_27] : memref<16x10240xf32, #tpu.memory_space<vmem_shared>> -> memref<1x640xf32, #tpu.memory_space<vmem_shared>>
      %dma_start3A_306 = tpu.memref_squeeze %dma_start3A : memref<1x640xf32, #tpu.memory_space<vmem_shared>> -> memref<640xf32, #tpu.memory_space<vmem_shared>>
      %dma_start3A_307 = tpu.memref_slice %arg12[%run_scoped3A_154, %mul3A_27] : memref<16x10240xf32, #tpu.memory_space<vmem_shared>> -> memref<1x640xf32, #tpu.memory_space<vmem_shared>>
      %dma_start3A_308 = tpu.memref_squeeze %dma_start3A_307 : memref<1x640xf32, #tpu.memory_space<vmem_shared>> -> memref<640xf32, #tpu.memory_space<vmem_shared>>
      tpu.enqueue_dma source(%dma_start3A_308 : memref<640xf32, #tpu.memory_space<vmem_shared>>) target(%arg10 : memref<640xf32, #tpu.memory_space<vmem>>) target_semaphore(%run_scoped3A_305 : memref<!tpu.dma_semaphore, #tpu.memory_space<semaphore_mem>>)
      %dma_wait3A = tpu.memref_slice %arg12[%run_scoped3A_154, %mul3A_27] : memref<16x10240xf32, #tpu.memory_space<vmem_shared>> -> memref<1x640xf32, #tpu.memory_space<vmem_shared>>
      %dma_wait3A_309 = tpu.memref_squeeze %dma_wait3A : memref<1x640xf32, #tpu.memory_space<vmem_shared>> -> memref<640xf32, #tpu.memory_space<vmem_shared>>
      %dma_wait3A_310 = tpu.memref_slice %arg12[%run_scoped3A_154, %mul3A_27] : memref<16x10240xf32, #tpu.memory_space<vmem_shared>> -> memref<1x640xf32, #tpu.memory_space<vmem_shared>>
      %dma_wait3A_311 = tpu.memref_squeeze %dma_wait3A_310 : memref<1x640xf32, #tpu.memory_space<vmem_shared>> -> memref<640xf32, #tpu.memory_space<vmem_shared>>
      tpu.wait_dma2 semaphore(%run_scoped3A_305 : memref<!tpu.dma_semaphore, #tpu.memory_space<semaphore_mem>>) src(%dma_wait3A_311 : memref<640xf32, #tpu.memory_space<vmem_shared>>) dst(%arg10 : memref<640xf32, #tpu.memory_space<vmem>>)
      tpu.yield
    }) : () -> ()
    %scan3A_155 = arith.constant 0 : i32
    %scan3A_156 = arith.constant 0 : i32
    %scan3A_157 = arith.constant 40 : i32
    %scan3A_158 = arith.addi %scan3A_156, %scan3A_157 : i32
    %scan3A_159 = arith.constant 1 : i32
    %scan3A_160 = scf.for %scan3A_305 = %scan3A_156 to %scan3A_158 step %scan3A_159 iter_args(%scan3A_306 = %scan3A_155) -> (i32)  : i32 {
      %mul3A_307 = arith.constant 16 : i32
      %mul3A_308 = arith.muli %scan3A_305, %mul3A_307 : i32
      %get3A = arith.index_cast %mul3A_308 : i32 to index
      %get3A_309 = tpu.vector_load %arg11[%get3A] {strides = array<i32>} : memref<640xf32, #tpu.memory_space<vmem>>, vector<16xf32>,
      %get3A_310 = arith.index_cast %mul3A_308 : i32 to index
      %get3A_311 = tpu.vector_load %arg10[%get3A_310] {strides = array<i32>} : memref<640xf32, #tpu.memory_space<vmem>>, vector<16xf32>,
      %add3A_312 = arith.addf %get3A_309, %get3A_311 : vector<16xf32>
      %swap3A = arith.index_cast %mul3A_308 : i32 to index
      %swap3A_313 = tpu.vector_load %arg11[%swap3A] {strides = array<i32>} : memref<640xf32, #tpu.memory_space<vmem>>, vector<16xf32>,
      tpu.vector_store %arg11[%swap3A], %add3A_312 {strides = array<i32>} : memref<640xf32, #tpu.memory_space<vmem>>, vector<16xf32>,
      %scan3A_314 = arith.constant 0 : i32
      scf.yield %scan3A_314 : i32
    }
    %scan3A_161 = arith.constant 40 : i32
    "tpu.region"() ({
      %run_scoped3A_305 = tpu.sem_alloc : memref<!tpu.dma_semaphore, #tpu.memory_space<semaphore_mem>>
      %dma_start3A = tpu.memref_slice %arg14[%mul3A_27] : memref<10240xf32, #tpu.memory_space<vmem_shared>> -> memref<640xf32, #tpu.memory_space<vmem_shared>>
      %dma_start3A_306 = tpu.memref_slice %arg14[%mul3A_27] : memref<10240xf32, #tpu.memory_space<vmem_shared>> -> memref<640xf32, #tpu.memory_space<vmem_shared>>
      tpu.enqueue_dma source(%arg11 : memref<640xf32, #tpu.memory_space<vmem>>) target(%dma_start3A_306 : memref<640xf32, #tpu.memory_space<vmem_shared>>) target_semaphore(%run_scoped3A_305 : memref<!tpu.dma_semaphore, #tpu.memory_space<semaphore_mem>>)
      %dma_wait3A = tpu.memref_slice %arg14[%mul3A_27] : memref<10240xf32, #tpu.memory_space<vmem_shared>> -> memref<640xf32, #tpu.memory_space<vmem_shared>>
      %dma_wait3A_307 = tpu.memref_slice %arg14[%mul3A_27] : memref<10240xf32, #tpu.memory_space<vmem_shared>> -> memref<640xf32, #tpu.memory_space<vmem_shared>>
      tpu.wait_dma2 semaphore(%run_scoped3A_305 : memref<!tpu.dma_semaphore, #tpu.memory_space<semaphore_mem>>) src(%arg11 : memref<640xf32, #tpu.memory_space<vmem>>) dst(%dma_wait3A_307 : memref<640xf32, #tpu.memory_space<vmem_shared>>)
      tpu.yield
    }) : () -> ()
    %scan3A_162 = arith.constant 0 : i32
    %scan3A_163 = arith.constant 0 : i32
    %scan3A_164 = arith.constant 40 : i32
    %scan3A_165 = arith.addi %scan3A_163, %scan3A_164 : i32
    %scan3A_166 = arith.constant 1 : i32
    %scan3A_167 = scf.for %scan3A_305 = %scan3A_163 to %scan3A_165 step %scan3A_166 iter_args(%scan3A_306 = %scan3A_162) -> (i32)  : i32 {
      %mul3A_307 = arith.constant 16 : i32
      %mul3A_308 = arith.muli %scan3A_305, %mul3A_307 : i32
      %swap3A = arith.index_cast %mul3A_308 : i32 to index
      %swap3A_309 = tpu.vector_load %arg11[%swap3A] {strides = array<i32>} : memref<640xf32, #tpu.memory_space<vmem>>, vector<16xf32>,
      tpu.vector_store %arg11[%swap3A], %broadcast_in_dim3A_12 {strides = array<i32>} : memref<640xf32, #tpu.memory_space<vmem>>, vector<16xf32>,
      %scan3A_310 = arith.constant 0 : i32
      scf.yield %scan3A_310 : i32
    }
    %scan3A_168 = arith.constant 40 : i32
    %run_scoped3A_169 = arith.constant 0 : i32
    "tpu.region"() ({
      %run_scoped3A_305 = tpu.sem_alloc : memref<!tpu.dma_semaphore, #tpu.memory_space<semaphore_mem>>
      %dma_start3A = tpu.memref_slice %arg13[%run_scoped3A_169, %mul3A_27] : memref<16x10240xf32, #tpu.memory_space<vmem_shared>> -> memref<1x640xf32, #tpu.memory_space<vmem_shared>>
      %dma_start3A_306 = tpu.memref_squeeze %dma_start3A : memref<1x640xf32, #tpu.memory_space<vmem_shared>> -> memref<640xf32, #tpu.memory_space<vmem_shared>>
      %dma_start3A_307 = tpu.memref_slice %arg13[%run_scoped3A_169, %mul3A_27] : memref<16x10240xf32, #tpu.memory_space<vmem_shared>> -> memref<1x640xf32, #tpu.memory_space<vmem_shared>>
      %dma_start3A_308 = tpu.memref_squeeze %dma_start3A_307 : memref<1x640xf32, #tpu.memory_space<vmem_shared>> -> memref<640xf32, #tpu.memory_space<vmem_shared>>
      tpu.enqueue_dma source(%dma_start3A_308 : memref<640xf32, #tpu.memory_space<vmem_shared>>) target(%arg10 : memref<640xf32, #tpu.memory_space<vmem>>) target_semaphore(%run_scoped3A_305 : memref<!tpu.dma_semaphore, #tpu.memory_space<semaphore_mem>>)
      %dma_wait3A = tpu.memref_slice %arg13[%run_scoped3A_169, %mul3A_27] : memref<16x10240xf32, #tpu.memory_space<vmem_shared>> -> memref<1x640xf32, #tpu.memory_space<vmem_shared>>
      %dma_wait3A_309 = tpu.memref_squeeze %dma_wait3A : memref<1x640xf32, #tpu.memory_space<vmem_shared>> -> memref<640xf32, #tpu.memory_space<vmem_shared>>
      %dma_wait3A_310 = tpu.memref_slice %arg13[%run_scoped3A_169, %mul3A_27] : memref<16x10240xf32, #tpu.memory_space<vmem_shared>> -> memref<1x640xf32, #tpu.memory_space<vmem_shared>>
      %dma_wait3A_311 = tpu.memref_squeeze %dma_wait3A_310 : memref<1x640xf32, #tpu.memory_space<vmem_shared>> -> memref<640xf32, #tpu.memory_space<vmem_shared>>
      tpu.wait_dma2 semaphore(%run_scoped3A_305 : memref<!tpu.dma_semaphore, #tpu.memory_space<semaphore_mem>>) src(%dma_wait3A_311 : memref<640xf32, #tpu.memory_space<vmem_shared>>) dst(%arg10 : memref<640xf32, #tpu.memory_space<vmem>>)
      tpu.yield
    }) : () -> ()
    %scan3A_170 = arith.constant 0 : i32
    %scan3A_171 = arith.constant 0 : i32
    %scan3A_172 = arith.constant 40 : i32
    %scan3A_173 = arith.addi %scan3A_171, %scan3A_172 : i32
    %scan3A_174 = arith.constant 1 : i32
    %scan3A_175 = scf.for %scan3A_305 = %scan3A_171 to %scan3A_173 step %scan3A_174 iter_args(%scan3A_306 = %scan3A_170) -> (i32)  : i32 {
      %mul3A_307 = arith.constant 16 : i32
      %mul3A_308 = arith.muli %scan3A_305, %mul3A_307 : i32
      %get3A = arith.index_cast %mul3A_308 : i32 to index
      %get3A_309 = tpu.vector_load %arg11[%get3A] {strides = array<i32>} : memref<640xf32, #tpu.memory_space<vmem>>, vector<16xf32>,
      %get3A_310 = arith.index_cast %mul3A_308 : i32 to index
      %get3A_311 = tpu.vector_load %arg10[%get3A_310] {strides = array<i32>} : memref<640xf32, #tpu.memory_space<vmem>>, vector<16xf32>,
      %add3A_312 = arith.addf %get3A_309, %get3A_311 : vector<16xf32>
      %swap3A = arith.index_cast %mul3A_308 : i32 to index
      %swap3A_313 = tpu.vector_load %arg11[%swap3A] {strides = array<i32>} : memref<640xf32, #tpu.memory_space<vmem>>, vector<16xf32>,
      tpu.vector_store %arg11[%swap3A], %add3A_312 {strides = array<i32>} : memref<640xf32, #tpu.memory_space<vmem>>, vector<16xf32>,
      %scan3A_314 = arith.constant 0 : i32
      scf.yield %scan3A_314 : i32
    }
    %scan3A_176 = arith.constant 40 : i32
    %run_scoped3A_177 = arith.constant 1 : i32
    "tpu.region"() ({
      %run_scoped3A_305 = tpu.sem_alloc : memref<!tpu.dma_semaphore, #tpu.memory_space<semaphore_mem>>
      %dma_start3A = tpu.memref_slice %arg13[%run_scoped3A_177, %mul3A_27] : memref<16x10240xf32, #tpu.memory_space<vmem_shared>> -> memref<1x640xf32, #tpu.memory_space<vmem_shared>>
      %dma_start3A_306 = tpu.memref_squeeze %dma_start3A : memref<1x640xf32, #tpu.memory_space<vmem_shared>> -> memref<640xf32, #tpu.memory_space<vmem_shared>>
      %dma_start3A_307 = tpu.memref_slice %arg13[%run_scoped3A_177, %mul3A_27] : memref<16x10240xf32, #tpu.memory_space<vmem_shared>> -> memref<1x640xf32, #tpu.memory_space<vmem_shared>>
      %dma_start3A_308 = tpu.memref_squeeze %dma_start3A_307 : memref<1x640xf32, #tpu.memory_space<vmem_shared>> -> memref<640xf32, #tpu.memory_space<vmem_shared>>
      tpu.enqueue_dma source(%dma_start3A_308 : memref<640xf32, #tpu.memory_space<vmem_shared>>) target(%arg10 : memref<640xf32, #tpu.memory_space<vmem>>) target_semaphore(%run_scoped3A_305 : memref<!tpu.dma_semaphore, #tpu.memory_space<semaphore_mem>>)
      %dma_wait3A = tpu.memref_slice %arg13[%run_scoped3A_177, %mul3A_27] : memref<16x10240xf32, #tpu.memory_space<vmem_shared>> -> memref<1x640xf32, #tpu.memory_space<vmem_shared>>
      %dma_wait3A_309 = tpu.memref_squeeze %dma_wait3A : memref<1x640xf32, #tpu.memory_space<vmem_shared>> -> memref<640xf32, #tpu.memory_space<vmem_shared>>
      %dma_wait3A_310 = tpu.memref_slice %arg13[%run_scoped3A_177, %mul3A_27] : memref<16x10240xf32, #tpu.memory_space<vmem_shared>> -> memref<1x640xf32, #tpu.memory_space<vmem_shared>>
      %dma_wait3A_311 = tpu.memref_squeeze %dma_wait3A_310 : memref<1x640xf32, #tpu.memory_space<vmem_shared>> -> memref<640xf32, #tpu.memory_space<vmem_shared>>
      tpu.wait_dma2 semaphore(%run_scoped3A_305 : memref<!tpu.dma_semaphore, #tpu.memory_space<semaphore_mem>>) src(%dma_wait3A_311 : memref<640xf32, #tpu.memory_space<vmem_shared>>) dst(%arg10 : memref<640xf32, #tpu.memory_space<vmem>>)
      tpu.yield
    }) : () -> ()
    %scan3A_178 = arith.constant 0 : i32
    %scan3A_179 = arith.constant 0 : i32
    %scan3A_180 = arith.constant 40 : i32
    %scan3A_181 = arith.addi %scan3A_179, %scan3A_180 : i32
    %scan3A_182 = arith.constant 1 : i32
    %scan3A_183 = scf.for %scan3A_305 = %scan3A_179 to %scan3A_181 step %scan3A_182 iter_args(%scan3A_306 = %scan3A_178) -> (i32)  : i32 {
      %mul3A_307 = arith.constant 16 : i32
      %mul3A_308 = arith.muli %scan3A_305, %mul3A_307 : i32
      %get3A = arith.index_cast %mul3A_308 : i32 to index
      %get3A_309 = tpu.vector_load %arg11[%get3A] {strides = array<i32>} : memref<640xf32, #tpu.memory_space<vmem>>, vector<16xf32>,
      %get3A_310 = arith.index_cast %mul3A_308 : i32 to index
      %get3A_311 = tpu.vector_load %arg10[%get3A_310] {strides = array<i32>} : memref<640xf32, #tpu.memory_space<vmem>>, vector<16xf32>,
      %add3A_312 = arith.addf %get3A_309, %get3A_311 : vector<16xf32>
      %swap3A = arith.index_cast %mul3A_308 : i32 to index
      %swap3A_313 = tpu.vector_load %arg11[%swap3A] {strides = array<i32>} : memref<640xf32, #tpu.memory_space<vmem>>, vector<16xf32>,
      tpu.vector_store %arg11[%swap3A], %add3A_312 {strides = array<i32>} : memref<640xf32, #tpu.memory_space<vmem>>, vector<16xf32>,
      %scan3A_314 = arith.constant 0 : i32
      scf.yield %scan3A_314 : i32
    }
    %scan3A_184 = arith.constant 40 : i32
    %run_scoped3A_185 = arith.constant 2 : i32
    "tpu.region"() ({
      %run_scoped3A_305 = tpu.sem_alloc : memref<!tpu.dma_semaphore, #tpu.memory_space<semaphore_mem>>
      %dma_start3A = tpu.memref_slice %arg13[%run_scoped3A_185, %mul3A_27] : memref<16x10240xf32, #tpu.memory_space<vmem_shared>> -> memref<1x640xf32, #tpu.memory_space<vmem_shared>>
      %dma_start3A_306 = tpu.memref_squeeze %dma_start3A : memref<1x640xf32, #tpu.memory_space<vmem_shared>> -> memref<640xf32, #tpu.memory_space<vmem_shared>>
      %dma_start3A_307 = tpu.memref_slice %arg13[%run_scoped3A_185, %mul3A_27] : memref<16x10240xf32, #tpu.memory_space<vmem_shared>> -> memref<1x640xf32, #tpu.memory_space<vmem_shared>>
      %dma_start3A_308 = tpu.memref_squeeze %dma_start3A_307 : memref<1x640xf32, #tpu.memory_space<vmem_shared>> -> memref<640xf32, #tpu.memory_space<vmem_shared>>
      tpu.enqueue_dma source(%dma_start3A_308 : memref<640xf32, #tpu.memory_space<vmem_shared>>) target(%arg10 : memref<640xf32, #tpu.memory_space<vmem>>) target_semaphore(%run_scoped3A_305 : memref<!tpu.dma_semaphore, #tpu.memory_space<semaphore_mem>>)
      %dma_wait3A = tpu.memref_slice %arg13[%run_scoped3A_185, %mul3A_27] : memref<16x10240xf32, #tpu.memory_space<vmem_shared>> -> memref<1x640xf32, #tpu.memory_space<vmem_shared>>
      %dma_wait3A_309 = tpu.memref_squeeze %dma_wait3A : memref<1x640xf32, #tpu.memory_space<vmem_shared>> -> memref<640xf32, #tpu.memory_space<vmem_shared>>
      %dma_wait3A_310 = tpu.memref_slice %arg13[%run_scoped3A_185, %mul3A_27] : memref<16x10240xf32, #tpu.memory_space<vmem_shared>> -> memref<1x640xf32, #tpu.memory_space<vmem_shared>>
      %dma_wait3A_311 = tpu.memref_squeeze %dma_wait3A_310 : memref<1x640xf32, #tpu.memory_space<vmem_shared>> -> memref<640xf32, #tpu.memory_space<vmem_shared>>
      tpu.wait_dma2 semaphore(%run_scoped3A_305 : memref<!tpu.dma_semaphore, #tpu.memory_space<semaphore_mem>>) src(%dma_wait3A_311 : memref<640xf32, #tpu.memory_space<vmem_shared>>) dst(%arg10 : memref<640xf32, #tpu.memory_space<vmem>>)
      tpu.yield
    }) : () -> ()
    %scan3A_186 = arith.constant 0 : i32
    %scan3A_187 = arith.constant 0 : i32
    %scan3A_188 = arith.constant 40 : i32
    %scan3A_189 = arith.addi %scan3A_187, %scan3A_188 : i32
    %scan3A_190 = arith.constant 1 : i32
    %scan3A_191 = scf.for %scan3A_305 = %scan3A_187 to %scan3A_189 step %scan3A_190 iter_args(%scan3A_306 = %scan3A_186) -> (i32)  : i32 {
      %mul3A_307 = arith.constant 16 : i32
      %mul3A_308 = arith.muli %scan3A_305, %mul3A_307 : i32
      %get3A = arith.index_cast %mul3A_308 : i32 to index
      %get3A_309 = tpu.vector_load %arg11[%get3A] {strides = array<i32>} : memref<640xf32, #tpu.memory_space<vmem>>, vector<16xf32>,
      %get3A_310 = arith.index_cast %mul3A_308 : i32 to index
      %get3A_311 = tpu.vector_load %arg10[%get3A_310] {strides = array<i32>} : memref<640xf32, #tpu.memory_space<vmem>>, vector<16xf32>,
      %add3A_312 = arith.addf %get3A_309, %get3A_311 : vector<16xf32>
      %swap3A = arith.index_cast %mul3A_308 : i32 to index
      %swap3A_313 = tpu.vector_load %arg11[%swap3A] {strides = array<i32>} : memref<640xf32, #tpu.memory_space<vmem>>, vector<16xf32>,
      tpu.vector_store %arg11[%swap3A], %add3A_312 {strides = array<i32>} : memref<640xf32, #tpu.memory_space<vmem>>, vector<16xf32>,
      %scan3A_314 = arith.constant 0 : i32
      scf.yield %scan3A_314 : i32
    }
    %scan3A_192 = arith.constant 40 : i32
    %run_scoped3A_193 = arith.constant 3 : i32
    "tpu.region"() ({
      %run_scoped3A_305 = tpu.sem_alloc : memref<!tpu.dma_semaphore, #tpu.memory_space<semaphore_mem>>
      %dma_start3A = tpu.memref_slice %arg13[%run_scoped3A_193, %mul3A_27] : memref<16x10240xf32, #tpu.memory_space<vmem_shared>> -> memref<1x640xf32, #tpu.memory_space<vmem_shared>>
      %dma_start3A_306 = tpu.memref_squeeze %dma_start3A : memref<1x640xf32, #tpu.memory_space<vmem_shared>> -> memref<640xf32, #tpu.memory_space<vmem_shared>>
      %dma_start3A_307 = tpu.memref_slice %arg13[%run_scoped3A_193, %mul3A_27] : memref<16x10240xf32, #tpu.memory_space<vmem_shared>> -> memref<1x640xf32, #tpu.memory_space<vmem_shared>>
      %dma_start3A_308 = tpu.memref_squeeze %dma_start3A_307 : memref<1x640xf32, #tpu.memory_space<vmem_shared>> -> memref<640xf32, #tpu.memory_space<vmem_shared>>
      tpu.enqueue_dma source(%dma_start3A_308 : memref<640xf32, #tpu.memory_space<vmem_shared>>) target(%arg10 : memref<640xf32, #tpu.memory_space<vmem>>) target_semaphore(%run_scoped3A_305 : memref<!tpu.dma_semaphore, #tpu.memory_space<semaphore_mem>>)
      %dma_wait3A = tpu.memref_slice %arg13[%run_scoped3A_193, %mul3A_27] : memref<16x10240xf32, #tpu.memory_space<vmem_shared>> -> memref<1x640xf32, #tpu.memory_space<vmem_shared>>
      %dma_wait3A_309 = tpu.memref_squeeze %dma_wait3A : memref<1x640xf32, #tpu.memory_space<vmem_shared>> -> memref<640xf32, #tpu.memory_space<vmem_shared>>
      %dma_wait3A_310 = tpu.memref_slice %arg13[%run_scoped3A_193, %mul3A_27] : memref<16x10240xf32, #tpu.memory_space<vmem_shared>> -> memref<1x640xf32, #tpu.memory_space<vmem_shared>>
      %dma_wait3A_311 = tpu.memref_squeeze %dma_wait3A_310 : memref<1x640xf32, #tpu.memory_space<vmem_shared>> -> memref<640xf32, #tpu.memory_space<vmem_shared>>
      tpu.wait_dma2 semaphore(%run_scoped3A_305 : memref<!tpu.dma_semaphore, #tpu.memory_space<semaphore_mem>>) src(%dma_wait3A_311 : memref<640xf32, #tpu.memory_space<vmem_shared>>) dst(%arg10 : memref<640xf32, #tpu.memory_space<vmem>>)
      tpu.yield
    }) : () -> ()
    %scan3A_194 = arith.constant 0 : i32
    %scan3A_195 = arith.constant 0 : i32
    %scan3A_196 = arith.constant 40 : i32
    %scan3A_197 = arith.addi %scan3A_195, %scan3A_196 : i32
    %scan3A_198 = arith.constant 1 : i32
    %scan3A_199 = scf.for %scan3A_305 = %scan3A_195 to %scan3A_197 step %scan3A_198 iter_args(%scan3A_306 = %scan3A_194) -> (i32)  : i32 {
      %mul3A_307 = arith.constant 16 : i32
      %mul3A_308 = arith.muli %scan3A_305, %mul3A_307 : i32
      %get3A = arith.index_cast %mul3A_308 : i32 to index
      %get3A_309 = tpu.vector_load %arg11[%get3A] {strides = array<i32>} : memref<640xf32, #tpu.memory_space<vmem>>, vector<16xf32>,
      %get3A_310 = arith.index_cast %mul3A_308 : i32 to index
      %get3A_311 = tpu.vector_load %arg10[%get3A_310] {strides = array<i32>} : memref<640xf32, #tpu.memory_space<vmem>>, vector<16xf32>,
      %add3A_312 = arith.addf %get3A_309, %get3A_311 : vector<16xf32>
      %swap3A = arith.index_cast %mul3A_308 : i32 to index
      %swap3A_313 = tpu.vector_load %arg11[%swap3A] {strides = array<i32>} : memref<640xf32, #tpu.memory_space<vmem>>, vector<16xf32>,
      tpu.vector_store %arg11[%swap3A], %add3A_312 {strides = array<i32>} : memref<640xf32, #tpu.memory_space<vmem>>, vector<16xf32>,
      %scan3A_314 = arith.constant 0 : i32
      scf.yield %scan3A_314 : i32
    }
    %scan3A_200 = arith.constant 40 : i32
    %run_scoped3A_201 = arith.constant 4 : i32
    "tpu.region"() ({
      %run_scoped3A_305 = tpu.sem_alloc : memref<!tpu.dma_semaphore, #tpu.memory_space<semaphore_mem>>
      %dma_start3A = tpu.memref_slice %arg13[%run_scoped3A_201, %mul3A_27] : memref<16x10240xf32, #tpu.memory_space<vmem_shared>> -> memref<1x640xf32, #tpu.memory_space<vmem_shared>>
      %dma_start3A_306 = tpu.memref_squeeze %dma_start3A : memref<1x640xf32, #tpu.memory_space<vmem_shared>> -> memref<640xf32, #tpu.memory_space<vmem_shared>>
      %dma_start3A_307 = tpu.memref_slice %arg13[%run_scoped3A_201, %mul3A_27] : memref<16x10240xf32, #tpu.memory_space<vmem_shared>> -> memref<1x640xf32, #tpu.memory_space<vmem_shared>>
      %dma_start3A_308 = tpu.memref_squeeze %dma_start3A_307 : memref<1x640xf32, #tpu.memory_space<vmem_shared>> -> memref<640xf32, #tpu.memory_space<vmem_shared>>
      tpu.enqueue_dma source(%dma_start3A_308 : memref<640xf32, #tpu.memory_space<vmem_shared>>) target(%arg10 : memref<640xf32, #tpu.memory_space<vmem>>) target_semaphore(%run_scoped3A_305 : memref<!tpu.dma_semaphore, #tpu.memory_space<semaphore_mem>>)
      %dma_wait3A = tpu.memref_slice %arg13[%run_scoped3A_201, %mul3A_27] : memref<16x10240xf32, #tpu.memory_space<vmem_shared>> -> memref<1x640xf32, #tpu.memory_space<vmem_shared>>
      %dma_wait3A_309 = tpu.memref_squeeze %dma_wait3A : memref<1x640xf32, #tpu.memory_space<vmem_shared>> -> memref<640xf32, #tpu.memory_space<vmem_shared>>
      %dma_wait3A_310 = tpu.memref_slice %arg13[%run_scoped3A_201, %mul3A_27] : memref<16x10240xf32, #tpu.memory_space<vmem_shared>> -> memref<1x640xf32, #tpu.memory_space<vmem_shared>>
      %dma_wait3A_311 = tpu.memref_squeeze %dma_wait3A_310 : memref<1x640xf32, #tpu.memory_space<vmem_shared>> -> memref<640xf32, #tpu.memory_space<vmem_shared>>
      tpu.wait_dma2 semaphore(%run_scoped3A_305 : memref<!tpu.dma_semaphore, #tpu.memory_space<semaphore_mem>>) src(%dma_wait3A_311 : memref<640xf32, #tpu.memory_space<vmem_shared>>) dst(%arg10 : memref<640xf32, #tpu.memory_space<vmem>>)
      tpu.yield
    }) : () -> ()
    %scan3A_202 = arith.constant 0 : i32
    %scan3A_203 = arith.constant 0 : i32
    %scan3A_204 = arith.constant 40 : i32
    %scan3A_205 = arith.addi %scan3A_203, %scan3A_204 : i32
    %scan3A_206 = arith.constant 1 : i32
    %scan3A_207 = scf.for %scan3A_305 = %scan3A_203 to %scan3A_205 step %scan3A_206 iter_args(%scan3A_306 = %scan3A_202) -> (i32)  : i32 {
      %mul3A_307 = arith.constant 16 : i32
      %mul3A_308 = arith.muli %scan3A_305, %mul3A_307 : i32
      %get3A = arith.index_cast %mul3A_308 : i32 to index
      %get3A_309 = tpu.vector_load %arg11[%get3A] {strides = array<i32>} : memref<640xf32, #tpu.memory_space<vmem>>, vector<16xf32>,
      %get3A_310 = arith.index_cast %mul3A_308 : i32 to index
      %get3A_311 = tpu.vector_load %arg10[%get3A_310] {strides = array<i32>} : memref<640xf32, #tpu.memory_space<vmem>>, vector<16xf32>,
      %add3A_312 = arith.addf %get3A_309, %get3A_311 : vector<16xf32>
      %swap3A = arith.index_cast %mul3A_308 : i32 to index
      %swap3A_313 = tpu.vector_load %arg11[%swap3A] {strides = array<i32>} : memref<640xf32, #tpu.memory_space<vmem>>, vector<16xf32>,
      tpu.vector_store %arg11[%swap3A], %add3A_312 {strides = array<i32>} : memref<640xf32, #tpu.memory_space<vmem>>, vector<16xf32>,
      %scan3A_314 = arith.constant 0 : i32
      scf.yield %scan3A_314 : i32
    }
    %scan3A_208 = arith.constant 40 : i32
    %run_scoped3A_209 = arith.constant 5 : i32
    "tpu.region"() ({
      %run_scoped3A_305 = tpu.sem_alloc : memref<!tpu.dma_semaphore, #tpu.memory_space<semaphore_mem>>
      %dma_start3A = tpu.memref_slice %arg13[%run_scoped3A_209, %mul3A_27] : memref<16x10240xf32, #tpu.memory_space<vmem_shared>> -> memref<1x640xf32, #tpu.memory_space<vmem_shared>>
      %dma_start3A_306 = tpu.memref_squeeze %dma_start3A : memref<1x640xf32, #tpu.memory_space<vmem_shared>> -> memref<640xf32, #tpu.memory_space<vmem_shared>>
      %dma_start3A_307 = tpu.memref_slice %arg13[%run_scoped3A_209, %mul3A_27] : memref<16x10240xf32, #tpu.memory_space<vmem_shared>> -> memref<1x640xf32, #tpu.memory_space<vmem_shared>>
      %dma_start3A_308 = tpu.memref_squeeze %dma_start3A_307 : memref<1x640xf32, #tpu.memory_space<vmem_shared>> -> memref<640xf32, #tpu.memory_space<vmem_shared>>
      tpu.enqueue_dma source(%dma_start3A_308 : memref<640xf32, #tpu.memory_space<vmem_shared>>) target(%arg10 : memref<640xf32, #tpu.memory_space<vmem>>) target_semaphore(%run_scoped3A_305 : memref<!tpu.dma_semaphore, #tpu.memory_space<semaphore_mem>>)
      %dma_wait3A = tpu.memref_slice %arg13[%run_scoped3A_209, %mul3A_27] : memref<16x10240xf32, #tpu.memory_space<vmem_shared>> -> memref<1x640xf32, #tpu.memory_space<vmem_shared>>
      %dma_wait3A_309 = tpu.memref_squeeze %dma_wait3A : memref<1x640xf32, #tpu.memory_space<vmem_shared>> -> memref<640xf32, #tpu.memory_space<vmem_shared>>
      %dma_wait3A_310 = tpu.memref_slice %arg13[%run_scoped3A_209, %mul3A_27] : memref<16x10240xf32, #tpu.memory_space<vmem_shared>> -> memref<1x640xf32, #tpu.memory_space<vmem_shared>>
      %dma_wait3A_311 = tpu.memref_squeeze %dma_wait3A_310 : memref<1x640xf32, #tpu.memory_space<vmem_shared>> -> memref<640xf32, #tpu.memory_space<vmem_shared>>
      tpu.wait_dma2 semaphore(%run_scoped3A_305 : memref<!tpu.dma_semaphore, #tpu.memory_space<semaphore_mem>>) src(%dma_wait3A_311 : memref<640xf32, #tpu.memory_space<vmem_shared>>) dst(%arg10 : memref<640xf32, #tpu.memory_space<vmem>>)
      tpu.yield
    }) : () -> ()
    %scan3A_210 = arith.constant 0 : i32
    %scan3A_211 = arith.constant 0 : i32
    %scan3A_212 = arith.constant 40 : i32
    %scan3A_213 = arith.addi %scan3A_211, %scan3A_212 : i32
    %scan3A_214 = arith.constant 1 : i32
    %scan3A_215 = scf.for %scan3A_305 = %scan3A_211 to %scan3A_213 step %scan3A_214 iter_args(%scan3A_306 = %scan3A_210) -> (i32)  : i32 {
      %mul3A_307 = arith.constant 16 : i32
      %mul3A_308 = arith.muli %scan3A_305, %mul3A_307 : i32
      %get3A = arith.index_cast %mul3A_308 : i32 to index
      %get3A_309 = tpu.vector_load %arg11[%get3A] {strides = array<i32>} : memref<640xf32, #tpu.memory_space<vmem>>, vector<16xf32>,
      %get3A_310 = arith.index_cast %mul3A_308 : i32 to index
      %get3A_311 = tpu.vector_load %arg10[%get3A_310] {strides = array<i32>} : memref<640xf32, #tpu.memory_space<vmem>>, vector<16xf32>,
      %add3A_312 = arith.addf %get3A_309, %get3A_311 : vector<16xf32>
      %swap3A = arith.index_cast %mul3A_308 : i32 to index
      %swap3A_313 = tpu.vector_load %arg11[%swap3A] {strides = array<i32>} : memref<640xf32, #tpu.memory_space<vmem>>, vector<16xf32>,
      tpu.vector_store %arg11[%swap3A], %add3A_312 {strides = array<i32>} : memref<640xf32, #tpu.memory_space<vmem>>, vector<16xf32>,
      %scan3A_314 = arith.constant 0 : i32
      scf.yield %scan3A_314 : i32
    }
    %scan3A_216 = arith.constant 40 : i32
    %run_scoped3A_217 = arith.constant 6 : i32
    "tpu.region"() ({
      %run_scoped3A_305 = tpu.sem_alloc : memref<!tpu.dma_semaphore, #tpu.memory_space<semaphore_mem>>
      %dma_start3A = tpu.memref_slice %arg13[%run_scoped3A_217, %mul3A_27] : memref<16x10240xf32, #tpu.memory_space<vmem_shared>> -> memref<1x640xf32, #tpu.memory_space<vmem_shared>>
      %dma_start3A_306 = tpu.memref_squeeze %dma_start3A : memref<1x640xf32, #tpu.memory_space<vmem_shared>> -> memref<640xf32, #tpu.memory_space<vmem_shared>>
      %dma_start3A_307 = tpu.memref_slice %arg13[%run_scoped3A_217, %mul3A_27] : memref<16x10240xf32, #tpu.memory_space<vmem_shared>> -> memref<1x640xf32, #tpu.memory_space<vmem_shared>>
      %dma_start3A_308 = tpu.memref_squeeze %dma_start3A_307 : memref<1x640xf32, #tpu.memory_space<vmem_shared>> -> memref<640xf32, #tpu.memory_space<vmem_shared>>
      tpu.enqueue_dma source(%dma_start3A_308 : memref<640xf32, #tpu.memory_space<vmem_shared>>) target(%arg10 : memref<640xf32, #tpu.memory_space<vmem>>) target_semaphore(%run_scoped3A_305 : memref<!tpu.dma_semaphore, #tpu.memory_space<semaphore_mem>>)
      %dma_wait3A = tpu.memref_slice %arg13[%run_scoped3A_217, %mul3A_27] : memref<16x10240xf32, #tpu.memory_space<vmem_shared>> -> memref<1x640xf32, #tpu.memory_space<vmem_shared>>
      %dma_wait3A_309 = tpu.memref_squeeze %dma_wait3A : memref<1x640xf32, #tpu.memory_space<vmem_shared>> -> memref<640xf32, #tpu.memory_space<vmem_shared>>
      %dma_wait3A_310 = tpu.memref_slice %arg13[%run_scoped3A_217, %mul3A_27] : memref<16x10240xf32, #tpu.memory_space<vmem_shared>> -> memref<1x640xf32, #tpu.memory_space<vmem_shared>>
      %dma_wait3A_311 = tpu.memref_squeeze %dma_wait3A_310 : memref<1x640xf32, #tpu.memory_space<vmem_shared>> -> memref<640xf32, #tpu.memory_space<vmem_shared>>
      tpu.wait_dma2 semaphore(%run_scoped3A_305 : memref<!tpu.dma_semaphore, #tpu.memory_space<semaphore_mem>>) src(%dma_wait3A_311 : memref<640xf32, #tpu.memory_space<vmem_shared>>) dst(%arg10 : memref<640xf32, #tpu.memory_space<vmem>>)
      tpu.yield
    }) : () -> ()
    %scan3A_218 = arith.constant 0 : i32
    %scan3A_219 = arith.constant 0 : i32
    %scan3A_220 = arith.constant 40 : i32
    %scan3A_221 = arith.addi %scan3A_219, %scan3A_220 : i32
    %scan3A_222 = arith.constant 1 : i32
    %scan3A_223 = scf.for %scan3A_305 = %scan3A_219 to %scan3A_221 step %scan3A_222 iter_args(%scan3A_306 = %scan3A_218) -> (i32)  : i32 {
      %mul3A_307 = arith.constant 16 : i32
      %mul3A_308 = arith.muli %scan3A_305, %mul3A_307 : i32
      %get3A = arith.index_cast %mul3A_308 : i32 to index
      %get3A_309 = tpu.vector_load %arg11[%get3A] {strides = array<i32>} : memref<640xf32, #tpu.memory_space<vmem>>, vector<16xf32>,
      %get3A_310 = arith.index_cast %mul3A_308 : i32 to index
      %get3A_311 = tpu.vector_load %arg10[%get3A_310] {strides = array<i32>} : memref<640xf32, #tpu.memory_space<vmem>>, vector<16xf32>,
      %add3A_312 = arith.addf %get3A_309, %get3A_311 : vector<16xf32>
      %swap3A = arith.index_cast %mul3A_308 : i32 to index
      %swap3A_313 = tpu.vector_load %arg11[%swap3A] {strides = array<i32>} : memref<640xf32, #tpu.memory_space<vmem>>, vector<16xf32>,
      tpu.vector_store %arg11[%swap3A], %add3A_312 {strides = array<i32>} : memref<640xf32, #tpu.memory_space<vmem>>, vector<16xf32>,
      %scan3A_314 = arith.constant 0 : i32
      scf.yield %scan3A_314 : i32
    }
    %scan3A_224 = arith.constant 40 : i32
    %run_scoped3A_225 = arith.constant 7 : i32
    "tpu.region"() ({
      %run_scoped3A_305 = tpu.sem_alloc : memref<!tpu.dma_semaphore, #tpu.memory_space<semaphore_mem>>
      %dma_start3A = tpu.memref_slice %arg13[%run_scoped3A_225, %mul3A_27] : memref<16x10240xf32, #tpu.memory_space<vmem_shared>> -> memref<1x640xf32, #tpu.memory_space<vmem_shared>>
      %dma_start3A_306 = tpu.memref_squeeze %dma_start3A : memref<1x640xf32, #tpu.memory_space<vmem_shared>> -> memref<640xf32, #tpu.memory_space<vmem_shared>>
      %dma_start3A_307 = tpu.memref_slice %arg13[%run_scoped3A_225, %mul3A_27] : memref<16x10240xf32, #tpu.memory_space<vmem_shared>> -> memref<1x640xf32, #tpu.memory_space<vmem_shared>>
      %dma_start3A_308 = tpu.memref_squeeze %dma_start3A_307 : memref<1x640xf32, #tpu.memory_space<vmem_shared>> -> memref<640xf32, #tpu.memory_space<vmem_shared>>
      tpu.enqueue_dma source(%dma_start3A_308 : memref<640xf32, #tpu.memory_space<vmem_shared>>) target(%arg10 : memref<640xf32, #tpu.memory_space<vmem>>) target_semaphore(%run_scoped3A_305 : memref<!tpu.dma_semaphore, #tpu.memory_space<semaphore_mem>>)
      %dma_wait3A = tpu.memref_slice %arg13[%run_scoped3A_225, %mul3A_27] : memref<16x10240xf32, #tpu.memory_space<vmem_shared>> -> memref<1x640xf32, #tpu.memory_space<vmem_shared>>
      %dma_wait3A_309 = tpu.memref_squeeze %dma_wait3A : memref<1x640xf32, #tpu.memory_space<vmem_shared>> -> memref<640xf32, #tpu.memory_space<vmem_shared>>
      %dma_wait3A_310 = tpu.memref_slice %arg13[%run_scoped3A_225, %mul3A_27] : memref<16x10240xf32, #tpu.memory_space<vmem_shared>> -> memref<1x640xf32, #tpu.memory_space<vmem_shared>>
      %dma_wait3A_311 = tpu.memref_squeeze %dma_wait3A_310 : memref<1x640xf32, #tpu.memory_space<vmem_shared>> -> memref<640xf32, #tpu.memory_space<vmem_shared>>
      tpu.wait_dma2 semaphore(%run_scoped3A_305 : memref<!tpu.dma_semaphore, #tpu.memory_space<semaphore_mem>>) src(%dma_wait3A_311 : memref<640xf32, #tpu.memory_space<vmem_shared>>) dst(%arg10 : memref<640xf32, #tpu.memory_space<vmem>>)
      tpu.yield
    }) : () -> ()
    %scan3A_226 = arith.constant 0 : i32
    %scan3A_227 = arith.constant 0 : i32
    %scan3A_228 = arith.constant 40 : i32
    %scan3A_229 = arith.addi %scan3A_227, %scan3A_228 : i32
    %scan3A_230 = arith.constant 1 : i32
    %scan3A_231 = scf.for %scan3A_305 = %scan3A_227 to %scan3A_229 step %scan3A_230 iter_args(%scan3A_306 = %scan3A_226) -> (i32)  : i32 {
      %mul3A_307 = arith.constant 16 : i32
      %mul3A_308 = arith.muli %scan3A_305, %mul3A_307 : i32
      %get3A = arith.index_cast %mul3A_308 : i32 to index
      %get3A_309 = tpu.vector_load %arg11[%get3A] {strides = array<i32>} : memref<640xf32, #tpu.memory_space<vmem>>, vector<16xf32>,
      %get3A_310 = arith.index_cast %mul3A_308 : i32 to index
      %get3A_311 = tpu.vector_load %arg10[%get3A_310] {strides = array<i32>} : memref<640xf32, #tpu.memory_space<vmem>>, vector<16xf32>,
      %add3A_312 = arith.addf %get3A_309, %get3A_311 : vector<16xf32>
      %swap3A = arith.index_cast %mul3A_308 : i32 to index
      %swap3A_313 = tpu.vector_load %arg11[%swap3A] {strides = array<i32>} : memref<640xf32, #tpu.memory_space<vmem>>, vector<16xf32>,
      tpu.vector_store %arg11[%swap3A], %add3A_312 {strides = array<i32>} : memref<640xf32, #tpu.memory_space<vmem>>, vector<16xf32>,
      %scan3A_314 = arith.constant 0 : i32
      scf.yield %scan3A_314 : i32
    }
    %scan3A_232 = arith.constant 40 : i32
    %run_scoped3A_233 = arith.constant 8 : i32
    "tpu.region"() ({
      %run_scoped3A_305 = tpu.sem_alloc : memref<!tpu.dma_semaphore, #tpu.memory_space<semaphore_mem>>
      %dma_start3A = tpu.memref_slice %arg13[%run_scoped3A_233, %mul3A_27] : memref<16x10240xf32, #tpu.memory_space<vmem_shared>> -> memref<1x640xf32, #tpu.memory_space<vmem_shared>>
      %dma_start3A_306 = tpu.memref_squeeze %dma_start3A : memref<1x640xf32, #tpu.memory_space<vmem_shared>> -> memref<640xf32, #tpu.memory_space<vmem_shared>>
      %dma_start3A_307 = tpu.memref_slice %arg13[%run_scoped3A_233, %mul3A_27] : memref<16x10240xf32, #tpu.memory_space<vmem_shared>> -> memref<1x640xf32, #tpu.memory_space<vmem_shared>>
      %dma_start3A_308 = tpu.memref_squeeze %dma_start3A_307 : memref<1x640xf32, #tpu.memory_space<vmem_shared>> -> memref<640xf32, #tpu.memory_space<vmem_shared>>
      tpu.enqueue_dma source(%dma_start3A_308 : memref<640xf32, #tpu.memory_space<vmem_shared>>) target(%arg10 : memref<640xf32, #tpu.memory_space<vmem>>) target_semaphore(%run_scoped3A_305 : memref<!tpu.dma_semaphore, #tpu.memory_space<semaphore_mem>>)
      %dma_wait3A = tpu.memref_slice %arg13[%run_scoped3A_233, %mul3A_27] : memref<16x10240xf32, #tpu.memory_space<vmem_shared>> -> memref<1x640xf32, #tpu.memory_space<vmem_shared>>
      %dma_wait3A_309 = tpu.memref_squeeze %dma_wait3A : memref<1x640xf32, #tpu.memory_space<vmem_shared>> -> memref<640xf32, #tpu.memory_space<vmem_shared>>
      %dma_wait3A_310 = tpu.memref_slice %arg13[%run_scoped3A_233, %mul3A_27] : memref<16x10240xf32, #tpu.memory_space<vmem_shared>> -> memref<1x640xf32, #tpu.memory_space<vmem_shared>>
      %dma_wait3A_311 = tpu.memref_squeeze %dma_wait3A_310 : memref<1x640xf32, #tpu.memory_space<vmem_shared>> -> memref<640xf32, #tpu.memory_space<vmem_shared>>
      tpu.wait_dma2 semaphore(%run_scoped3A_305 : memref<!tpu.dma_semaphore, #tpu.memory_space<semaphore_mem>>) src(%dma_wait3A_311 : memref<640xf32, #tpu.memory_space<vmem_shared>>) dst(%arg10 : memref<640xf32, #tpu.memory_space<vmem>>)
      tpu.yield
    }) : () -> ()
    %scan3A_234 = arith.constant 0 : i32
    %scan3A_235 = arith.constant 0 : i32
    %scan3A_236 = arith.constant 40 : i32
    %scan3A_237 = arith.addi %scan3A_235, %scan3A_236 : i32
    %scan3A_238 = arith.constant 1 : i32
    %scan3A_239 = scf.for %scan3A_305 = %scan3A_235 to %scan3A_237 step %scan3A_238 iter_args(%scan3A_306 = %scan3A_234) -> (i32)  : i32 {
      %mul3A_307 = arith.constant 16 : i32
      %mul3A_308 = arith.muli %scan3A_305, %mul3A_307 : i32
      %get3A = arith.index_cast %mul3A_308 : i32 to index
      %get3A_309 = tpu.vector_load %arg11[%get3A] {strides = array<i32>} : memref<640xf32, #tpu.memory_space<vmem>>, vector<16xf32>,
      %get3A_310 = arith.index_cast %mul3A_308 : i32 to index
      %get3A_311 = tpu.vector_load %arg10[%get3A_310] {strides = array<i32>} : memref<640xf32, #tpu.memory_space<vmem>>, vector<16xf32>,
      %add3A_312 = arith.addf %get3A_309, %get3A_311 : vector<16xf32>
      %swap3A = arith.index_cast %mul3A_308 : i32 to index
      %swap3A_313 = tpu.vector_load %arg11[%swap3A] {strides = array<i32>} : memref<640xf32, #tpu.memory_space<vmem>>, vector<16xf32>,
      tpu.vector_store %arg11[%swap3A], %add3A_312 {strides = array<i32>} : memref<640xf32, #tpu.memory_space<vmem>>, vector<16xf32>,
      %scan3A_314 = arith.constant 0 : i32
      scf.yield %scan3A_314 : i32
    }
    %scan3A_240 = arith.constant 40 : i32
    %run_scoped3A_241 = arith.constant 9 : i32
    "tpu.region"() ({
      %run_scoped3A_305 = tpu.sem_alloc : memref<!tpu.dma_semaphore, #tpu.memory_space<semaphore_mem>>
      %dma_start3A = tpu.memref_slice %arg13[%run_scoped3A_241, %mul3A_27] : memref<16x10240xf32, #tpu.memory_space<vmem_shared>> -> memref<1x640xf32, #tpu.memory_space<vmem_shared>>
      %dma_start3A_306 = tpu.memref_squeeze %dma_start3A : memref<1x640xf32, #tpu.memory_space<vmem_shared>> -> memref<640xf32, #tpu.memory_space<vmem_shared>>
      %dma_start3A_307 = tpu.memref_slice %arg13[%run_scoped3A_241, %mul3A_27] : memref<16x10240xf32, #tpu.memory_space<vmem_shared>> -> memref<1x640xf32, #tpu.memory_space<vmem_shared>>
      %dma_start3A_308 = tpu.memref_squeeze %dma_start3A_307 : memref<1x640xf32, #tpu.memory_space<vmem_shared>> -> memref<640xf32, #tpu.memory_space<vmem_shared>>
      tpu.enqueue_dma source(%dma_start3A_308 : memref<640xf32, #tpu.memory_space<vmem_shared>>) target(%arg10 : memref<640xf32, #tpu.memory_space<vmem>>) target_semaphore(%run_scoped3A_305 : memref<!tpu.dma_semaphore, #tpu.memory_space<semaphore_mem>>)
      %dma_wait3A = tpu.memref_slice %arg13[%run_scoped3A_241, %mul3A_27] : memref<16x10240xf32, #tpu.memory_space<vmem_shared>> -> memref<1x640xf32, #tpu.memory_space<vmem_shared>>
      %dma_wait3A_309 = tpu.memref_squeeze %dma_wait3A : memref<1x640xf32, #tpu.memory_space<vmem_shared>> -> memref<640xf32, #tpu.memory_space<vmem_shared>>
      %dma_wait3A_310 = tpu.memref_slice %arg13[%run_scoped3A_241, %mul3A_27] : memref<16x10240xf32, #tpu.memory_space<vmem_shared>> -> memref<1x640xf32, #tpu.memory_space<vmem_shared>>
      %dma_wait3A_311 = tpu.memref_squeeze %dma_wait3A_310 : memref<1x640xf32, #tpu.memory_space<vmem_shared>> -> memref<640xf32, #tpu.memory_space<vmem_shared>>
      tpu.wait_dma2 semaphore(%run_scoped3A_305 : memref<!tpu.dma_semaphore, #tpu.memory_space<semaphore_mem>>) src(%dma_wait3A_311 : memref<640xf32, #tpu.memory_space<vmem_shared>>) dst(%arg10 : memref<640xf32, #tpu.memory_space<vmem>>)
      tpu.yield
    }) : () -> ()
    %scan3A_242 = arith.constant 0 : i32
    %scan3A_243 = arith.constant 0 : i32
    %scan3A_244 = arith.constant 40 : i32
    %scan3A_245 = arith.addi %scan3A_243, %scan3A_244 : i32
    %scan3A_246 = arith.constant 1 : i32
    %scan3A_247 = scf.for %scan3A_305 = %scan3A_243 to %scan3A_245 step %scan3A_246 iter_args(%scan3A_306 = %scan3A_242) -> (i32)  : i32 {
      %mul3A_307 = arith.constant 16 : i32
      %mul3A_308 = arith.muli %scan3A_305, %mul3A_307 : i32
      %get3A = arith.index_cast %mul3A_308 : i32 to index
      %get3A_309 = tpu.vector_load %arg11[%get3A] {strides = array<i32>} : memref<640xf32, #tpu.memory_space<vmem>>, vector<16xf32>,
      %get3A_310 = arith.index_cast %mul3A_308 : i32 to index
      %get3A_311 = tpu.vector_load %arg10[%get3A_310] {strides = array<i32>} : memref<640xf32, #tpu.memory_space<vmem>>, vector<16xf32>,
      %add3A_312 = arith.addf %get3A_309, %get3A_311 : vector<16xf32>
      %swap3A = arith.index_cast %mul3A_308 : i32 to index
      %swap3A_313 = tpu.vector_load %arg11[%swap3A] {strides = array<i32>} : memref<640xf32, #tpu.memory_space<vmem>>, vector<16xf32>,
      tpu.vector_store %arg11[%swap3A], %add3A_312 {strides = array<i32>} : memref<640xf32, #tpu.memory_space<vmem>>, vector<16xf32>,
      %scan3A_314 = arith.constant 0 : i32
      scf.yield %scan3A_314 : i32
    }
    %scan3A_248 = arith.constant 40 : i32
    %run_scoped3A_249 = arith.constant 10 : i32
    "tpu.region"() ({
      %run_scoped3A_305 = tpu.sem_alloc : memref<!tpu.dma_semaphore, #tpu.memory_space<semaphore_mem>>
      %dma_start3A = tpu.memref_slice %arg13[%run_scoped3A_249, %mul3A_27] : memref<16x10240xf32, #tpu.memory_space<vmem_shared>> -> memref<1x640xf32, #tpu.memory_space<vmem_shared>>
      %dma_start3A_306 = tpu.memref_squeeze %dma_start3A : memref<1x640xf32, #tpu.memory_space<vmem_shared>> -> memref<640xf32, #tpu.memory_space<vmem_shared>>
      %dma_start3A_307 = tpu.memref_slice %arg13[%run_scoped3A_249, %mul3A_27] : memref<16x10240xf32, #tpu.memory_space<vmem_shared>> -> memref<1x640xf32, #tpu.memory_space<vmem_shared>>
      %dma_start3A_308 = tpu.memref_squeeze %dma_start3A_307 : memref<1x640xf32, #tpu.memory_space<vmem_shared>> -> memref<640xf32, #tpu.memory_space<vmem_shared>>
      tpu.enqueue_dma source(%dma_start3A_308 : memref<640xf32, #tpu.memory_space<vmem_shared>>) target(%arg10 : memref<640xf32, #tpu.memory_space<vmem>>) target_semaphore(%run_scoped3A_305 : memref<!tpu.dma_semaphore, #tpu.memory_space<semaphore_mem>>)
      %dma_wait3A = tpu.memref_slice %arg13[%run_scoped3A_249, %mul3A_27] : memref<16x10240xf32, #tpu.memory_space<vmem_shared>> -> memref<1x640xf32, #tpu.memory_space<vmem_shared>>
      %dma_wait3A_309 = tpu.memref_squeeze %dma_wait3A : memref<1x640xf32, #tpu.memory_space<vmem_shared>> -> memref<640xf32, #tpu.memory_space<vmem_shared>>
      %dma_wait3A_310 = tpu.memref_slice %arg13[%run_scoped3A_249, %mul3A_27] : memref<16x10240xf32, #tpu.memory_space<vmem_shared>> -> memref<1x640xf32, #tpu.memory_space<vmem_shared>>
      %dma_wait3A_311 = tpu.memref_squeeze %dma_wait3A_310 : memref<1x640xf32, #tpu.memory_space<vmem_shared>> -> memref<640xf32, #tpu.memory_space<vmem_shared>>
      tpu.wait_dma2 semaphore(%run_scoped3A_305 : memref<!tpu.dma_semaphore, #tpu.memory_space<semaphore_mem>>) src(%dma_wait3A_311 : memref<640xf32, #tpu.memory_space<vmem_shared>>) dst(%arg10 : memref<640xf32, #tpu.memory_space<vmem>>)
      tpu.yield
    }) : () -> ()
    %scan3A_250 = arith.constant 0 : i32
    %scan3A_251 = arith.constant 0 : i32
    %scan3A_252 = arith.constant 40 : i32
    %scan3A_253 = arith.addi %scan3A_251, %scan3A_252 : i32
    %scan3A_254 = arith.constant 1 : i32
    %scan3A_255 = scf.for %scan3A_305 = %scan3A_251 to %scan3A_253 step %scan3A_254 iter_args(%scan3A_306 = %scan3A_250) -> (i32)  : i32 {
      %mul3A_307 = arith.constant 16 : i32
      %mul3A_308 = arith.muli %scan3A_305, %mul3A_307 : i32
      %get3A = arith.index_cast %mul3A_308 : i32 to index
      %get3A_309 = tpu.vector_load %arg11[%get3A] {strides = array<i32>} : memref<640xf32, #tpu.memory_space<vmem>>, vector<16xf32>,
      %get3A_310 = arith.index_cast %mul3A_308 : i32 to index
      %get3A_311 = tpu.vector_load %arg10[%get3A_310] {strides = array<i32>} : memref<640xf32, #tpu.memory_space<vmem>>, vector<16xf32>,
      %add3A_312 = arith.addf %get3A_309, %get3A_311 : vector<16xf32>
      %swap3A = arith.index_cast %mul3A_308 : i32 to index
      %swap3A_313 = tpu.vector_load %arg11[%swap3A] {strides = array<i32>} : memref<640xf32, #tpu.memory_space<vmem>>, vector<16xf32>,
      tpu.vector_store %arg11[%swap3A], %add3A_312 {strides = array<i32>} : memref<640xf32, #tpu.memory_space<vmem>>, vector<16xf32>,
      %scan3A_314 = arith.constant 0 : i32
      scf.yield %scan3A_314 : i32
    }
    %scan3A_256 = arith.constant 40 : i32
    %run_scoped3A_257 = arith.constant 11 : i32
    "tpu.region"() ({
      %run_scoped3A_305 = tpu.sem_alloc : memref<!tpu.dma_semaphore, #tpu.memory_space<semaphore_mem>>
      %dma_start3A = tpu.memref_slice %arg13[%run_scoped3A_257, %mul3A_27] : memref<16x10240xf32, #tpu.memory_space<vmem_shared>> -> memref<1x640xf32, #tpu.memory_space<vmem_shared>>
      %dma_start3A_306 = tpu.memref_squeeze %dma_start3A : memref<1x640xf32, #tpu.memory_space<vmem_shared>> -> memref<640xf32, #tpu.memory_space<vmem_shared>>
      %dma_start3A_307 = tpu.memref_slice %arg13[%run_scoped3A_257, %mul3A_27] : memref<16x10240xf32, #tpu.memory_space<vmem_shared>> -> memref<1x640xf32, #tpu.memory_space<vmem_shared>>
      %dma_start3A_308 = tpu.memref_squeeze %dma_start3A_307 : memref<1x640xf32, #tpu.memory_space<vmem_shared>> -> memref<640xf32, #tpu.memory_space<vmem_shared>>
      tpu.enqueue_dma source(%dma_start3A_308 : memref<640xf32, #tpu.memory_space<vmem_shared>>) target(%arg10 : memref<640xf32, #tpu.memory_space<vmem>>) target_semaphore(%run_scoped3A_305 : memref<!tpu.dma_semaphore, #tpu.memory_space<semaphore_mem>>)
      %dma_wait3A = tpu.memref_slice %arg13[%run_scoped3A_257, %mul3A_27] : memref<16x10240xf32, #tpu.memory_space<vmem_shared>> -> memref<1x640xf32, #tpu.memory_space<vmem_shared>>
      %dma_wait3A_309 = tpu.memref_squeeze %dma_wait3A : memref<1x640xf32, #tpu.memory_space<vmem_shared>> -> memref<640xf32, #tpu.memory_space<vmem_shared>>
      %dma_wait3A_310 = tpu.memref_slice %arg13[%run_scoped3A_257, %mul3A_27] : memref<16x10240xf32, #tpu.memory_space<vmem_shared>> -> memref<1x640xf32, #tpu.memory_space<vmem_shared>>
      %dma_wait3A_311 = tpu.memref_squeeze %dma_wait3A_310 : memref<1x640xf32, #tpu.memory_space<vmem_shared>> -> memref<640xf32, #tpu.memory_space<vmem_shared>>
      tpu.wait_dma2 semaphore(%run_scoped3A_305 : memref<!tpu.dma_semaphore, #tpu.memory_space<semaphore_mem>>) src(%dma_wait3A_311 : memref<640xf32, #tpu.memory_space<vmem_shared>>) dst(%arg10 : memref<640xf32, #tpu.memory_space<vmem>>)
      tpu.yield
    }) : () -> ()
    %scan3A_258 = arith.constant 0 : i32
    %scan3A_259 = arith.constant 0 : i32
    %scan3A_260 = arith.constant 40 : i32
    %scan3A_261 = arith.addi %scan3A_259, %scan3A_260 : i32
    %scan3A_262 = arith.constant 1 : i32
    %scan3A_263 = scf.for %scan3A_305 = %scan3A_259 to %scan3A_261 step %scan3A_262 iter_args(%scan3A_306 = %scan3A_258) -> (i32)  : i32 {
      %mul3A_307 = arith.constant 16 : i32
      %mul3A_308 = arith.muli %scan3A_305, %mul3A_307 : i32
      %get3A = arith.index_cast %mul3A_308 : i32 to index
      %get3A_309 = tpu.vector_load %arg11[%get3A] {strides = array<i32>} : memref<640xf32, #tpu.memory_space<vmem>>, vector<16xf32>,
      %get3A_310 = arith.index_cast %mul3A_308 : i32 to index
      %get3A_311 = tpu.vector_load %arg10[%get3A_310] {strides = array<i32>} : memref<640xf32, #tpu.memory_space<vmem>>, vector<16xf32>,
      %add3A_312 = arith.addf %get3A_309, %get3A_311 : vector<16xf32>
      %swap3A = arith.index_cast %mul3A_308 : i32 to index
      %swap3A_313 = tpu.vector_load %arg11[%swap3A] {strides = array<i32>} : memref<640xf32, #tpu.memory_space<vmem>>, vector<16xf32>,
      tpu.vector_store %arg11[%swap3A], %add3A_312 {strides = array<i32>} : memref<640xf32, #tpu.memory_space<vmem>>, vector<16xf32>,
      %scan3A_314 = arith.constant 0 : i32
      scf.yield %scan3A_314 : i32
    }
    %scan3A_264 = arith.constant 40 : i32
    %run_scoped3A_265 = arith.constant 12 : i32
    "tpu.region"() ({
      %run_scoped3A_305 = tpu.sem_alloc : memref<!tpu.dma_semaphore, #tpu.memory_space<semaphore_mem>>
      %dma_start3A = tpu.memref_slice %arg13[%run_scoped3A_265, %mul3A_27] : memref<16x10240xf32, #tpu.memory_space<vmem_shared>> -> memref<1x640xf32, #tpu.memory_space<vmem_shared>>
      %dma_start3A_306 = tpu.memref_squeeze %dma_start3A : memref<1x640xf32, #tpu.memory_space<vmem_shared>> -> memref<640xf32, #tpu.memory_space<vmem_shared>>
      %dma_start3A_307 = tpu.memref_slice %arg13[%run_scoped3A_265, %mul3A_27] : memref<16x10240xf32, #tpu.memory_space<vmem_shared>> -> memref<1x640xf32, #tpu.memory_space<vmem_shared>>
      %dma_start3A_308 = tpu.memref_squeeze %dma_start3A_307 : memref<1x640xf32, #tpu.memory_space<vmem_shared>> -> memref<640xf32, #tpu.memory_space<vmem_shared>>
      tpu.enqueue_dma source(%dma_start3A_308 : memref<640xf32, #tpu.memory_space<vmem_shared>>) target(%arg10 : memref<640xf32, #tpu.memory_space<vmem>>) target_semaphore(%run_scoped3A_305 : memref<!tpu.dma_semaphore, #tpu.memory_space<semaphore_mem>>)
      %dma_wait3A = tpu.memref_slice %arg13[%run_scoped3A_265, %mul3A_27] : memref<16x10240xf32, #tpu.memory_space<vmem_shared>> -> memref<1x640xf32, #tpu.memory_space<vmem_shared>>
      %dma_wait3A_309 = tpu.memref_squeeze %dma_wait3A : memref<1x640xf32, #tpu.memory_space<vmem_shared>> -> memref<640xf32, #tpu.memory_space<vmem_shared>>
      %dma_wait3A_310 = tpu.memref_slice %arg13[%run_scoped3A_265, %mul3A_27] : memref<16x10240xf32, #tpu.memory_space<vmem_shared>> -> memref<1x640xf32, #tpu.memory_space<vmem_shared>>
      %dma_wait3A_311 = tpu.memref_squeeze %dma_wait3A_310 : memref<1x640xf32, #tpu.memory_space<vmem_shared>> -> memref<640xf32, #tpu.memory_space<vmem_shared>>
      tpu.wait_dma2 semaphore(%run_scoped3A_305 : memref<!tpu.dma_semaphore, #tpu.memory_space<semaphore_mem>>) src(%dma_wait3A_311 : memref<640xf32, #tpu.memory_space<vmem_shared>>) dst(%arg10 : memref<640xf32, #tpu.memory_space<vmem>>)
      tpu.yield
    }) : () -> ()
    %scan3A_266 = arith.constant 0 : i32
    %scan3A_267 = arith.constant 0 : i32
    %scan3A_268 = arith.constant 40 : i32
    %scan3A_269 = arith.addi %scan3A_267, %scan3A_268 : i32
    %scan3A_270 = arith.constant 1 : i32
    %scan3A_271 = scf.for %scan3A_305 = %scan3A_267 to %scan3A_269 step %scan3A_270 iter_args(%scan3A_306 = %scan3A_266) -> (i32)  : i32 {
      %mul3A_307 = arith.constant 16 : i32
      %mul3A_308 = arith.muli %scan3A_305, %mul3A_307 : i32
      %get3A = arith.index_cast %mul3A_308 : i32 to index
      %get3A_309 = tpu.vector_load %arg11[%get3A] {strides = array<i32>} : memref<640xf32, #tpu.memory_space<vmem>>, vector<16xf32>,
      %get3A_310 = arith.index_cast %mul3A_308 : i32 to index
      %get3A_311 = tpu.vector_load %arg10[%get3A_310] {strides = array<i32>} : memref<640xf32, #tpu.memory_space<vmem>>, vector<16xf32>,
      %add3A_312 = arith.addf %get3A_309, %get3A_311 : vector<16xf32>
      %swap3A = arith.index_cast %mul3A_308 : i32 to index
      %swap3A_313 = tpu.vector_load %arg11[%swap3A] {strides = array<i32>} : memref<640xf32, #tpu.memory_space<vmem>>, vector<16xf32>,
      tpu.vector_store %arg11[%swap3A], %add3A_312 {strides = array<i32>} : memref<640xf32, #tpu.memory_space<vmem>>, vector<16xf32>,
      %scan3A_314 = arith.constant 0 : i32
      scf.yield %scan3A_314 : i32
    }
    %scan3A_272 = arith.constant 40 : i32
    %run_scoped3A_273 = arith.constant 13 : i32
    "tpu.region"() ({
      %run_scoped3A_305 = tpu.sem_alloc : memref<!tpu.dma_semaphore, #tpu.memory_space<semaphore_mem>>
      %dma_start3A = tpu.memref_slice %arg13[%run_scoped3A_273, %mul3A_27] : memref<16x10240xf32, #tpu.memory_space<vmem_shared>> -> memref<1x640xf32, #tpu.memory_space<vmem_shared>>
      %dma_start3A_306 = tpu.memref_squeeze %dma_start3A : memref<1x640xf32, #tpu.memory_space<vmem_shared>> -> memref<640xf32, #tpu.memory_space<vmem_shared>>
      %dma_start3A_307 = tpu.memref_slice %arg13[%run_scoped3A_273, %mul3A_27] : memref<16x10240xf32, #tpu.memory_space<vmem_shared>> -> memref<1x640xf32, #tpu.memory_space<vmem_shared>>
      %dma_start3A_308 = tpu.memref_squeeze %dma_start3A_307 : memref<1x640xf32, #tpu.memory_space<vmem_shared>> -> memref<640xf32, #tpu.memory_space<vmem_shared>>
      tpu.enqueue_dma source(%dma_start3A_308 : memref<640xf32, #tpu.memory_space<vmem_shared>>) target(%arg10 : memref<640xf32, #tpu.memory_space<vmem>>) target_semaphore(%run_scoped3A_305 : memref<!tpu.dma_semaphore, #tpu.memory_space<semaphore_mem>>)
      %dma_wait3A = tpu.memref_slice %arg13[%run_scoped3A_273, %mul3A_27] : memref<16x10240xf32, #tpu.memory_space<vmem_shared>> -> memref<1x640xf32, #tpu.memory_space<vmem_shared>>
      %dma_wait3A_309 = tpu.memref_squeeze %dma_wait3A : memref<1x640xf32, #tpu.memory_space<vmem_shared>> -> memref<640xf32, #tpu.memory_space<vmem_shared>>
      %dma_wait3A_310 = tpu.memref_slice %arg13[%run_scoped3A_273, %mul3A_27] : memref<16x10240xf32, #tpu.memory_space<vmem_shared>> -> memref<1x640xf32, #tpu.memory_space<vmem_shared>>
      %dma_wait3A_311 = tpu.memref_squeeze %dma_wait3A_310 : memref<1x640xf32, #tpu.memory_space<vmem_shared>> -> memref<640xf32, #tpu.memory_space<vmem_shared>>
      tpu.wait_dma2 semaphore(%run_scoped3A_305 : memref<!tpu.dma_semaphore, #tpu.memory_space<semaphore_mem>>) src(%dma_wait3A_311 : memref<640xf32, #tpu.memory_space<vmem_shared>>) dst(%arg10 : memref<640xf32, #tpu.memory_space<vmem>>)
      tpu.yield
    }) : () -> ()
    %scan3A_274 = arith.constant 0 : i32
    %scan3A_275 = arith.constant 0 : i32
    %scan3A_276 = arith.constant 40 : i32
    %scan3A_277 = arith.addi %scan3A_275, %scan3A_276 : i32
    %scan3A_278 = arith.constant 1 : i32
    %scan3A_279 = scf.for %scan3A_305 = %scan3A_275 to %scan3A_277 step %scan3A_278 iter_args(%scan3A_306 = %scan3A_274) -> (i32)  : i32 {
      %mul3A_307 = arith.constant 16 : i32
      %mul3A_308 = arith.muli %scan3A_305, %mul3A_307 : i32
      %get3A = arith.index_cast %mul3A_308 : i32 to index
      %get3A_309 = tpu.vector_load %arg11[%get3A] {strides = array<i32>} : memref<640xf32, #tpu.memory_space<vmem>>, vector<16xf32>,
      %get3A_310 = arith.index_cast %mul3A_308 : i32 to index
      %get3A_311 = tpu.vector_load %arg10[%get3A_310] {strides = array<i32>} : memref<640xf32, #tpu.memory_space<vmem>>, vector<16xf32>,
      %add3A_312 = arith.addf %get3A_309, %get3A_311 : vector<16xf32>
      %swap3A = arith.index_cast %mul3A_308 : i32 to index
      %swap3A_313 = tpu.vector_load %arg11[%swap3A] {strides = array<i32>} : memref<640xf32, #tpu.memory_space<vmem>>, vector<16xf32>,
      tpu.vector_store %arg11[%swap3A], %add3A_312 {strides = array<i32>} : memref<640xf32, #tpu.memory_space<vmem>>, vector<16xf32>,
      %scan3A_314 = arith.constant 0 : i32
      scf.yield %scan3A_314 : i32
    }
    %scan3A_280 = arith.constant 40 : i32
    %run_scoped3A_281 = arith.constant 14 : i32
    "tpu.region"() ({
      %run_scoped3A_305 = tpu.sem_alloc : memref<!tpu.dma_semaphore, #tpu.memory_space<semaphore_mem>>
      %dma_start3A = tpu.memref_slice %arg13[%run_scoped3A_281, %mul3A_27] : memref<16x10240xf32, #tpu.memory_space<vmem_shared>> -> memref<1x640xf32, #tpu.memory_space<vmem_shared>>
      %dma_start3A_306 = tpu.memref_squeeze %dma_start3A : memref<1x640xf32, #tpu.memory_space<vmem_shared>> -> memref<640xf32, #tpu.memory_space<vmem_shared>>
      %dma_start3A_307 = tpu.memref_slice %arg13[%run_scoped3A_281, %mul3A_27] : memref<16x10240xf32, #tpu.memory_space<vmem_shared>> -> memref<1x640xf32, #tpu.memory_space<vmem_shared>>
      %dma_start3A_308 = tpu.memref_squeeze %dma_start3A_307 : memref<1x640xf32, #tpu.memory_space<vmem_shared>> -> memref<640xf32, #tpu.memory_space<vmem_shared>>
      tpu.enqueue_dma source(%dma_start3A_308 : memref<640xf32, #tpu.memory_space<vmem_shared>>) target(%arg10 : memref<640xf32, #tpu.memory_space<vmem>>) target_semaphore(%run_scoped3A_305 : memref<!tpu.dma_semaphore, #tpu.memory_space<semaphore_mem>>)
      %dma_wait3A = tpu.memref_slice %arg13[%run_scoped3A_281, %mul3A_27] : memref<16x10240xf32, #tpu.memory_space<vmem_shared>> -> memref<1x640xf32, #tpu.memory_space<vmem_shared>>
      %dma_wait3A_309 = tpu.memref_squeeze %dma_wait3A : memref<1x640xf32, #tpu.memory_space<vmem_shared>> -> memref<640xf32, #tpu.memory_space<vmem_shared>>
      %dma_wait3A_310 = tpu.memref_slice %arg13[%run_scoped3A_281, %mul3A_27] : memref<16x10240xf32, #tpu.memory_space<vmem_shared>> -> memref<1x640xf32, #tpu.memory_space<vmem_shared>>
      %dma_wait3A_311 = tpu.memref_squeeze %dma_wait3A_310 : memref<1x640xf32, #tpu.memory_space<vmem_shared>> -> memref<640xf32, #tpu.memory_space<vmem_shared>>
      tpu.wait_dma2 semaphore(%run_scoped3A_305 : memref<!tpu.dma_semaphore, #tpu.memory_space<semaphore_mem>>) src(%dma_wait3A_311 : memref<640xf32, #tpu.memory_space<vmem_shared>>) dst(%arg10 : memref<640xf32, #tpu.memory_space<vmem>>)
      tpu.yield
    }) : () -> ()
    %scan3A_282 = arith.constant 0 : i32
    %scan3A_283 = arith.constant 0 : i32
    %scan3A_284 = arith.constant 40 : i32
    %scan3A_285 = arith.addi %scan3A_283, %scan3A_284 : i32
    %scan3A_286 = arith.constant 1 : i32
    %scan3A_287 = scf.for %scan3A_305 = %scan3A_283 to %scan3A_285 step %scan3A_286 iter_args(%scan3A_306 = %scan3A_282) -> (i32)  : i32 {
      %mul3A_307 = arith.constant 16 : i32
      %mul3A_308 = arith.muli %scan3A_305, %mul3A_307 : i32
      %get3A = arith.index_cast %mul3A_308 : i32 to index
      %get3A_309 = tpu.vector_load %arg11[%get3A] {strides = array<i32>} : memref<640xf32, #tpu.memory_space<vmem>>, vector<16xf32>,
      %get3A_310 = arith.index_cast %mul3A_308 : i32 to index
      %get3A_311 = tpu.vector_load %arg10[%get3A_310] {strides = array<i32>} : memref<640xf32, #tpu.memory_space<vmem>>, vector<16xf32>,
      %add3A_312 = arith.addf %get3A_309, %get3A_311 : vector<16xf32>
      %swap3A = arith.index_cast %mul3A_308 : i32 to index
      %swap3A_313 = tpu.vector_load %arg11[%swap3A] {strides = array<i32>} : memref<640xf32, #tpu.memory_space<vmem>>, vector<16xf32>,
      tpu.vector_store %arg11[%swap3A], %add3A_312 {strides = array<i32>} : memref<640xf32, #tpu.memory_space<vmem>>, vector<16xf32>,
      %scan3A_314 = arith.constant 0 : i32
      scf.yield %scan3A_314 : i32
    }
    %scan3A_288 = arith.constant 40 : i32
    %run_scoped3A_289 = arith.constant 15 : i32
    "tpu.region"() ({
      %run_scoped3A_305 = tpu.sem_alloc : memref<!tpu.dma_semaphore, #tpu.memory_space<semaphore_mem>>
      %dma_start3A = tpu.memref_slice %arg13[%run_scoped3A_289, %mul3A_27] : memref<16x10240xf32, #tpu.memory_space<vmem_shared>> -> memref<1x640xf32, #tpu.memory_space<vmem_shared>>
      %dma_start3A_306 = tpu.memref_squeeze %dma_start3A : memref<1x640xf32, #tpu.memory_space<vmem_shared>> -> memref<640xf32, #tpu.memory_space<vmem_shared>>
      %dma_start3A_307 = tpu.memref_slice %arg13[%run_scoped3A_289, %mul3A_27] : memref<16x10240xf32, #tpu.memory_space<vmem_shared>> -> memref<1x640xf32, #tpu.memory_space<vmem_shared>>
      %dma_start3A_308 = tpu.memref_squeeze %dma_start3A_307 : memref<1x640xf32, #tpu.memory_space<vmem_shared>> -> memref<640xf32, #tpu.memory_space<vmem_shared>>
      tpu.enqueue_dma source(%dma_start3A_308 : memref<640xf32, #tpu.memory_space<vmem_shared>>) target(%arg10 : memref<640xf32, #tpu.memory_space<vmem>>) target_semaphore(%run_scoped3A_305 : memref<!tpu.dma_semaphore, #tpu.memory_space<semaphore_mem>>)
      %dma_wait3A = tpu.memref_slice %arg13[%run_scoped3A_289, %mul3A_27] : memref<16x10240xf32, #tpu.memory_space<vmem_shared>> -> memref<1x640xf32, #tpu.memory_space<vmem_shared>>
      %dma_wait3A_309 = tpu.memref_squeeze %dma_wait3A : memref<1x640xf32, #tpu.memory_space<vmem_shared>> -> memref<640xf32, #tpu.memory_space<vmem_shared>>
      %dma_wait3A_310 = tpu.memref_slice %arg13[%run_scoped3A_289, %mul3A_27] : memref<16x10240xf32, #tpu.memory_space<vmem_shared>> -> memref<1x640xf32, #tpu.memory_space<vmem_shared>>
      %dma_wait3A_311 = tpu.memref_squeeze %dma_wait3A_310 : memref<1x640xf32, #tpu.memory_space<vmem_shared>> -> memref<640xf32, #tpu.memory_space<vmem_shared>>
      tpu.wait_dma2 semaphore(%run_scoped3A_305 : memref<!tpu.dma_semaphore, #tpu.memory_space<semaphore_mem>>) src(%dma_wait3A_311 : memref<640xf32, #tpu.memory_space<vmem_shared>>) dst(%arg10 : memref<640xf32, #tpu.memory_space<vmem>>)
      tpu.yield
    }) : () -> ()
    %scan3A_290 = arith.constant 0 : i32
    %scan3A_291 = arith.constant 0 : i32
    %scan3A_292 = arith.constant 40 : i32
    %scan3A_293 = arith.addi %scan3A_291, %scan3A_292 : i32
    %scan3A_294 = arith.constant 1 : i32
    %scan3A_295 = scf.for %scan3A_305 = %scan3A_291 to %scan3A_293 step %scan3A_294 iter_args(%scan3A_306 = %scan3A_290) -> (i32)  : i32 {
      %mul3A_307 = arith.constant 16 : i32
      %mul3A_308 = arith.muli %scan3A_305, %mul3A_307 : i32
      %get3A = arith.index_cast %mul3A_308 : i32 to index
      %get3A_309 = tpu.vector_load %arg11[%get3A] {strides = array<i32>} : memref<640xf32, #tpu.memory_space<vmem>>, vector<16xf32>,
      %get3A_310 = arith.index_cast %mul3A_308 : i32 to index
      %get3A_311 = tpu.vector_load %arg10[%get3A_310] {strides = array<i32>} : memref<640xf32, #tpu.memory_space<vmem>>, vector<16xf32>,
      %add3A_312 = arith.addf %get3A_309, %get3A_311 : vector<16xf32>
      %swap3A = arith.index_cast %mul3A_308 : i32 to index
      %swap3A_313 = tpu.vector_load %arg11[%swap3A] {strides = array<i32>} : memref<640xf32, #tpu.memory_space<vmem>>, vector<16xf32>,
      tpu.vector_store %arg11[%swap3A], %add3A_312 {strides = array<i32>} : memref<640xf32, #tpu.memory_space<vmem>>, vector<16xf32>,
      %scan3A_314 = arith.constant 0 : i32
      scf.yield %scan3A_314 : i32
    }
    %scan3A_296 = arith.constant 40 : i32
    "tpu.region"() ({
      %run_scoped3A_305 = tpu.sem_alloc : memref<!tpu.dma_semaphore, #tpu.memory_space<semaphore_mem>>
      %dma_start3A = tpu.memref_slice %arg15[%mul3A_27] : memref<10240xf32, #tpu.memory_space<vmem_shared>> -> memref<640xf32, #tpu.memory_space<vmem_shared>>
      %dma_start3A_306 = tpu.memref_slice %arg15[%mul3A_27] : memref<10240xf32, #tpu.memory_space<vmem_shared>> -> memref<640xf32, #tpu.memory_space<vmem_shared>>
      tpu.enqueue_dma source(%arg11 : memref<640xf32, #tpu.memory_space<vmem>>) target(%dma_start3A_306 : memref<640xf32, #tpu.memory_space<vmem_shared>>) target_semaphore(%run_scoped3A_305 : memref<!tpu.dma_semaphore, #tpu.memory_space<semaphore_mem>>)
      %dma_wait3A = tpu.memref_slice %arg15[%mul3A_27] : memref<10240xf32, #tpu.memory_space<vmem_shared>> -> memref<640xf32, #tpu.memory_space<vmem_shared>>
      %dma_wait3A_307 = tpu.memref_slice %arg15[%mul3A_27] : memref<10240xf32, #tpu.memory_space<vmem_shared>> -> memref<640xf32, #tpu.memory_space<vmem_shared>>
      tpu.wait_dma2 semaphore(%run_scoped3A_305 : memref<!tpu.dma_semaphore, #tpu.memory_space<semaphore_mem>>) src(%arg11 : memref<640xf32, #tpu.memory_space<vmem>>) dst(%dma_wait3A_307 : memref<640xf32, #tpu.memory_space<vmem_shared>>)
      tpu.yield
    }) : () -> ()
    %barrier3A_297 = arith.constant 0 : index
    tpu.barrier barrier_id(%barrier3A_297)
    "tpu.region"() ({
      %run_scoped3A_305 = tpu.sem_alloc : memref<!tpu.dma_semaphore, #tpu.memory_space<semaphore_mem>>
      tpu.enqueue_dma source(%arg14 : memref<10240xf32, #tpu.memory_space<vmem_shared>>) target(%arg8 : memref<10240xf32, #tpu.memory_space<vmem>>) target_semaphore(%run_scoped3A_305 : memref<!tpu.dma_semaphore, #tpu.memory_space<semaphore_mem>>)
      tpu.wait_dma2 semaphore(%run_scoped3A_305 : memref<!tpu.dma_semaphore, #tpu.memory_space<semaphore_mem>>) src(%arg14 : memref<10240xf32, #tpu.memory_space<vmem_shared>>) dst(%arg8 : memref<10240xf32, #tpu.memory_space<vmem>>)
      tpu.yield
    }) : () -> ()
    "tpu.region"() ({
      %run_scoped3A_305 = tpu.sem_alloc : memref<!tpu.dma_semaphore, #tpu.memory_space<semaphore_mem>>
      tpu.enqueue_dma source(%arg15 : memref<10240xf32, #tpu.memory_space<vmem_shared>>) target(%arg9 : memref<10240xf32, #tpu.memory_space<vmem>>) target_semaphore(%run_scoped3A_305 : memref<!tpu.dma_semaphore, #tpu.memory_space<semaphore_mem>>)
      tpu.wait_dma2 semaphore(%run_scoped3A_305 : memref<!tpu.dma_semaphore, #tpu.memory_space<semaphore_mem>>) src(%arg15 : memref<10240xf32, #tpu.memory_space<vmem_shared>>) dst(%arg9 : memref<10240xf32, #tpu.memory_space<vmem>>)
      tpu.yield
    }) : () -> ()
    %scan3A_298 = arith.constant 0 : i32
    %scan3A_299 = arith.constant 0 : i32
    %scan3A_300 = arith.constant 1250 : i32
    %scan3A_301 = arith.addi %scan3A_299, %scan3A_300 : i32
    %scan3A_302 = arith.constant 1 : i32
    %scan3A_303 = scf.for %scan3A_305 = %scan3A_299 to %scan3A_301 step %scan3A_302 iter_args(%scan3A_306 = %scan3A_298) -> (i32)  : i32 {
      %mul3A_307 = arith.constant 16 : i32
      %mul3A_308 = arith.muli %scan3A_305, %mul3A_307 : i32
      %get3A = arith.index_cast %mul3A_308 : i32 to index
      %get3A_309 = tpu.vector_load %arg7[%get3A] {strides = array<i32>} : memref<20000xi32, #tpu.memory_space<vmem>>, vector<16xi32>,
      %gather3A = tpu.vector_load_idx %arg8[%get3A_309] : memref<10240xf32, #tpu.memory_space<vmem>>[vector<16xi32>], vector<16xf32>,
      %get3A_310 = arith.index_cast %mul3A_308 : i32 to index
      %get3A_311 = tpu.vector_load %arg5[%get3A_310] {strides = array<i32>} : memref<20000xf32, #tpu.memory_space<vmem>>, vector<16xf32>,
      %div3A = arith.divf %get3A_311, %gather3A : vector<16xf32>
      %swap3A = arith.index_cast %mul3A_308 : i32 to index
      %swap3A_312 = tpu.vector_load %arg5[%swap3A] {strides = array<i32>} : memref<20000xf32, #tpu.memory_space<vmem>>, vector<16xf32>,
      tpu.vector_store %arg5[%swap3A], %div3A {strides = array<i32>} : memref<20000xf32, #tpu.memory_space<vmem>>, vector<16xf32>,
      %gather3A_313 = tpu.vector_load_idx %arg9[%get3A_309] : memref<10240xf32, #tpu.memory_space<vmem>>[vector<16xi32>], vector<16xf32>,
      %get3A_314 = arith.index_cast %mul3A_308 : i32 to index
      %get3A_315 = tpu.vector_load %arg6[%get3A_314] {strides = array<i32>} : memref<20000xf32, #tpu.memory_space<vmem>>, vector<16xf32>,
      %div3A_316 = arith.divf %get3A_315, %gather3A_313 : vector<16xf32>
      %swap3A_317 = arith.index_cast %mul3A_308 : i32 to index
      %swap3A_318 = tpu.vector_load %arg6[%swap3A_317] {strides = array<i32>} : memref<20000xf32, #tpu.memory_space<vmem>>, vector<16xf32>,
      tpu.vector_store %arg6[%swap3A_317], %div3A_316 {strides = array<i32>} : memref<20000xf32, #tpu.memory_space<vmem>>, vector<16xf32>,
      %scan3A_319 = arith.constant 0 : i32
      scf.yield %scan3A_319 : i32
    }
    %scan3A_304 = arith.constant 1250 : i32
    "tpu.region"() ({
      %run_scoped3A_305 = tpu.sem_alloc : memref<!tpu.dma_semaphore, #tpu.memory_space<semaphore_mem>>
      %dma_start3A = tpu.memref_slice %arg4[%add3A] : memref<2560000xf32, #tpu.memory_space<hbm>> -> memref<20000xf32, #tpu.memory_space<hbm>>
      %dma_start3A_306 = tpu.memref_slice %arg4[%add3A] : memref<2560000xf32, #tpu.memory_space<hbm>> -> memref<20000xf32, #tpu.memory_space<hbm>>
      tpu.enqueue_dma source(%arg5 : memref<20000xf32, #tpu.memory_space<vmem>>) target(%dma_start3A_306 : memref<20000xf32, #tpu.memory_space<hbm>>) target_semaphore(%run_scoped3A_305 : memref<!tpu.dma_semaphore, #tpu.memory_space<semaphore_mem>>)
      %dma_wait3A = tpu.memref_slice %arg4[%add3A] : memref<2560000xf32, #tpu.memory_space<hbm>> -> memref<20000xf32, #tpu.memory_space<hbm>>
      %dma_wait3A_307 = tpu.memref_slice %arg4[%add3A] : memref<2560000xf32, #tpu.memory_space<hbm>> -> memref<20000xf32, #tpu.memory_space<hbm>>
      tpu.wait_dma2 semaphore(%run_scoped3A_305 : memref<!tpu.dma_semaphore, #tpu.memory_space<semaphore_mem>>) src(%arg5 : memref<20000xf32, #tpu.memory_space<vmem>>) dst(%dma_wait3A_307 : memref<20000xf32, #tpu.memory_space<hbm>>)
      tpu.yield
    }) : () -> ()
    "tpu.region"() ({
      %run_scoped3A_305 = tpu.sem_alloc : memref<!tpu.dma_semaphore, #tpu.memory_space<semaphore_mem>>
      %dma_start3A = tpu.memref_slice %arg4[%add3A_11] : memref<2560000xf32, #tpu.memory_space<hbm>> -> memref<20000xf32, #tpu.memory_space<hbm>>
      %dma_start3A_306 = tpu.memref_slice %arg4[%add3A_11] : memref<2560000xf32, #tpu.memory_space<hbm>> -> memref<20000xf32, #tpu.memory_space<hbm>>
      tpu.enqueue_dma source(%arg6 : memref<20000xf32, #tpu.memory_space<vmem>>) target(%dma_start3A_306 : memref<20000xf32, #tpu.memory_space<hbm>>) target_semaphore(%run_scoped3A_305 : memref<!tpu.dma_semaphore, #tpu.memory_space<semaphore_mem>>)
      %dma_wait3A = tpu.memref_slice %arg4[%add3A_11] : memref<2560000xf32, #tpu.memory_space<hbm>> -> memref<20000xf32, #tpu.memory_space<hbm>>
      %dma_wait3A_307 = tpu.memref_slice %arg4[%add3A_11] : memref<2560000xf32, #tpu.memory_space<hbm>> -> memref<20000xf32, #tpu.memory_space<hbm>>
      tpu.wait_dma2 semaphore(%run_scoped3A_305 : memref<!tpu.dma_semaphore, #tpu.memory_space<semaphore_mem>>) src(%arg6 : memref<20000xf32, #tpu.memory_space<vmem>>) dst(%dma_wait3A_307 : memref<20000xf32, #tpu.memory_space<hbm>>)
      tpu.yield
    }) : () -> ()
    return
  }
}

module attributes {stable_mosaic.version = 14 : i64} {
  func.func @_aqk_body(%arg0: memref<128x512xf32, #tpu.memory_space<vmem>>, %arg1: memref<128x512xf32, #tpu.memory_space<vmem>>, %arg2: memref<128x512xbf16, #tpu.memory_space<vmem>>) attributes {dimension_semantics = [], scalar_prefetch = 0 : i64, scratch_operands = 0 : i64, tpu.core_type = #tpu.core_type<tc>} {
    %get3A = arith.constant 0 : index
    %get3A_0 = arith.constant 0 : index
    %get3A_1 = vector.load %arg0[%get3A, %get3A_0] : memref<128x512xf32, #tpu.memory_space<vmem>>, vector<128x128xf32>
    %get3A_2 = arith.constant 0 : index
    %get3A_3 = arith.constant 0 : index
    %get3A_4 = vector.load %arg1[%get3A_2, %get3A_3] : memref<128x512xf32, #tpu.memory_space<vmem>>, vector<128x128xf32>
    %dot_general3A = arith.constant dense<0.000000e+00> : vector<128x128xf32>
    %dot_general3A_5 = tpu.matmul %get3A_1, %get3A_4, %dot_general3A {dimension_numbers = #tpu.dot_dimension_numbers<[1], [1], [0], [0], [0, 0, 1, 0], [], []>, transpose_lhs_hint = false} : vector<128x128xf32>, vector<128x128xf32>, vector<128x128xf32> -> vector<128x128xf32>
    %convert_element_type3A = arith.truncf %dot_general3A_5 : vector<128x128xf32> to vector<128x128xbf16>
    %swap3A = arith.constant 0 : index
    %swap3A_6 = arith.constant 0 : index
    %swap3A_7 = vector.load %arg2[%swap3A, %swap3A_6] : memref<128x512xbf16, #tpu.memory_space<vmem>>, vector<128x128xbf16>
    tpu.vector_store %arg2[%swap3A, %swap3A_6], %convert_element_type3A {strides = array<i32>} : memref<128x512xbf16, #tpu.memory_space<vmem>>, vector<128x128xbf16>,
    %get3A_8 = arith.constant 0 : index
    %get3A_9 = arith.constant 128 : index
    %get3A_10 = vector.load %arg0[%get3A_8, %get3A_9] : memref<128x512xf32, #tpu.memory_space<vmem>>, vector<128x128xf32>
    %get3A_11 = arith.constant 0 : index
    %get3A_12 = arith.constant 128 : index
    %get3A_13 = vector.load %arg1[%get3A_11, %get3A_12] : memref<128x512xf32, #tpu.memory_space<vmem>>, vector<128x128xf32>
    %dot_general3A_14 = arith.constant dense<0.000000e+00> : vector<128x128xf32>
    %dot_general3A_15 = tpu.matmul %get3A_10, %get3A_13, %dot_general3A_14 {dimension_numbers = #tpu.dot_dimension_numbers<[1], [1], [0], [0], [0, 0, 1, 0], [], []>, transpose_lhs_hint = false} : vector<128x128xf32>, vector<128x128xf32>, vector<128x128xf32> -> vector<128x128xf32>
    %convert_element_type3A_16 = arith.truncf %dot_general3A_15 : vector<128x128xf32> to vector<128x128xbf16>
    %swap3A_17 = arith.constant 0 : index
    %swap3A_18 = arith.constant 128 : index
    %swap3A_19 = vector.load %arg2[%swap3A_17, %swap3A_18] : memref<128x512xbf16, #tpu.memory_space<vmem>>, vector<128x128xbf16>
    tpu.vector_store %arg2[%swap3A_17, %swap3A_18], %convert_element_type3A_16 {strides = array<i32>} : memref<128x512xbf16, #tpu.memory_space<vmem>>, vector<128x128xbf16>,
    %get3A_20 = arith.constant 0 : index
    %get3A_21 = arith.constant 256 : index
    %get3A_22 = vector.load %arg0[%get3A_20, %get3A_21] : memref<128x512xf32, #tpu.memory_space<vmem>>, vector<128x128xf32>
    %get3A_23 = arith.constant 0 : index
    %get3A_24 = arith.constant 256 : index
    %get3A_25 = vector.load %arg1[%get3A_23, %get3A_24] : memref<128x512xf32, #tpu.memory_space<vmem>>, vector<128x128xf32>
    %dot_general3A_26 = arith.constant dense<0.000000e+00> : vector<128x128xf32>
    %dot_general3A_27 = tpu.matmul %get3A_22, %get3A_25, %dot_general3A_26 {dimension_numbers = #tpu.dot_dimension_numbers<[1], [1], [0], [0], [0, 0, 1, 0], [], []>, transpose_lhs_hint = false} : vector<128x128xf32>, vector<128x128xf32>, vector<128x128xf32> -> vector<128x128xf32>
    %convert_element_type3A_28 = arith.truncf %dot_general3A_27 : vector<128x128xf32> to vector<128x128xbf16>
    %swap3A_29 = arith.constant 0 : index
    %swap3A_30 = arith.constant 256 : index
    %swap3A_31 = vector.load %arg2[%swap3A_29, %swap3A_30] : memref<128x512xbf16, #tpu.memory_space<vmem>>, vector<128x128xbf16>
    tpu.vector_store %arg2[%swap3A_29, %swap3A_30], %convert_element_type3A_28 {strides = array<i32>} : memref<128x512xbf16, #tpu.memory_space<vmem>>, vector<128x128xbf16>,
    %get3A_32 = arith.constant 0 : index
    %get3A_33 = arith.constant 384 : index
    %get3A_34 = vector.load %arg0[%get3A_32, %get3A_33] : memref<128x512xf32, #tpu.memory_space<vmem>>, vector<128x128xf32>
    %get3A_35 = arith.constant 0 : index
    %get3A_36 = arith.constant 384 : index
    %get3A_37 = vector.load %arg1[%get3A_35, %get3A_36] : memref<128x512xf32, #tpu.memory_space<vmem>>, vector<128x128xf32>
    %dot_general3A_38 = arith.constant dense<0.000000e+00> : vector<128x128xf32>
    %dot_general3A_39 = tpu.matmul %get3A_34, %get3A_37, %dot_general3A_38 {dimension_numbers = #tpu.dot_dimension_numbers<[1], [1], [0], [0], [0, 0, 1, 0], [], []>, transpose_lhs_hint = false} : vector<128x128xf32>, vector<128x128xf32>, vector<128x128xf32> -> vector<128x128xf32>
    %convert_element_type3A_40 = arith.truncf %dot_general3A_39 : vector<128x128xf32> to vector<128x128xbf16>
    %swap3A_41 = arith.constant 0 : index
    %swap3A_42 = arith.constant 384 : index
    %swap3A_43 = vector.load %arg2[%swap3A_41, %swap3A_42] : memref<128x512xbf16, #tpu.memory_space<vmem>>, vector<128x128xbf16>
    tpu.vector_store %arg2[%swap3A_41, %swap3A_42], %convert_element_type3A_40 {strides = array<i32>} : memref<128x512xbf16, #tpu.memory_space<vmem>>, vector<128x128xbf16>,
    return
  }
}

module attributes {stable_mosaic.version = 14 : i64} {
  func.func @_att_body(%arg0: i32, %arg1: memref<3200x128xf32, #tpu.memory_space<vmem>>, %arg2: memref<128x512xbf16, #tpu.memory_space<vmem>>, %arg3: memref<512x8xbf16, #tpu.memory_space<vmem>>, %arg4: memref<8x3200xf32, #tpu.memory_space<vmem>>) attributes {dimension_semantics = [#tpu.dimension_semantics<arbitrary>], iteration_bounds = array<i64: 100>, scalar_prefetch = 0 : i64, scratch_operands = 0 : i64, tpu.core_type = #tpu.core_type<tc>, window_params = [{transform_indices = @transform_0, window_bounds = array<i64: 3200, 128>}, {pipeline_mode = #tpu.pipeline_mode<synchronous>, transform_indices = @transform_1, window_bounds = array<i64: 128, 512>}, {pipeline_mode = #tpu.pipeline_mode<synchronous>, transform_indices = @transform_2, window_bounds = array<i64: 512, 8>}, {transform_indices = @transform_3, window_bounds = array<i64: 8, 3200>}]} {
    %get3A = arith.constant 0 : index
    %get3A_0 = arith.constant 0 : index
    %get3A_1 = vector.load %arg1[%get3A, %get3A_0] : memref<3200x128xf32, #tpu.memory_space<vmem>>, vector<3200x128xf32>
    %convert_element_type3A = arith.truncf %get3A_1 : vector<3200x128xf32> to vector<3200x128xbf16>
    %get3A_2 = arith.constant 0 : index
    %get3A_3 = arith.constant 0 : index
    %get3A_4 = vector.load %arg2[%get3A_2, %get3A_3] : memref<128x512xbf16, #tpu.memory_space<vmem>>, vector<128x512xbf16>
    %dot_general3A = arith.constant dense<0.000000e+00> : vector<3200x512xf32>
    %dot_general3A_5 = tpu.matmul %convert_element_type3A, %get3A_4, %dot_general3A {dimension_numbers = #tpu.dot_dimension_numbers<[1], [0], [0], [1], [0, 0, 1, 1], [], []>, transpose_lhs_hint = false} : vector<3200x128xbf16>, vector<128x512xbf16>, vector<3200x512xf32> -> vector<3200x512xf32>
    %convert_element_type3A_6 = arith.truncf %dot_general3A_5 : vector<3200x512xf32> to vector<3200x512xbf16>
    %concatenate3A = tpu.concatenate %convert_element_type3A, %convert_element_type3A, %convert_element_type3A, %convert_element_type3A in 1 : vector<3200x128xbf16>, vector<3200x128xbf16>, vector<3200x128xbf16>, vector<3200x128xbf16> -> vector<3200x512xbf16>
    %mul3A = arith.mulf %convert_element_type3A_6, %concatenate3A : vector<3200x512xbf16>
    %get3A_7 = arith.constant 0 : index
    %get3A_8 = arith.constant 0 : index
    %get3A_9 = vector.load %arg3[%get3A_7, %get3A_8] : memref<512x8xbf16, #tpu.memory_space<vmem>>, vector<512x8xbf16>
    %dot_general3A_10 = arith.constant dense<0.000000e+00> : vector<3200x8xf32>
    %dot_general3A_11 = tpu.matmul %mul3A, %get3A_9, %dot_general3A_10 {dimension_numbers = #tpu.dot_dimension_numbers<[1], [0], [0], [1], [0, 0, 1, 1], [], []>, transpose_lhs_hint = false} : vector<3200x512xbf16>, vector<512x8xbf16>, vector<3200x8xf32> -> vector<3200x8xf32>
    %transpose3A = tpu.transpose %dot_general3A_11, [1, 0] : vector<3200x8xf32> -> vector<8x3200xf32>
    %swap3A = arith.constant 0 : index
    %swap3A_12 = arith.constant 0 : index
    %swap3A_13 = vector.load %arg4[%swap3A, %swap3A_12] : memref<8x3200xf32, #tpu.memory_space<vmem>>, vector<8x3200xf32>
    tpu.vector_store %arg4[%swap3A, %swap3A_12], %transpose3A {strides = array<i32>} : memref<8x3200xf32, #tpu.memory_space<vmem>>, vector<8x3200xf32>,
    return
  }
  func.func @transform_0(%arg0: i32) -> (i32, i32) {
    %c0_i32 = arith.constant 0 : i32
    %c0_i32_0 = arith.constant 0 : i32
    return %arg0, %c0_i32 : i32, i32
  }
  func.func @transform_1(%arg0: i32) -> (i32, i32) {
    %c0_i32 = arith.constant 0 : i32
    %c0_i32_0 = arith.constant 0 : i32
    %c0_i32_1 = arith.constant 0 : i32
    return %c0_i32, %c0_i32_0 : i32, i32
  }
  func.func @transform_2(%arg0: i32) -> (i32, i32) {
    %c0_i32 = arith.constant 0 : i32
    %c0_i32_0 = arith.constant 0 : i32
    %c0_i32_1 = arith.constant 0 : i32
    return %c0_i32, %c0_i32_0 : i32, i32
  }
  func.func @transform_3(%arg0: i32) -> (i32, i32) {
    %c0_i32 = arith.constant 0 : i32
    %c0_i32_0 = arith.constant 0 : i32
    return %c0_i32, %arg0 : i32, i32
  }
}

module attributes {stable_mosaic.version = 14 : i64} {
  func.func @_out_body(%arg0: i32, %arg1: memref<3200x128xf32, #tpu.memory_space<vmem>>, %arg2: memref<8x3200xf32, #tpu.memory_space<vmem>>, %arg3: memref<128x512xbf16, #tpu.memory_space<vmem>>, %arg4: memref<128x512xbf16, #tpu.memory_space<vmem>>, %arg5: memref<1x512xf32, #tpu.memory_space<vmem>>, %arg6: memref<128x128xbf16, #tpu.memory_space<vmem>>, %arg7: memref<1x128xf32, #tpu.memory_space<vmem>>, %arg8: memref<128x128xbf16, #tpu.memory_space<vmem>>, %arg9: memref<1x128xf32, #tpu.memory_space<vmem>>, %arg10: memref<3200x128xf32, #tpu.memory_space<vmem>>) attributes {dimension_semantics = [#tpu.dimension_semantics<arbitrary>], iteration_bounds = array<i64: 100>, scalar_prefetch = 0 : i64, scratch_operands = 0 : i64, tpu.core_type = #tpu.core_type<tc>, window_params = [{transform_indices = @transform_0, window_bounds = array<i64: 3200, 128>}, {transform_indices = @transform_1, window_bounds = array<i64: 8, 3200>}, {pipeline_mode = #tpu.pipeline_mode<synchronous>, transform_indices = @transform_2, window_bounds = array<i64: 128, 512>}, {pipeline_mode = #tpu.pipeline_mode<synchronous>, transform_indices = @transform_3, window_bounds = array<i64: 128, 512>}, {pipeline_mode = #tpu.pipeline_mode<synchronous>, transform_indices = @transform_4, window_bounds = array<i64: 1, 512>}, {pipeline_mode = #tpu.pipeline_mode<synchronous>, transform_indices = @transform_5, window_bounds = array<i64: 128, 128>}, {pipeline_mode = #tpu.pipeline_mode<synchronous>, transform_indices = @transform_6, window_bounds = array<i64: 1, 128>}, {pipeline_mode = #tpu.pipeline_mode<synchronous>, transform_indices = @transform_7, window_bounds = array<i64: 128, 128>}, {pipeline_mode = #tpu.pipeline_mode<synchronous>, transform_indices = @transform_8, window_bounds = array<i64: 1, 128>}, {transform_indices = @transform_9, window_bounds = array<i64: 3200, 128>}]} {
    %get3A = arith.constant 0 : index
    %get3A_0 = arith.constant 0 : index
    %get3A_1 = vector.load %arg1[%get3A, %get3A_0] : memref<3200x128xf32, #tpu.memory_space<vmem>>, vector<3200x128xf32>
    %convert_element_type3A = arith.truncf %get3A_1 : vector<3200x128xf32> to vector<3200x128xbf16>
    %get3A_2 = arith.constant 0 : index
    %get3A_3 = arith.constant 0 : index
    %get3A_4 = vector.load %arg3[%get3A_2, %get3A_3] : memref<128x512xbf16, #tpu.memory_space<vmem>>, vector<128x512xbf16>
    %dot_general3A = arith.constant dense<0.000000e+00> : vector<3200x512xf32>
    %dot_general3A_5 = tpu.matmul %convert_element_type3A, %get3A_4, %dot_general3A {dimension_numbers = #tpu.dot_dimension_numbers<[1], [0], [0], [1], [0, 0, 1, 1], [], []>, transpose_lhs_hint = false} : vector<3200x128xbf16>, vector<128x512xbf16>, vector<3200x512xf32> -> vector<3200x512xf32>
    %get3A_6 = arith.constant 0 : index
    %get3A_7 = arith.constant 0 : index
    %get3A_8 = vector.load %arg4[%get3A_6, %get3A_7] : memref<128x512xbf16, #tpu.memory_space<vmem>>, vector<128x512xbf16>
    %dot_general3A_9 = arith.constant dense<0.000000e+00> : vector<3200x512xf32>
    %dot_general3A_10 = tpu.matmul %convert_element_type3A, %get3A_8, %dot_general3A_9 {dimension_numbers = #tpu.dot_dimension_numbers<[1], [0], [0], [1], [0, 0, 1, 1], [], []>, transpose_lhs_hint = false} : vector<3200x128xbf16>, vector<128x512xbf16>, vector<3200x512xf32> -> vector<3200x512xf32>
    %get3A_11 = arith.constant 0 : index
    %get3A_12 = arith.constant 0 : index
    %get3A_13 = vector.load %arg5[%get3A_11, %get3A_12] : memref<1x512xf32, #tpu.memory_space<vmem>>, vector<1x512xf32>
    %add3A = vector.broadcast %get3A_13 : vector<1x512xf32> to vector<3200x512xf32>
    %add3A_14 = arith.addf %dot_general3A_10, %add3A : vector<3200x512xf32>
    %logistic3A = arith.negf %add3A_14 : vector<3200x512xf32>
    %logistic3A_15 = math.exp %logistic3A : vector<3200x512xf32>
    %logistic3A_16 = arith.constant 1.000000e+00 : f32
    %logistic3A_17 = vector.broadcast %logistic3A_16 : f32 to vector<3200x512xf32>
    %logistic3A_18 = arith.addf %logistic3A_17, %logistic3A_15 : vector<3200x512xf32>
    %logistic3A_19 = arith.divf %logistic3A_17, %logistic3A_18 : vector<3200x512xf32>
    %mul3A = arith.mulf %dot_general3A_5, %logistic3A_19 : vector<3200x512xf32>
    %get3A_20 = arith.constant 0 : index
    %get3A_21 = arith.constant 0 : index
    %get3A_22 = vector.load %arg2[%get3A_20, %get3A_21] : memref<8x3200xf32, #tpu.memory_space<vmem>>, vector<8x3200xf32>
    %transpose3A = tpu.transpose %get3A_22, [1, 0] : vector<8x3200xf32> -> vector<3200x8xf32>
    %slice3A = vector.extract_strided_slice %transpose3A {offsets = [0, 0], sizes = [3200, 1], strides = [1, 1]} : vector<3200x8xf32> to vector<3200x1xf32>
    %slice3A_23 = vector.extract_strided_slice %mul3A {offsets = [0, 0], sizes = [3200, 128], strides = [1, 1]} : vector<3200x512xf32> to vector<3200x128xf32>
    %mul3A_24 = vector.broadcast %slice3A : vector<3200x1xf32> to vector<3200x128xf32>
    %mul3A_25 = arith.mulf %mul3A_24, %slice3A_23 : vector<3200x128xf32>
    %add3A_26 = arith.addf %get3A_1, %mul3A_25 : vector<3200x128xf32>
    %slice3A_27 = vector.extract_strided_slice %transpose3A {offsets = [0, 1], sizes = [3200, 1], strides = [1, 1]} : vector<3200x8xf32> to vector<3200x1xf32>
    %slice3A_28 = vector.extract_strided_slice %mul3A {offsets = [0, 128], sizes = [3200, 128], strides = [1, 1]} : vector<3200x512xf32> to vector<3200x128xf32>
    %mul3A_29 = vector.broadcast %slice3A_27 : vector<3200x1xf32> to vector<3200x128xf32>
    %mul3A_30 = arith.mulf %mul3A_29, %slice3A_28 : vector<3200x128xf32>
    %add3A_31 = arith.addf %add3A_26, %mul3A_30 : vector<3200x128xf32>
    %slice3A_32 = vector.extract_strided_slice %transpose3A {offsets = [0, 2], sizes = [3200, 1], strides = [1, 1]} : vector<3200x8xf32> to vector<3200x1xf32>
    %slice3A_33 = vector.extract_strided_slice %mul3A {offsets = [0, 256], sizes = [3200, 128], strides = [1, 1]} : vector<3200x512xf32> to vector<3200x128xf32>
    %mul3A_34 = vector.broadcast %slice3A_32 : vector<3200x1xf32> to vector<3200x128xf32>
    %mul3A_35 = arith.mulf %mul3A_34, %slice3A_33 : vector<3200x128xf32>
    %add3A_36 = arith.addf %add3A_31, %mul3A_35 : vector<3200x128xf32>
    %slice3A_37 = vector.extract_strided_slice %transpose3A {offsets = [0, 3], sizes = [3200, 1], strides = [1, 1]} : vector<3200x8xf32> to vector<3200x1xf32>
    %slice3A_38 = vector.extract_strided_slice %mul3A {offsets = [0, 384], sizes = [3200, 128], strides = [1, 1]} : vector<3200x512xf32> to vector<3200x128xf32>
    %mul3A_39 = vector.broadcast %slice3A_37 : vector<3200x1xf32> to vector<3200x128xf32>
    %mul3A_40 = arith.mulf %mul3A_39, %slice3A_38 : vector<3200x128xf32>
    %add3A_41 = arith.addf %add3A_36, %mul3A_40 : vector<3200x128xf32>
    %convert_element_type3A_42 = arith.truncf %add3A_41 : vector<3200x128xf32> to vector<3200x128xbf16>
    %get3A_43 = arith.constant 0 : index
    %get3A_44 = arith.constant 0 : index
    %get3A_45 = vector.load %arg6[%get3A_43, %get3A_44] : memref<128x128xbf16, #tpu.memory_space<vmem>>, vector<128x128xbf16>
    %dot_general3A_46 = arith.constant dense<0.000000e+00> : vector<3200x128xf32>
    %dot_general3A_47 = tpu.matmul %convert_element_type3A_42, %get3A_45, %dot_general3A_46 {dimension_numbers = #tpu.dot_dimension_numbers<[1], [0], [0], [1], [0, 0, 1, 1], [], []>, transpose_lhs_hint = false} : vector<3200x128xbf16>, vector<128x128xbf16>, vector<3200x128xf32> -> vector<3200x128xf32>
    %get3A_48 = arith.constant 0 : index
    %get3A_49 = arith.constant 0 : index
    %get3A_50 = vector.load %arg7[%get3A_48, %get3A_49] : memref<1x128xf32, #tpu.memory_space<vmem>>, vector<1x128xf32>
    %add3A_51 = vector.broadcast %get3A_50 : vector<1x128xf32> to vector<3200x128xf32>
    %add3A_52 = arith.addf %dot_general3A_47, %add3A_51 : vector<3200x128xf32>
    %mul3A_53 = arith.constant 5.000000e-01 : f32
    %mul3A_54 = vector.broadcast %mul3A_53 : f32 to vector<3200x128xf32>
    %mul3A_55 = arith.mulf %mul3A_54, %add3A_52 : vector<3200x128xf32>
    %mul3A_56 = arith.constant 0.707106769 : f32
    %mul3A_57 = vector.broadcast %mul3A_56 : f32 to vector<3200x128xf32>
    %mul3A_58 = arith.mulf %add3A_52, %mul3A_57 : vector<3200x128xf32>
    %erf3A = math.erf %mul3A_58 : vector<3200x128xf32>
    %add3A_59 = arith.constant 1.000000e+00 : f32
    %add3A_60 = vector.broadcast %add3A_59 : f32 to vector<3200x128xf32>
    %add3A_61 = arith.addf %add3A_60, %erf3A : vector<3200x128xf32>
    %mul3A_62 = arith.mulf %mul3A_55, %add3A_61 : vector<3200x128xf32>
    %convert_element_type3A_63 = arith.truncf %mul3A_62 : vector<3200x128xf32> to vector<3200x128xbf16>
    %get3A_64 = arith.constant 0 : index
    %get3A_65 = arith.constant 0 : index
    %get3A_66 = vector.load %arg8[%get3A_64, %get3A_65] : memref<128x128xbf16, #tpu.memory_space<vmem>>, vector<128x128xbf16>
    %dot_general3A_67 = arith.constant dense<0.000000e+00> : vector<3200x128xf32>
    %dot_general3A_68 = tpu.matmul %convert_element_type3A_63, %get3A_66, %dot_general3A_67 {dimension_numbers = #tpu.dot_dimension_numbers<[1], [0], [0], [1], [0, 0, 1, 1], [], []>, transpose_lhs_hint = false} : vector<3200x128xbf16>, vector<128x128xbf16>, vector<3200x128xf32> -> vector<3200x128xf32>
    %add3A_69 = arith.addf %add3A_41, %dot_general3A_68 : vector<3200x128xf32>
    %get3A_70 = arith.constant 0 : index
    %get3A_71 = arith.constant 0 : index
    %get3A_72 = vector.load %arg9[%get3A_70, %get3A_71] : memref<1x128xf32, #tpu.memory_space<vmem>>, vector<1x128xf32>
    %add3A_73 = vector.broadcast %get3A_72 : vector<1x128xf32> to vector<3200x128xf32>
    %add3A_74 = arith.addf %add3A_69, %add3A_73 : vector<3200x128xf32>
    %swap3A = arith.constant 0 : index
    %swap3A_75 = arith.constant 0 : index
    %swap3A_76 = vector.load %arg10[%swap3A, %swap3A_75] : memref<3200x128xf32, #tpu.memory_space<vmem>>, vector<3200x128xf32>
    tpu.vector_store %arg10[%swap3A, %swap3A_75], %add3A_74 {strides = array<i32>} : memref<3200x128xf32, #tpu.memory_space<vmem>>, vector<3200x128xf32>,
    return
  }
  func.func @transform_0(%arg0: i32) -> (i32, i32) {
    %c0_i32 = arith.constant 0 : i32
    %c0_i32_0 = arith.constant 0 : i32
    return %arg0, %c0_i32 : i32, i32
  }
  func.func @transform_1(%arg0: i32) -> (i32, i32) {
    %c0_i32 = arith.constant 0 : i32
    %c0_i32_0 = arith.constant 0 : i32
    return %c0_i32, %arg0 : i32, i32
  }
  func.func @transform_2(%arg0: i32) -> (i32, i32) {
    %c0_i32 = arith.constant 0 : i32
    %c0_i32_0 = arith.constant 0 : i32
    %c0_i32_1 = arith.constant 0 : i32
    return %c0_i32, %c0_i32_0 : i32, i32
  }
  func.func @transform_3(%arg0: i32) -> (i32, i32) {
    %c0_i32 = arith.constant 0 : i32
    %c0_i32_0 = arith.constant 0 : i32
    %c0_i32_1 = arith.constant 0 : i32
    return %c0_i32, %c0_i32_0 : i32, i32
  }
  func.func @transform_4(%arg0: i32) -> (i32, i32) {
    %c0_i32 = arith.constant 0 : i32
    %c0_i32_0 = arith.constant 0 : i32
    %c0_i32_1 = arith.constant 0 : i32
    return %c0_i32, %c0_i32_0 : i32, i32
  }
  func.func @transform_5(%arg0: i32) -> (i32, i32) {
    %c0_i32 = arith.constant 0 : i32
    %c0_i32_0 = arith.constant 0 : i32
    %c0_i32_1 = arith.constant 0 : i32
    return %c0_i32, %c0_i32_0 : i32, i32
  }
  func.func @transform_6(%arg0: i32) -> (i32, i32) {
    %c0_i32 = arith.constant 0 : i32
    %c0_i32_0 = arith.constant 0 : i32
    %c0_i32_1 = arith.constant 0 : i32
    return %c0_i32, %c0_i32_0 : i32, i32
  }
  func.func @transform_7(%arg0: i32) -> (i32, i32) {
    %c0_i32 = arith.constant 0 : i32
    %c0_i32_0 = arith.constant 0 : i32
    %c0_i32_1 = arith.constant 0 : i32
    return %c0_i32, %c0_i32_0 : i32, i32
  }
  func.func @transform_8(%arg0: i32) -> (i32, i32) {
    %c0_i32 = arith.constant 0 : i32
    %c0_i32_0 = arith.constant 0 : i32
    %c0_i32_1 = arith.constant 0 : i32
    return %c0_i32, %c0_i32_0 : i32, i32
  }
  func.func @transform_9(%arg0: i32) -> (i32, i32) {
    %c0_i32 = arith.constant 0 : i32
    %c0_i32_0 = arith.constant 0 : i32
    return %arg0, %c0_i32 : i32, i32
  }
}

</mosaic_0001>

<sc_bundles>
// kernel: kernel.6.cloned.1.call-start
scs
__scs_entry_jumppad:
0x0: {  	(pc) =	sbr.rel $0x88, $3  }
0x1: {  	(tag) =	ssettag $0x0;
	lr =	simm.s32 $0x1  }
0x2: {  	[smem:$0x3F96] =	sst lr;
	_ =	strace $0xD0000000  }
0x3: {  	_ = 	snop  }
0x4: {  	_ = 	snop  }
0x5: {  	_ = 	snop  }
0x6: {  	_ = 	snop  }
0x7: {  	_ = 	snop  }
__scs_overlays_trampoline_lowered:
0x8: {  	[smem:$0x3FA5] =	sst s0  }
0x9: {  	[smem:$0x3FA6] =	sst s1  }
0xa: {  	[smem:$0x3FA7] =	sst s2  }
0xb: {  	[smem:$0x3FA8] =	sst s3  }
0xc: {  	[smem:$0x3FA9] =	sst s4  }
0xd: {  	[smem:$0x3FAA] =	sst s5  }
0xe: {  	[smem:$0x3FAB] =	sst s6  }
0xf: {  	[smem:$0x3FAC] =	sst s7  }
0x10: {  	[smem:$0x3FAD] =	sst s8  }
0x11: {  	[smem:$0x3FAE] =	sst s9;
	s0 =	simm.s32 @!p0 $0x0  }
0x12: {  	s1 =	sld [smem:$0x3F94];
	s0 =	simm.s32 @p0 $0x1  }
0x13: {  	[smem:$0x3FAF] =	sst s0;
	s0 =	simm.s32 @!p1 $0x0  }
0x14: {  	s2 =	sld [smem:$0x3F93];
	s0 =	simm.s32 @p1 $0x1  }
0x15: {  	[smem:$0x3FB0] =	sst s0;
	s0 =	simm.s32 @!p2 $0x0  }
0x16: {  	s3 =	sld [smem:$0x3FDB];
	s0 =	simm.s32 @p2 $0x1  }
0x17: {  	s4 =	simm.s32 $0x1BF5;
	[smem:$0x3FB2] =	sst s0  }
0x18: {  	s0 =	sld [smem:$0x3F95];
	_ =	swait.ge [sflag:s4], $0x0  }
0x19: {  	s7 =	sld [smem:$0x3F96]  }
0x1a: {  	s8 =	sadd.s32 $0xFFFFE003, lr  }
0x1b: {  	s9 =	sadd.s32 $0xFFFFFEF7, lr;
	s5 =	simm.s32 $0xFFFFFFFF;
	p2 =	slt.u32 s8, $0xFFFFF086  }
0x1c: {  	p1 =	slt.u32 s9, $0xF7A;
	s5 =	simm.s32 @!p2 $0x0  }
0x1d: {  	s5 =	simm.s32 @p1 $0x1;
	p0 =	seq.s32 s7, s2  }
0x1e: {  	s7 =	smul.u32 @!p0 $0xF7A, s2;
	p2 =	seq.s32 @!p0 s5, $0x0  }
0x1f: {  	s9 =	smul.u32 $0xF7A, s1;
	s8 =	simm.s32 @!p0 $0x1BF5;
	p2 =	por !p2, p0  }
0x20: {  	[sflag:s8] =	ssyncset.s32 @!p0 $0xFFFFF086;
	s6 =	sadd.s32 @!p0 s3, s7;
	s7 =	simm.s32 @!p0 $0x108  }
0x21: {  	s3 =	sadd.s32 s3, s9;
	s6 =	sadd.s32 @!p0 $0x88, s6;
	s7 =	simm.s32 @p2 $0x1082  }
0x22: {  	[simem:s7], [sflag:s8] =	dma.local @!p0 [hbm:s6], $0xF7A  }
0x23: {  	s9 =	sor.u32 $0xD0000000, s2;
	s6 =	simm.s32 $0x108;
	_ =	swait.ge @!p0 [sflag:s8], $0x0  }
0x24: {  	s3 =	sadd.s32 $0x88, s3;
	s6 =	simm.s32 @!p1 $0x1082;
	[sflag:s4] =	ssyncset.s32 $0xFFFFF086  }
0x25: {  	[simem:s6], [sflag:s4] =	dma.local [hbm:s3], $0xF7A  }
0x26: {  	[smem:$0x3F96] =	sst s1;
	(tag) =	ssettag s2;
	_ =	strace s9  }
0x27: {  	s1 =	sld [smem:$0x3FA6]  }
0x28: {  	s2 =	sld [smem:$0x3FA7]  }
0x29: {  	s4 =	sld [smem:$0x3FA9]  }
0x2a: {  	p0 =	seq.s32 s5, $0x0;
	s5 =	sld [smem:$0x3FAA]  }
0x2b: {  	s6 =	sld [smem:$0x3FAB]  }
0x2c: {  	s7 =	sld [smem:$0x3FAC]  }
0x2d: {  	s3 =	simm.s32 $0x108;
	s8 =	sld [smem:$0x3FAD]  }
0x2e: {  	s3 =	simm.s32 @!p0 $0x1082;
	s9 =	sld [smem:$0x3FAE]  }
0x2f: {  	lr =	sadd.s32 s0, s3;
	s0 =	sld [smem:$0x3FA5]  }
0x30: {  	s3 =	sld [smem:$0x3FA8]  }
0x31: {  	[smem:$0x3FB1] =	sst s10  }
0x32: {  	s10 =	sld [smem:$0x3FAF];
	_ =	sdelay $0x3  }
0x33: {  	p0 =	seq.s32 s10, $0x1;
	s10 =	sld [smem:$0x3FB1];
	_ =	sdelay $0x3  }
0x34: {  	[smem:$0x3FB1] =	sst s10  }
0x35: {  	s10 =	sld [smem:$0x3FB0];
	_ =	sdelay $0x3  }
0x36: {  	p1 =	seq.s32 s10, $0x1;
	s10 =	sld [smem:$0x3FB1];
	_ =	sdelay $0x3  }
0x37: {  	[smem:$0x3FB1] =	sst s10  }
0x38: {  	s10 =	sld [smem:$0x3FB2]  }
0x39: {  	_ = 	snop;
	(pc) =	sbr.ind lr, $3  }
0x3a: {  	_ = 	snop  }
0x3b: {  	_ = 	snop  }
0x3c: {  	p2 =	seq.s32 s10, $0x1;
	s10 =	sld [smem:$0x3FB1]  }
0x3d: {  	_ =	shalt  }
0x3e: {  	_ =	shalt  }
0x3f: {  	_ =	shalt  }
0x40: {  	_ =	shalt  }
0x41: {  	_ =	shalt  }
0x42: {  	_ =	shalt  }
0x43: {  	_ =	shalt  }
0x44: {  	_ =	shalt  }
0x45: {  	_ =	shalt  }
0x46: {  	_ =	shalt  }
0x47: {  	_ =	shalt  }
0x48: {  	_ =	shalt  }
0x49: {  	_ =	shalt  }
0x4a: {  	_ =	shalt  }
0x4b: {  	_ =	shalt  }
0x4c: {  	_ =	shalt  }
0x4d: {  	_ =	shalt  }
0x4e: {  	_ =	shalt  }
0x4f: {  	_ =	shalt  }
0x50: {  	_ =	shalt  }
0x51: {  	_ =	shalt  }
0x52: {  	_ =	shalt  }
0x53: {  	_ =	shalt  }
0x54: {  	_ =	shalt  }
0x55: {  	_ =	shalt  }
0x56: {  	_ =	shalt  }
0x57: {  	_ =	shalt  }
0x58: {  	_ =	shalt  }
0x59: {  	_ =	shalt  }
0x5a: {  	_ =	shalt  }
0x5b: {  	_ =	shalt  }
0x5c: {  	_ =	shalt  }
0x5d: {  	_ =	shalt  }
0x5e: {  	_ =	shalt  }
0x5f: {  	_ =	shalt  }
0x60: {  	_ =	shalt  }
0x61: {  	_ =	shalt  }
0x62: {  	_ =	shalt  }
0x63: {  	_ =	shalt  }
0x64: {  	_ =	shalt  }
0x65: {  	_ =	shalt  }
0x66: {  	_ =	shalt  }
0x67: {  	_ =	shalt  }
0x68: {  	_ =	shalt  }
0x69: {  	_ =	shalt  }
0x6a: {  	_ =	shalt  }
0x6b: {  	_ =	shalt  }
0x6c: {  	_ =	shalt  }
0x6d: {  	_ =	shalt  }
0x6e: {  	_ =	shalt  }
0x6f: {  	_ =	shalt  }
0x70: {  	_ =	shalt  }
0x71: {  	_ =	shalt  }
0x72: {  	_ =	shalt  }
0x73: {  	_ =	shalt  }
0x74: {  	_ =	shalt  }
0x75: {  	_ =	shalt  }
0x76: {  	_ =	shalt  }
0x77: {  	_ =	shalt  }
0x78: {  	_ =	shalt  }
0x79: {  	_ =	shalt  }
0x7a: {  	_ =	shalt  }
0x7b: {  	_ =	shalt  }
0x7c: {  	_ =	shalt  }
0x7d: {  	_ =	shalt  }
0x7e: {  	_ =	shalt  }
0x7f: {  	_ =	shalt  }
0x80: {  	_ =	shalt  }
0x81: {  	_ =	shalt  }
0x82: {  	_ =	shalt  }
0x83: {  	_ =	shalt  }
0x84: {  	_ =	shalt  }
0x85: {  	_ =	shalt  }
0x86: {  	_ =	shalt  }
0x87: {  	_ =	shalt  }
.Lfunc_end0:
.L_simem_size_0:
called_computation_lowered:
.L_overlay_start_0:
0x88: {  	s2 =	sld [smem:$0x3FD9]  }
0x89: {  	s3 =	sld [smem:$0x3FFE];
	_ =	sdelay $0x1  }
0x8a: {  	s1 =	srdreg.scid  }
0x8b: {  	s0 =	sand.u32 $0x1, s1  }
0x8c: {  	s17 =	sshll.u32 s0, $0xA;
	s2 =	sadd.s32 s3, s2  }
0x8d: {  	s2 =	sadd.s32 s2, s17  }
0x8e: {  	[smem:$0x3FBD] =	sst s2  }
0x8f: {  	_ = 	snop  }
0x90: {  	s2 =	sld [smem:$0x3FD0];
	(tm) =	ssettm $0x1  }
0x91: {  	s18 =	sld [smem:$0x3FFB];
	_ =	sdelay $0x3  }
0x92: {  	_ =	strace s18  }
0x93: {  	s3 =	sld [smem:$0x3FFC];
	_ =	sdelay $0x3  }
0x94: {  	_ =	strace s3  }
0x95: {  	s3 =	sld [smem:$0x3FFD];
	_ =	sdelay $0x3  }
0x96: {  	_ =	strace s3  }
0x97: {  	_ =	strace $0x8FFFFFFF  }
0x98: {  	s19 =	sld [smem:$0x3FDB];
	_ =	sdelay $0x1  }
0x99: {  	s4 =	simm.s32 $_scs_section_size  }
0x9a: {  	s5 =	simm.s32 $_size__tile_overlayer_lowered;
	s6 =	simm.s32 $_tile_overlayer_lowered  }
0x9b: {  	s22 =	simm.s32 $0x1BFF;
	s21 =	sshll.u32 s6, $0x1;
	s3 =	sadd.s32 s4, s19  }
0x9c: {  	s7 =	simm.s32 $0x0;
	s20 =	sshll.u32 s5, $0x1;
	s5 =	sadd.s32 s21, s3  }
0x9d: {  	[timem:s7], [sflag:s22] =	dma.local [hbm:s5], s20  }
0x9e: {  	_ =	swait.ge [sflag:s22], s20  }
0x9f: {  	s4 =	ssub.s32 $0x0, s20;
	[sflag:s22] =	ssyncset.done $0x0  }
0xa0: {  	[sflag:s22] =	ssyncadd.s32 s4;
	_ =	sdelay $0x1  }
0xa1: {  	s23 =	simm.s32 $0x1B8B  }
0xa2: {  	_ =	swait.ge [sflag:s23], $0x1  }
0xa3: {  	[sflag:s23] =	ssyncset.done $0x0  }
0xa4: {  	s25 =	simm.s32 $0x1B8E;
	s24 =	sld [smem:$0x3FFE];
	[sflag:s23] =	ssyncadd.s32 $0xFFFFFFFF  }
0xa5: {  	s26 =	simm.s32 $execute0_lowered;
	[smem:$0x3FD2] =	sst s25  }
0xa6: {  	s5 =	sshll.u32 s26, $0x1;
	_ =	strace $0x80000046;
	[dreg:$0x1] =	wrdreg $0xFFFFFFFF  }
0xa7: {  	s28 =	simm.s32 $_size_execute0_lowered;
	s3 =	sadd.s32 s3, s5;
	[dreg:$0x0] =	wrdreg $0x0  }
0xa8: {  	s5 =	sshll.u32 s28, $0x1;
	[dreg:$0x2] =	wrdreg s3  }
0xa9: {  	[dreg:$0x3] =	wrdreg s5  }
0xaa: {  	[dreg:$0x4] =	wrdreg $0xC0  }
0xab: {  	_ =	task [dreg:s7], $0x5FFFF  }
0xac: {  	[dreg:$0x1] =	wrdreg $0xFFFFFFFF  }
0xad: {  	[dreg:$0x0] =	wrdreg $0x60  }
0xae: {  	[dreg:$0x2] =	wrdreg s2  }
0xaf: {  	[dreg:$0x3] =	wrdreg s24  }
0xb0: {  	[dreg:$0x4] =	wrdreg $0x140800  }
0xb1: {  	[dreg:$0x5] =	wrdreg $0x168800  }
0xb2: {  	[dreg:$0x6] =	wrdreg $0x190800  }
0xb3: {  	[dreg:$0x7] =	wrdreg $0x193000  }
0xb4: {  	[dreg:$0x8] =	wrdreg $0x9  }
0xb5: {  	_ =	task.clear_ibuf [dreg:s7], $0x9FFFF;
	_ =	strace $0x90000046  }
0xb6: {  	s29 =	simm.s32 $0x9;
	_ =	strace $0x80000048  }
0xb7: {  	_ =	swait.ge [sflag:s29], $0x1  }
0xb8: {  	[sflag:s29] =	ssyncadd.s32 $0xFFFFFFFF  }
0xb9: {  	_ =	strace $0x90000048  }
0xba: {  	_ =	sfence  }
0xbb: {  	s30 =	sld [smem:$0x0];
	_ =	sdelay $0x2  }
0xbc: {  	s31 =	sshll.u32 s1, $0xD;
	s1 =	sshrl.u32 s1, $0x2  }
0xbd: {  	s3 =	sand.u32 $0x4000, s31;
	s1 =	sadd.s32 s1, s30  }
0xbe: {  	s0 =	sor.u32 s3, s0;
	s1 =	sshll.u32 s1, $0x11  }
0xbf: {  	s0 =	sor.u32 s1, s0  }
0xc0: {  	s0 =	sadd.s32 $0x8F2B, s0  }
0xc1: {  	[sflag:s0] =	ssyncadd.remote.s32 $0x1  }
0xc2: {  	_ =	sfence.sel $0xFFFF  }
0xc3: {  	[dreg:$0x0] =	wrdreg $0xFFFFFFFF;
	(pc) =	sbr.abs _section_cstart, $3  }
0xc4: {  	[dreg:$0x1] =	wrdreg $0xFFFFFFFF  }
0xc5: {  	_ =	task.clear_ibuf [dreg:s7], $0x2FFFF;
	_ =	strace $0x9FFFFFFF  }
0xc6: {  	(tm) =	ssettm $0x7FFFFFFF  }
0xc7: {  	_ =	shalt  }
tec
execute0_lowered:
.L_overlay_start_1:
0x0: {  	(tag) =	ssettag $0x1  }
0x1: {  	s0 =	rddreg [dreg:$0x2]  }
0x2: {  	s21 =	stileid.u32;
	s4 =	rddreg [dreg:$0x3]  }
0x3: {  	s2 =	srdreg.scid;
	s1 =	smul.u32 $0x4E20, s21  }
0x4: {  	s2 =	sand.u32 $0x1, s2;
	s3 =	sshrl.u32 s21, $0x3;
	s26 =	smul.u32 $0x1400, s21  }
0x5: {  	s7 =	sshll.u32 s21, $0x7;
	s6 =	ssub.s32 $0x2, s2;
	s3 =	smul.u32 $0x14000, s3  }
0x6: {  	s2 =	smul.u32 $0x9C400, s2;
	s7 =	sand.u32 $0x380, s7;
	s5 =	sshrl.u32 s1, $0x3  }
0x7: {  	s8 =	sshrl.u32 s6, $0x1;
	s19 =	sadd.s32 s26, s0;
	s9 =	sor.u32 $0x280, s26  }
0x8: {  	s25 =	sor.u32 $0x300, s26;
	[dreg:$0x9] =	wrdreg s19;
	s24 =	sadd.s32 s9, s0  }
0x9: {  	s13 =	sadd.s32 $0x14000, s26;
	s11 =	sadd.s32 s25, s0;
	[dreg:$0xe] =	wrdreg s24  }
0xa: {  	s12 =	ssub.s32 s6, s8;
	s19 =	sadd.s32 s13, s0;
	[dreg:$0xf] =	wrdreg s11  }
0xb: {  	s3 =	sor.u32 s7, s3;
	s9 =	sadd.s32 s9, s4;
	[dreg:$0x11] =	wrdreg s19  }
0xc: {  	s7 =	sadd.s32 s1, s2;
	s17 =	sadd.s32 s3, s0;
	[dreg:$0x1e] =	wrdreg s9  }
0xd: {  	s1 =	sor.u32 $0x80, s26;
	s18 =	sadd.s32 s3, s4;
	[dreg:$0x7] =	wrdreg s17  }
0xe: {  	s2 =	sor.u32 $0x100, s26;
	s20 =	sadd.s32 s1, s0;
	[dreg:$0x8] =	wrdreg s18  }
0xf: {  	s8 =	sor.u32 $0x200, s26;
	s22 =	sadd.s32 s2, s0;
	[dreg:$0xa] =	wrdreg s20  }
0x10: {  	s10 =	sadd.s32 s8, s0;
	[dreg:$0xb] =	wrdreg s22  }
0x11: {  	s1 =	sadd.s32 s1, s4;
	[dreg:$0xd] =	wrdreg s10  }
0x12: {  	s16 =	sadd.s32 $0x14180, s26;
	s2 =	sadd.s32 s2, s4;
	[dreg:$0x1a] =	wrdreg s1  }
0x13: {  	s31 =	sadd.s32 s16, s4;
	s8 =	sadd.s32 s8, s4;
	[dreg:$0x1b] =	wrdreg s2  }
0x14: {  	s3 =	sor.u32 $0x180, s26;
	s11 =	sor.u32 $0x380, s26;
	[dreg:$0x1d] =	wrdreg s8  }
0x15: {  	s23 =	sadd.s32 s3, s0;
	s20 =	sadd.s32 s16, s0;
	s16 =	rddreg [dreg:$0x1]  }
0x16: {  	s25 =	sadd.s32 s25, s4;
	s14 =	sadd.s32 s11, s0;
	[dreg:$0xc] =	wrdreg s23  }
0x17: {  	s28 =	sadd.s32 s13, s4;
	s13 =	simm.s32 $0x1;
	[dreg:$0x10] =	wrdreg s14  }
0x18: {  	s19 =	sadd.s32 $0x14300, s26;
	s6 =	sadd.s32 s3, s4;
	[dreg:$0x14] =	wrdreg s20  }
0x19: {  	s24 =	sadd.s32 $0x14380, s26;
	s3 =	simm.s32 $0x0;
	[dreg:$0x1c] =	wrdreg s6  }
0x1a: {  	s22 =	sadd.s32 $0x14280, s26;
	s2 =	sadd.s32 s19, s4;
	[smem:$0x7FF] =	sst s3  }
0x1b: {  	s20 =	sadd.s32 s22, s0;
	s23 =	sadd.s32 s19, s0;
	s19 =	rddreg [dreg:$0x0]  }
0x1c: {  	s7 =	sshrl.u32 s7, $0x3;
	s12 =	smax.u32 s12, $0x1;
	[dreg:$0x16] =	wrdreg s20  }
0x1d: {  	s14 =	sadd.s32 $0x14080, s26;
	s1 =	sadd.s32 s22, s4;
	[dreg:$0x17] =	wrdreg s23  }
0x1e: {  	s22 =	sadd.s32 $0x9C40, s7;
	s15 =	sadd.s32 s14, s0;
	s20 =	rddreg [dreg:$0x4]  }
0x1f: {  	s29 =	sadd.s32 s14, s4;
	[dreg:$0x12] =	wrdreg s15;
	s15 =	sadd.s32 $0x14100, s26  }
0x20: {  	s6 =	sadd.s32 s19, s22;
	s23 =	rddreg [dreg:$0x5];
	s17 =	sadd.s32 s15, s0  }
0x21: {  	[dreg:$0x13] =	wrdreg s17;
	s17 =	sadd.s32 $0x14200, s26;
	s26 =	sadd.s32 s26, s4  }
0x22: {  	s14 =	simm.s32 $0x4E80;
	s18 =	sadd.s32 s17, s0;
	[dreg:$0x19] =	wrdreg s26  }
0x23: {  	s30 =	sadd.s32 s15, s4;
	s0 =	sadd.s32 s24, s0;
	[dreg:$0x15] =	wrdreg s18  }
0x24: {  	s15 =	simm.s32 $0xEB80;
	s26 =	sadd.s32 s11, s4;
	[dreg:$0x18] =	wrdreg s0  }
0x25: {  	s0 =	sadd.s32 s17, s4;
	s4 =	sadd.s32 s24, s4;
	s17 =	sadd.s32 s5, s16  }
0x26: {  	s18 =	sadd.s32 $0xB200, s16;
	s5 =	sadd.s32 s19, s7;
	s24 =	smul.u32 $0x280, s21  }
0x27: {  	s16 =	simm.s32 $0x11380;
	s19 =	simm.s32 $0x13B80;
	s21 =	simm.s32 $0x0  }
0x28: {  	s7 =	sadd.s32 s18, s7;
	s8 =	sadd.s32 s18, s22;
	_ =	strace $0x80000047  }
0x29: {  	s9 =	sadd.s32 $0x1400, s17;
	s17 =	simm.s32 $0x80;
	s18 =	simm.s32 $0x400  }
0x2a: {  	v0 =	vimm.f32 $0.0e+00;
	s10 =	sadd.s32 s24, s20;
	s11 =	sadd.s32 s24, s23;
	s20 =	simm.s32 $0x13E00  }
.LBB2_1:
0x2b: {  	s22 =	simm.s32 $0x9D00  }
0x2c: {  	[tilespmem:s22], [sflag:$0x1] =	stream.linear.gather [hbm4b:s9+s3], $0x4E20, $0x38;
	[tilespmem:$0x19580] =	vst v63  }
0x2d: {  	_ =	swait.ge [sflag:s13], $0x4E20  }
0x2e: {  	[sflag:s13] =	ssyncset.done $0x0  }
0x2f: {  	[sflag:s13] =	ssyncadd.s32 $0xFFFFB1E0  }
0x30: {  	[tilespmem:s3], [sflag:$0x1] =	stream.linear.gather [hbm4b:s5+s3], $0x4E20, $0x38;
	[tilespmem:$0x19580] =	vst v63  }
0x31: {  	_ =	swait.ge [sflag:s13], $0x4E20  }
0x32: {  	[sflag:s13] =	ssyncset.done $0x0  }
0x33: {  	[sflag:s13] =	ssyncadd.s32 $0xFFFFB1E0  }
0x34: {  	[tilespmem:s14], [sflag:$0x1] =	stream.linear.gather [hbm4b:s6+s3], $0x4E20, $0x38;
	[tilespmem:$0x19580] =	vst v63  }
0x35: {  	_ =	swait.ge [sflag:s13], $0x4E20  }
0x36: {  	[sflag:s13] =	ssyncset.done $0x0  }
0x37: {  	s22 =	simm.s32 $0x0;
	[sflag:s13] =	ssyncadd.s32 $0xFFFFB1E0  }
.LBB2_2:
0x38: {  	p0 =	sne.s32 s22, $0x9FC0  }
.Ltmp0:
0x39: {  	_ = 	snop;
	(pc) =	sbr.rel @p0 .LBB2_2-.Ltmp0, $4  }
0x3a: {  	_ = 	snop  }
0x3b: {  	s23 =	sshra.s32 s22, $0x2  }
0x3c: {  	[tilespmem:s23+$0xEB80] =	vst v0  }
0x3d: {  	s22 =	sadd.s32 $0x40, s22;
	[tilespmem:s23+$0x11380] =	vst v0  }
0x3e: {  	s24 =	simm.s32 $0x0  }
0x3f: {  	v1 =	vld [tilespmem:s24+$0x0];
	_ =	sdelay $0x4  }
0x40: {  	v1 =	vmul.f32 $1.442695020e+00, v1;
	_ =	sdelay $0x1  }
0x41: {  	(erf) = vpow2.f32 v1;
	_ =	sdelay $0x2  }
0x42: {  	v1 =	vld [tilespmem:s24+$0x9D00];
	_ =	sdelay $0x5  }
0x43: {  	v2 =	vpop (erf)  }
0x44: {  	[tilespmem:s24+$0x0] =	vst v2  }
0x45: {  	[tilespmem:v1+s15+$0x0] =	vst.idx.add.f32.msk $0xffff, v2  }
0x46: {  	v2 =	vld [tilespmem:s24+$0x4E80];
	_ =	sdelay $0x4  }
0x47: {  	v2 =	vmul.f32 $1.442695020e+00, v2;
	_ =	sdelay $0x1  }
0x48: {  	(erf) = vpow2.f32 v2;
	_ =	sdelay $0x8  }
0x49: {  	v2 =	vpop (erf)  }
0x4a: {  	s22 =	simm.s32 $0x40;
	s23 =	simm.s32 $0x80;
	[tilespmem:s24+$0x4E80] =	vst v2  }
.LBB2_4:
0x4b: {  	p0 =	sne.s32 s23, $0x13840  }
0x4c: {  	s24 =	sshra.s32 s22, $0x2;
	[tilespmem:v1+s16+$0x0] =	vst.idx.add.f32.msk $0xffff, v2;
	s22 =	smov.u32 s23;
	s23 =	sadd.s32 $0x40, s23  }
0x4d: {  	v1 =	vld [tilespmem:s24+$0x0];
	_ =	sdelay $0x4  }
0x4e: {  	v1 =	vmul.f32 $1.442695020e+00, v1;
	_ =	sdelay $0x1  }
0x4f: {  	(erf) = vpow2.f32 v1;
	_ =	sdelay $0x2  }
0x50: {  	v1 =	vld [tilespmem:s24+$0x9D00];
	_ =	sdelay $0x5  }
0x51: {  	v2 =	vpop (erf)  }
0x52: {  	[tilespmem:s24+$0x0] =	vst v2  }
0x53: {  	[tilespmem:v1+s15+$0x0] =	vst.idx.add.f32.msk $0xffff, v2  }
0x54: {  	v2 =	vld [tilespmem:s24+$0x4E80];
	_ =	sdelay $0x4  }
0x55: {  	v2 =	vmul.f32 $1.442695020e+00, v2;
	_ =	sdelay $0x1  }
0x56: {  	(erf) = vpow2.f32 v2;
	_ =	sdelay $0x5  }
.Ltmp1:
0x57: {  	(pc) =	sbr.rel @p0 .LBB2_4-.Ltmp1, $3  }
0x58: {  	_ =	sdelay $0x1  }
0x59: {  	v2 =	vpop (erf)  }
0x5a: {  	[tilespmem:s24+$0x4E80] =	vst v2  }
0x5b: {  	_ =	sdelay $0x3  }
0x5c: {  	s22 =	sshra.s32 s22, $0x2;
	[tilespmem:v1+s16+$0x0] =	vst.idx.add.f32.msk $0xffff, v2  }
0x5d: {  	v1 =	vld [tilespmem:s22+$0x0];
	_ =	sdelay $0x4  }
0x5e: {  	v1 =	vmul.f32 $1.442695020e+00, v1;
	_ =	sdelay $0x1  }
0x5f: {  	(erf) = vpow2.f32 v1;
	_ =	sdelay $0x2  }
0x60: {  	v1 =	vld [tilespmem:s22+$0x9D00];
	_ =	sdelay $0x5  }
0x61: {  	v2 =	vpop (erf)  }
0x62: {  	[tilespmem:s22+$0x0] =	vst v2  }
0x63: {  	[tilespmem:v1+s15+$0x0] =	vst.idx.add.f32.msk $0xffff, v2  }
0x64: {  	v2 =	vld [tilespmem:s22+$0x4E80];
	_ =	sdelay $0x4  }
0x65: {  	v2 =	vmul.f32 $1.442695020e+00, v2;
	_ =	sdelay $0x1  }
0x66: {  	(erf) = vpow2.f32 v2;
	_ =	sdelay $0x8  }
0x67: {  	v2 =	vpop (erf)  }
0x68: {  	[tilespmem:s22+$0x4E80] =	vst v2  }
0x69: {  	s24 =	rddreg [dreg:$0x7];
	[tilespmem:v1+s16+$0x0] =	vst.idx.add.f32.msk $0xffff, v2  }
0x6a: {  	[spmem:s24] =	stream.strided.scatter [tilespmem:s15], [sflag:$0x1], $0x2800, s18, s17, $0x38;
	[tilespmem:$0x19580] =	vst v63  }
0x6b: {  	_ =	swait.ge [sflag:s13], $0x2800  }
0x6c: {  	[sflag:s13] =	ssyncset.done $0x0  }
0x6d: {  	s23 =	rddreg [dreg:$0x8];
	[sflag:s13] =	ssyncadd.s32 $0xFFFFD800  }
0x6e: {  	[spmem:s23] =	stream.strided.scatter [tilespmem:s16], [sflag:$0x1], $0x2800, s18, s17, $0x38;
	[tilespmem:$0x19580] =	vst v63  }
0x6f: {  	_ =	swait.ge [sflag:s13], $0x2800  }
0x70: {  	[sflag:s13] =	ssyncset.done $0x0  }
0x71: {  	[sflag:s13] =	ssyncadd.s32 $0xFFFFD800  }
0x72: {  	[bflag:$0x0] =	sbarrier.arrive $0xFFFF  }
0x73: {  	[tilespmem:$0x13E00] =	vst v0  }
0x74: {  	[tilespmem:$0x13E10] =	vst v0  }
0x75: {  	[tilespmem:$0x13E20] =	vst v0  }
0x76: {  	[tilespmem:$0x13E30] =	vst v0  }
0x77: {  	[tilespmem:$0x13E40] =	vst v0  }
0x78: {  	[tilespmem:$0x13E50] =	vst v0  }
0x79: {  	[tilespmem:$0x13E60] =	vst v0  }
0x7a: {  	[tilespmem:$0x13E70] =	vst v0  }
0x7b: {  	[tilespmem:$0x13E80] =	vst v0  }
0x7c: {  	[tilespmem:$0x13E90] =	vst v0  }
0x7d: {  	[tilespmem:$0x13EA0] =	vst v0  }
0x7e: {  	[tilespmem:$0x13EB0] =	vst v0  }
0x7f: {  	[tilespmem:$0x13EC0] =	vst v0  }
0x80: {  	[tilespmem:$0x13ED0] =	vst v0  }
0x81: {  	[tilespmem:$0x13EE0] =	vst v0  }
0x82: {  	[tilespmem:$0x13EF0] =	vst v0  }
0x83: {  	[tilespmem:$0x13F00] =	vst v0  }
0x84: {  	[tilespmem:$0x13F10] =	vst v0  }
0x85: {  	[tilespmem:$0x13F20] =	vst v0  }
0x86: {  	[tilespmem:$0x13F30] =	vst v0  }
0x87: {  	[tilespmem:$0x13F40] =	vst v0  }
0x88: {  	[tilespmem:$0x13F50] =	vst v0  }
0x89: {  	[tilespmem:$0x13F60] =	vst v0  }
0x8a: {  	[tilespmem:$0x13F70] =	vst v0  }
0x8b: {  	[tilespmem:$0x13F80] =	vst v0  }
0x8c: {  	[tilespmem:$0x13F90] =	vst v0  }
0x8d: {  	[tilespmem:$0x13FA0] =	vst v0  }
0x8e: {  	[tilespmem:$0x13FB0] =	vst v0  }
0x8f: {  	[tilespmem:$0x13FC0] =	vst v0  }
0x90: {  	[tilespmem:$0x13FD0] =	vst v0  }
0x91: {  	[tilespmem:$0x13FE0] =	vst v0  }
0x92: {  	[tilespmem:$0x13FF0] =	vst v0  }
0x93: {  	[tilespmem:$0x14000] =	vst v0  }
0x94: {  	[tilespmem:$0x14010] =	vst v0  }
0x95: {  	[tilespmem:$0x14020] =	vst v0  }
0x96: {  	[tilespmem:$0x14030] =	vst v0  }
0x97: {  	[tilespmem:$0x14040] =	vst v0  }
0x98: {  	[tilespmem:$0x14050] =	vst v0  }
0x99: {  	[tilespmem:$0x14060] =	vst v0  }
0x9a: {  	[tilespmem:$0x14070] =	vst v0;
	s24 =	rddreg [dreg:$0x9]  }
0x9b: {  	[tilespmem:s19], [sflag:$0x1] =	stream.strided.gather [spmem:s24], $0x280, s18, s17, $0x38;
	[tilespmem:$0x19580] =	vst v63  }
0x9c: {  	_ =	swait.ge [sflag:s13], $0x280  }
0x9d: {  	[sflag:s13] =	ssyncset.done $0x0  }
0x9e: {  	s22 =	simm.s32 $0x0;
	[sflag:s13] =	ssyncadd.s32 $0xFFFFFD80  }
0x9f: {  	s23 =	simm.s32 $0x40;
	v1 =	vld [tilespmem:s22+$0x13B80]  }
.LBB2_6:
0xa0: {  	p0 =	sne.s32 s23, $0x9C0;
	v2 =	vld [tilespmem:s22+$0x13E00];
	_ =	sdelay $0x2  }
.Ltmp2:
0xa1: {  	(pc) =	sbr.rel @p0 .LBB2_6-.Ltmp2, $4  }
0xa2: {  	_ = 	snop  }
0xa3: {  	v2 =	vadd.f32 v1, v2  }
0xa4: {  	s24 =	sshra.s32 s23, $0x2  }
0xa5: {  	s23 =	sadd.s32 $0x40, s23;
	v1 =	vld [tilespmem:s24+$0x13B80];
	[tilespmem:s22+$0x13E00] =	vst v2;
	s22 =	smov.u32 s24  }
0xa6: {  	v2 =	vld [tilespmem:s22+$0x13E00];
	_ =	sdelay $0x4  }
0xa7: {  	v1 =	vadd.f32 v1, v2;
	_ =	sdelay $0x1  }
0xa8: {  	s24 =	rddreg [dreg:$0xa];
	[tilespmem:s22+$0x13E00] =	vst v1  }
0xa9: {  	[tilespmem:s19], [sflag:$0x1] =	stream.strided.gather [spmem:s24], $0x280, s18, s17, $0x38;
	[tilespmem:$0x19580] =	vst v63  }
0xaa: {  	_ =	swait.ge [sflag:s13], $0x280  }
0xab: {  	[sflag:s13] =	ssyncset.done $0x0  }
0xac: {  	s22 =	simm.s32 $0x0;
	[sflag:s13] =	ssyncadd.s32 $0xFFFFFD80  }
0xad: {  	s23 =	simm.s32 $0x40;
	v1 =	vld [tilespmem:s22+$0x13B80]  }
.LBB2_8:
0xae: {  	p0 =	sne.s32 s23, $0x9C0;
	v2 =	vld [tilespmem:s22+$0x13E00];
	_ =	sdelay $0x2  }
.Ltmp3:
0xaf: {  	(pc) =	sbr.rel @p0 .LBB2_8-.Ltmp3, $4  }
0xb0: {  	_ = 	snop  }
0xb1: {  	v2 =	vadd.f32 v1, v2  }
0xb2: {  	s24 =	sshra.s32 s23, $0x2  }
0xb3: {  	s23 =	sadd.s32 $0x40, s23;
	v1 =	vld [tilespmem:s24+$0x13B80];
	[tilespmem:s22+$0x13E00] =	vst v2;
	s22 =	smov.u32 s24  }
0xb4: {  	v2 =	vld [tilespmem:s22+$0x13E00];
	_ =	sdelay $0x4  }
0xb5: {  	v1 =	vadd.f32 v1, v2;
	_ =	sdelay $0x1  }
0xb6: {  	s24 =	rddreg [dreg:$0xb];
	[tilespmem:s22+$0x13E00] =	vst v1  }
0xb7: {  	[tilespmem:s19], [sflag:$0x1] =	stream.strided.gather [spmem:s24], $0x280, s18, s17, $0x38;
	[tilespmem:$0x19580] =	vst v63  }
0xb8: {  	_ =	swait.ge [sflag:s13], $0x280  }
0xb9: {  	[sflag:s13] =	ssyncset.done $0x0  }
0xba: {  	s22 =	simm.s32 $0x0;
	[sflag:s13] =	ssyncadd.s32 $0xFFFFFD80  }
0xbb: {  	s23 =	simm.s32 $0x40;
	v1 =	vld [tilespmem:s22+$0x13B80]  }
.LBB2_10:
0xbc: {  	p0 =	sne.s32 s23, $0x9C0;
	v2 =	vld [tilespmem:s22+$0x13E00];
	_ =	sdelay $0x2  }
.Ltmp4:
0xbd: {  	(pc) =	sbr.rel @p0 .LBB2_10-.Ltmp4, $4  }
0xbe: {  	_ = 	snop  }
0xbf: {  	v2 =	vadd.f32 v1, v2  }
0xc0: {  	s24 =	sshra.s32 s23, $0x2  }
0xc1: {  	s23 =	sadd.s32 $0x40, s23;
	v1 =	vld [tilespmem:s24+$0x13B80];
	[tilespmem:s22+$0x13E00] =	vst v2;
	s22 =	smov.u32 s24  }
0xc2: {  	v2 =	vld [tilespmem:s22+$0x13E00];
	_ =	sdelay $0x4  }
0xc3: {  	v1 =	vadd.f32 v1, v2;
	_ =	sdelay $0x1  }
0xc4: {  	s24 =	rddreg [dreg:$0xc];
	[tilespmem:s22+$0x13E00] =	vst v1  }
0xc5: {  	[tilespmem:s19], [sflag:$0x1] =	stream.strided.gather [spmem:s24], $0x280, s18, s17, $0x38;
	[tilespmem:$0x19580] =	vst v63  }
0xc6: {  	_ =	swait.ge [sflag:s13], $0x280  }
0xc7: {  	[sflag:s13] =	ssyncset.done $0x0  }
0xc8: {  	s22 =	simm.s32 $0x0;
	[sflag:s13] =	ssyncadd.s32 $0xFFFFFD80  }
0xc9: {  	s23 =	simm.s32 $0x40;
	v1 =	vld [tilespmem:s22+$0x13B80]  }
.LBB2_12:
0xca: {  	p0 =	sne.s32 s23, $0x9C0;
	v2 =	vld [tilespmem:s22+$0x13E00];
	_ =	sdelay $0x2  }
.Ltmp5:
0xcb: {  	(pc) =	sbr.rel @p0 .LBB2_12-.Ltmp5, $4  }
0xcc: {  	_ = 	snop  }
0xcd: {  	v2 =	vadd.f32 v1, v2  }
0xce: {  	s24 =	sshra.s32 s23, $0x2  }
0xcf: {  	s23 =	sadd.s32 $0x40, s23;
	v1 =	vld [tilespmem:s24+$0x13B80];
	[tilespmem:s22+$0x13E00] =	vst v2;
	s22 =	smov.u32 s24  }
0xd0: {  	v2 =	vld [tilespmem:s22+$0x13E00];
	_ =	sdelay $0x4  }
0xd1: {  	v1 =	vadd.f32 v1, v2;
	_ =	sdelay $0x1  }
0xd2: {  	s24 =	rddreg [dreg:$0xd];
	[tilespmem:s22+$0x13E00] =	vst v1  }
0xd3: {  	[tilespmem:s19], [sflag:$0x1] =	stream.strided.gather [spmem:s24], $0x280, s18, s17, $0x38;
	[tilespmem:$0x19580] =	vst v63  }
0xd4: {  	_ =	swait.ge [sflag:s13], $0x280  }
0xd5: {  	[sflag:s13] =	ssyncset.done $0x0  }
0xd6: {  	s22 =	simm.s32 $0x0;
	[sflag:s13] =	ssyncadd.s32 $0xFFFFFD80  }
0xd7: {  	s23 =	simm.s32 $0x40;
	v1 =	vld [tilespmem:s22+$0x13B80]  }
.LBB2_14:
0xd8: {  	p0 =	sne.s32 s23, $0x9C0;
	v2 =	vld [tilespmem:s22+$0x13E00];
	_ =	sdelay $0x2  }
.Ltmp6:
0xd9: {  	(pc) =	sbr.rel @p0 .LBB2_14-.Ltmp6, $4  }
0xda: {  	_ = 	snop  }
0xdb: {  	v2 =	vadd.f32 v1, v2  }
0xdc: {  	s24 =	sshra.s32 s23, $0x2  }
0xdd: {  	s23 =	sadd.s32 $0x40, s23;
	v1 =	vld [tilespmem:s24+$0x13B80];
	[tilespmem:s22+$0x13E00] =	vst v2;
	s22 =	smov.u32 s24  }
0xde: {  	v2 =	vld [tilespmem:s22+$0x13E00];
	_ =	sdelay $0x4  }
0xdf: {  	v1 =	vadd.f32 v1, v2;
	_ =	sdelay $0x1  }
0xe0: {  	s24 =	rddreg [dreg:$0xe];
	[tilespmem:s22+$0x13E00] =	vst v1  }
0xe1: {  	[tilespmem:s19], [sflag:$0x1] =	stream.strided.gather [spmem:s24], $0x280, s18, s17, $0x38;
	[tilespmem:$0x19580] =	vst v63  }
0xe2: {  	_ =	swait.ge [sflag:s13], $0x280  }
0xe3: {  	[sflag:s13] =	ssyncset.done $0x0  }
0xe4: {  	s22 =	simm.s32 $0x0;
	[sflag:s13] =	ssyncadd.s32 $0xFFFFFD80  }
0xe5: {  	s23 =	simm.s32 $0x40;
	v1 =	vld [tilespmem:s22+$0x13B80]  }
.LBB2_16:
0xe6: {  	p0 =	sne.s32 s23, $0x9C0;
	v2 =	vld [tilespmem:s22+$0x13E00];
	_ =	sdelay $0x2  }
.Ltmp7:
0xe7: {  	(pc) =	sbr.rel @p0 .LBB2_16-.Ltmp7, $4  }
0xe8: {  	_ = 	snop  }
0xe9: {  	v2 =	vadd.f32 v1, v2  }
0xea: {  	s24 =	sshra.s32 s23, $0x2  }
0xeb: {  	s23 =	sadd.s32 $0x40, s23;
	v1 =	vld [tilespmem:s24+$0x13B80];
	[tilespmem:s22+$0x13E00] =	vst v2;
	s22 =	smov.u32 s24  }
0xec: {  	v2 =	vld [tilespmem:s22+$0x13E00];
	_ =	sdelay $0x4  }
0xed: {  	v1 =	vadd.f32 v1, v2;
	_ =	sdelay $0x1  }
0xee: {  	s24 =	rddreg [dreg:$0xf];
	[tilespmem:s22+$0x13E00] =	vst v1  }
0xef: {  	[tilespmem:s19], [sflag:$0x1] =	stream.strided.gather [spmem:s24], $0x280, s18, s17, $0x38;
	[tilespmem:$0x19580] =	vst v63  }
0xf0: {  	_ =	swait.ge [sflag:s13], $0x280  }
0xf1: {  	[sflag:s13] =	ssyncset.done $0x0  }
0xf2: {  	s22 =	simm.s32 $0x0;
	[sflag:s13] =	ssyncadd.s32 $0xFFFFFD80  }
0xf3: {  	s23 =	simm.s32 $0x40;
	v1 =	vld [tilespmem:s22+$0x13B80]  }
.LBB2_18:
0xf4: {  	p0 =	sne.s32 s23, $0x9C0;
	v2 =	vld [tilespmem:s22+$0x13E00];
	_ =	sdelay $0x2  }
.Ltmp8:
0xf5: {  	(pc) =	sbr.rel @p0 .LBB2_18-.Ltmp8, $4  }
0xf6: {  	_ = 	snop  }
0xf7: {  	v2 =	vadd.f32 v1, v2  }
0xf8: {  	s24 =	sshra.s32 s23, $0x2  }
0xf9: {  	s23 =	sadd.s32 $0x40, s23;
	v1 =	vld [tilespmem:s24+$0x13B80];
	[tilespmem:s22+$0x13E00] =	vst v2;
	s22 =	smov.u32 s24  }
0xfa: {  	v2 =	vld [tilespmem:s22+$0x13E00];
	_ =	sdelay $0x4  }
0xfb: {  	v1 =	vadd.f32 v1, v2;
	_ =	sdelay $0x1  }
0xfc: {  	s24 =	rddreg [dreg:$0x10];
	[tilespmem:s22+$0x13E00] =	vst v1  }
0xfd: {  	[tilespmem:s19], [sflag:$0x1] =	stream.strided.gather [spmem:s24], $0x280, s18, s17, $0x38;
	[tilespmem:$0x19580] =	vst v63  }
0xfe: {  	_ =	swait.ge [sflag:s13], $0x280  }
0xff: {  	[sflag:s13] =	ssyncset.done $0x0  }
0x100: {  	s22 =	simm.s32 $0x0;
	[sflag:s13] =	ssyncadd.s32 $0xFFFFFD80  }
0x101: {  	s23 =	simm.s32 $0x40;
	v1 =	vld [tilespmem:s22+$0x13B80]  }
.LBB2_20:
0x102: {  	p0 =	sne.s32 s23, $0x9C0;
	v2 =	vld [tilespmem:s22+$0x13E00];
	_ =	sdelay $0x2  }
.Ltmp9:
0x103: {  	(pc) =	sbr.rel @p0 .LBB2_20-.Ltmp9, $4  }
0x104: {  	_ = 	snop  }
0x105: {  	v2 =	vadd.f32 v1, v2  }
0x106: {  	s24 =	sshra.s32 s23, $0x2  }
0x107: {  	s23 =	sadd.s32 $0x40, s23;
	v1 =	vld [tilespmem:s24+$0x13B80];
	[tilespmem:s22+$0x13E00] =	vst v2;
	s22 =	smov.u32 s24  }
0x108: {  	v2 =	vld [tilespmem:s22+$0x13E00];
	_ =	sdelay $0x4  }
0x109: {  	v1 =	vadd.f32 v1, v2;
	_ =	sdelay $0x1  }
0x10a: {  	s24 =	rddreg [dreg:$0x11];
	[tilespmem:s22+$0x13E00] =	vst v1  }
0x10b: {  	[tilespmem:s19], [sflag:$0x1] =	stream.strided.gather [spmem:s24], $0x280, s18, s17, $0x38;
	[tilespmem:$0x19580] =	vst v63  }
0x10c: {  	_ =	swait.ge [sflag:s13], $0x280  }
0x10d: {  	[sflag:s13] =	ssyncset.done $0x0  }
0x10e: {  	s22 =	simm.s32 $0x0;
	[sflag:s13] =	ssyncadd.s32 $0xFFFFFD80  }
0x10f: {  	s23 =	simm.s32 $0x40;
	v1 =	vld [tilespmem:s22+$0x13B80]  }
.LBB2_22:
0x110: {  	p0 =	sne.s32 s23, $0x9C0;
	v2 =	vld [tilespmem:s22+$0x13E00];
	_ =	sdelay $0x2  }
.Ltmp10:
0x111: {  	(pc) =	sbr.rel @p0 .LBB2_22-.Ltmp10, $4  }
0x112: {  	_ = 	snop  }
0x113: {  	v2 =	vadd.f32 v1, v2  }
0x114: {  	s24 =	sshra.s32 s23, $0x2  }
0x115: {  	s23 =	sadd.s32 $0x40, s23;
	v1 =	vld [tilespmem:s24+$0x13B80];
	[tilespmem:s22+$0x13E00] =	vst v2;
	s22 =	smov.u32 s24  }
0x116: {  	v2 =	vld [tilespmem:s22+$0x13E00];
	_ =	sdelay $0x4  }
0x117: {  	v1 =	vadd.f32 v1, v2;
	_ =	sdelay $0x1  }
0x118: {  	s24 =	rddreg [dreg:$0x12];
	[tilespmem:s22+$0x13E00] =	vst v1  }
0x119: {  	[tilespmem:s19], [sflag:$0x1] =	stream.strided.gather [spmem:s24], $0x280, s18, s17, $0x38;
	[tilespmem:$0x19580] =	vst v63  }
0x11a: {  	_ =	swait.ge [sflag:s13], $0x280  }
0x11b: {  	[sflag:s13] =	ssyncset.done $0x0  }
0x11c: {  	s22 =	simm.s32 $0x0;
	[sflag:s13] =	ssyncadd.s32 $0xFFFFFD80  }
0x11d: {  	s23 =	simm.s32 $0x40;
	v1 =	vld [tilespmem:s22+$0x13B80]  }
.LBB2_24:
0x11e: {  	p0 =	sne.s32 s23, $0x9C0;
	v2 =	vld [tilespmem:s22+$0x13E00];
	_ =	sdelay $0x2  }
.Ltmp11:
0x11f: {  	(pc) =	sbr.rel @p0 .LBB2_24-.Ltmp11, $4  }
0x120: {  	_ = 	snop  }
0x121: {  	v2 =	vadd.f32 v1, v2  }
0x122: {  	s24 =	sshra.s32 s23, $0x2  }
0x123: {  	s23 =	sadd.s32 $0x40, s23;
	v1 =	vld [tilespmem:s24+$0x13B80];
	[tilespmem:s22+$0x13E00] =	vst v2;
	s22 =	smov.u32 s24  }
0x124: {  	v2 =	vld [tilespmem:s22+$0x13E00];
	_ =	sdelay $0x4  }
0x125: {  	v1 =	vadd.f32 v1, v2;
	_ =	sdelay $0x1  }
0x126: {  	s24 =	rddreg [dreg:$0x13];
	[tilespmem:s22+$0x13E00] =	vst v1  }
0x127: {  	[tilespmem:s19], [sflag:$0x1] =	stream.strided.gather [spmem:s24], $0x280, s18, s17, $0x38;
	[tilespmem:$0x19580] =	vst v63  }
0x128: {  	_ =	swait.ge [sflag:s13], $0x280  }
0x129: {  	[sflag:s13] =	ssyncset.done $0x0  }
0x12a: {  	s22 =	simm.s32 $0x0;
	[sflag:s13] =	ssyncadd.s32 $0xFFFFFD80  }
0x12b: {  	s23 =	simm.s32 $0x40;
	v1 =	vld [tilespmem:s22+$0x13B80]  }
.LBB2_26:
0x12c: {  	p0 =	sne.s32 s23, $0x9C0;
	v2 =	vld [tilespmem:s22+$0x13E00];
	_ =	sdelay $0x2  }
.Ltmp12:
0x12d: {  	(pc) =	sbr.rel @p0 .LBB2_26-.Ltmp12, $4  }
0x12e: {  	_ = 	snop  }
0x12f: {  	v2 =	vadd.f32 v1, v2  }
0x130: {  	s24 =	sshra.s32 s23, $0x2  }
0x131: {  	s23 =	sadd.s32 $0x40, s23;
	v1 =	vld [tilespmem:s24+$0x13B80];
	[tilespmem:s22+$0x13E00] =	vst v2;
	s22 =	smov.u32 s24  }
0x132: {  	v2 =	vld [tilespmem:s22+$0x13E00];
	_ =	sdelay $0x4  }
0x133: {  	v1 =	vadd.f32 v1, v2;
	_ =	sdelay $0x1  }
0x134: {  	s24 =	rddreg [dreg:$0x14];
	[tilespmem:s22+$0x13E00] =	vst v1  }
0x135: {  	[tilespmem:s19], [sflag:$0x1] =	stream.strided.gather [spmem:s24], $0x280, s18, s17, $0x38;
	[tilespmem:$0x19580] =	vst v63  }
0x136: {  	_ =	swait.ge [sflag:s13], $0x280  }
0x137: {  	[sflag:s13] =	ssyncset.done $0x0  }
0x138: {  	s22 =	simm.s32 $0x0;
	[sflag:s13] =	ssyncadd.s32 $0xFFFFFD80  }
0x139: {  	s23 =	simm.s32 $0x40;
	v1 =	vld [tilespmem:s22+$0x13B80]  }
.LBB2_28:
0x13a: {  	p0 =	sne.s32 s23, $0x9C0;
	v2 =	vld [tilespmem:s22+$0x13E00];
	_ =	sdelay $0x2  }
.Ltmp13:
0x13b: {  	(pc) =	sbr.rel @p0 .LBB2_28-.Ltmp13, $4  }
0x13c: {  	_ = 	snop  }
0x13d: {  	v2 =	vadd.f32 v1, v2  }
0x13e: {  	s24 =	sshra.s32 s23, $0x2  }
0x13f: {  	s23 =	sadd.s32 $0x40, s23;
	v1 =	vld [tilespmem:s24+$0x13B80];
	[tilespmem:s22+$0x13E00] =	vst v2;
	s22 =	smov.u32 s24  }
0x140: {  	v2 =	vld [tilespmem:s22+$0x13E00];
	_ =	sdelay $0x4  }
0x141: {  	v1 =	vadd.f32 v1, v2;
	_ =	sdelay $0x1  }
0x142: {  	s24 =	rddreg [dreg:$0x15];
	[tilespmem:s22+$0x13E00] =	vst v1  }
0x143: {  	[tilespmem:s19], [sflag:$0x1] =	stream.strided.gather [spmem:s24], $0x280, s18, s17, $0x38;
	[tilespmem:$0x19580] =	vst v63  }
0x144: {  	_ =	swait.ge [sflag:s13], $0x280  }
0x145: {  	[sflag:s13] =	ssyncset.done $0x0  }
0x146: {  	s22 =	simm.s32 $0x0;
	[sflag:s13] =	ssyncadd.s32 $0xFFFFFD80  }
0x147: {  	s23 =	simm.s32 $0x40;
	v1 =	vld [tilespmem:s22+$0x13B80]  }
.LBB2_30:
0x148: {  	p0 =	sne.s32 s23, $0x9C0;
	v2 =	vld [tilespmem:s22+$0x13E00];
	_ =	sdelay $0x2  }
.Ltmp14:
0x149: {  	(pc) =	sbr.rel @p0 .LBB2_30-.Ltmp14, $4  }
0x14a: {  	_ = 	snop  }
0x14b: {  	v2 =	vadd.f32 v1, v2  }
0x14c: {  	s24 =	sshra.s32 s23, $0x2  }
0x14d: {  	s23 =	sadd.s32 $0x40, s23;
	v1 =	vld [tilespmem:s24+$0x13B80];
	[tilespmem:s22+$0x13E00] =	vst v2;
	s22 =	smov.u32 s24  }
0x14e: {  	v2 =	vld [tilespmem:s22+$0x13E00];
	_ =	sdelay $0x4  }
0x14f: {  	v1 =	vadd.f32 v1, v2;
	_ =	sdelay $0x1  }
0x150: {  	s24 =	rddreg [dreg:$0x16];
	[tilespmem:s22+$0x13E00] =	vst v1  }
0x151: {  	[tilespmem:s19], [sflag:$0x1] =	stream.strided.gather [spmem:s24], $0x280, s18, s17, $0x38;
	[tilespmem:$0x19580] =	vst v63  }
0x152: {  	_ =	swait.ge [sflag:s13], $0x280  }
0x153: {  	[sflag:s13] =	ssyncset.done $0x0  }
0x154: {  	s22 =	simm.s32 $0x0;
	[sflag:s13] =	ssyncadd.s32 $0xFFFFFD80  }
0x155: {  	s23 =	simm.s32 $0x40;
	v1 =	vld [tilespmem:s22+$0x13B80]  }
.LBB2_32:
0x156: {  	p0 =	sne.s32 s23, $0x9C0;
	v2 =	vld [tilespmem:s22+$0x13E00];
	_ =	sdelay $0x2  }
.Ltmp15:
0x157: {  	(pc) =	sbr.rel @p0 .LBB2_32-.Ltmp15, $4  }
0x158: {  	_ = 	snop  }
0x159: {  	v2 =	vadd.f32 v1, v2  }
0x15a: {  	s24 =	sshra.s32 s23, $0x2  }
0x15b: {  	s23 =	sadd.s32 $0x40, s23;
	v1 =	vld [tilespmem:s24+$0x13B80];
	[tilespmem:s22+$0x13E00] =	vst v2;
	s22 =	smov.u32 s24  }
0x15c: {  	v2 =	vld [tilespmem:s22+$0x13E00];
	_ =	sdelay $0x4  }
0x15d: {  	v1 =	vadd.f32 v1, v2;
	_ =	sdelay $0x1  }
0x15e: {  	s24 =	rddreg [dreg:$0x17];
	[tilespmem:s22+$0x13E00] =	vst v1  }
0x15f: {  	[tilespmem:s19], [sflag:$0x1] =	stream.strided.gather [spmem:s24], $0x280, s18, s17, $0x38;
	[tilespmem:$0x19580] =	vst v63  }
0x160: {  	_ =	swait.ge [sflag:s13], $0x280  }
0x161: {  	[sflag:s13] =	ssyncset.done $0x0  }
0x162: {  	s22 =	simm.s32 $0x0;
	[sflag:s13] =	ssyncadd.s32 $0xFFFFFD80  }
0x163: {  	s23 =	simm.s32 $0x40;
	v1 =	vld [tilespmem:s22+$0x13B80]  }
.LBB2_34:
0x164: {  	p0 =	sne.s32 s23, $0x9C0;
	v2 =	vld [tilespmem:s22+$0x13E00];
	_ =	sdelay $0x2  }
.Ltmp16:
0x165: {  	(pc) =	sbr.rel @p0 .LBB2_34-.Ltmp16, $4  }
0x166: {  	_ = 	snop  }
0x167: {  	v2 =	vadd.f32 v1, v2  }
0x168: {  	s24 =	sshra.s32 s23, $0x2  }
0x169: {  	s23 =	sadd.s32 $0x40, s23;
	v1 =	vld [tilespmem:s24+$0x13B80];
	[tilespmem:s22+$0x13E00] =	vst v2;
	s22 =	smov.u32 s24  }
0x16a: {  	v2 =	vld [tilespmem:s22+$0x13E00];
	_ =	sdelay $0x4  }
0x16b: {  	v1 =	vadd.f32 v1, v2;
	_ =	sdelay $0x1  }
0x16c: {  	s24 =	rddreg [dreg:$0x18];
	[tilespmem:s22+$0x13E00] =	vst v1  }
0x16d: {  	[tilespmem:s19], [sflag:$0x1] =	stream.strided.gather [spmem:s24], $0x280, s18, s17, $0x38;
	[tilespmem:$0x19580] =	vst v63  }
0x16e: {  	_ =	swait.ge [sflag:s13], $0x280  }
0x16f: {  	[sflag:s13] =	ssyncset.done $0x0  }
0x170: {  	s22 =	simm.s32 $0x0;
	[sflag:s13] =	ssyncadd.s32 $0xFFFFFD80  }
0x171: {  	s23 =	simm.s32 $0x40;
	v1 =	vld [tilespmem:s22+$0x13B80]  }
.LBB2_36:
0x172: {  	p0 =	sne.s32 s23, $0x9C0;
	v2 =	vld [tilespmem:s22+$0x13E00];
	_ =	sdelay $0x2  }
.Ltmp17:
0x173: {  	(pc) =	sbr.rel @p0 .LBB2_36-.Ltmp17, $4  }
0x174: {  	_ = 	snop  }
0x175: {  	v2 =	vadd.f32 v1, v2  }
0x176: {  	s24 =	sshra.s32 s23, $0x2  }
0x177: {  	s23 =	sadd.s32 $0x40, s23;
	v1 =	vld [tilespmem:s24+$0x13B80];
	[tilespmem:s22+$0x13E00] =	vst v2;
	s22 =	smov.u32 s24  }
0x178: {  	v2 =	vld [tilespmem:s22+$0x13E00];
	_ =	sdelay $0x4  }
0x179: {  	v1 =	vadd.f32 v1, v2;
	_ =	sdelay $0x1  }
0x17a: {  	[tilespmem:s22+$0x13E00] =	vst v1  }
0x17b: {  	[spmem:s10] =	stream.linear.scatter [tilespmem:s20], [sflag:$0x1], $0x280, $0x38;
	[tilespmem:$0x19580] =	vst v63  }
0x17c: {  	_ =	swait.ge [sflag:s13], $0x280  }
0x17d: {  	[sflag:s13] =	ssyncset.done $0x0  }
0x17e: {  	[sflag:s13] =	ssyncadd.s32 $0xFFFFFD80  }
0x17f: {  	[tilespmem:$0x13E00] =	vst v0  }
0x180: {  	[tilespmem:$0x13E10] =	vst v0  }
0x181: {  	[tilespmem:$0x13E20] =	vst v0  }
0x182: {  	[tilespmem:$0x13E30] =	vst v0  }
0x183: {  	[tilespmem:$0x13E40] =	vst v0  }
0x184: {  	[tilespmem:$0x13E50] =	vst v0  }
0x185: {  	[tilespmem:$0x13E60] =	vst v0  }
0x186: {  	[tilespmem:$0x13E70] =	vst v0  }
0x187: {  	[tilespmem:$0x13E80] =	vst v0  }
0x188: {  	[tilespmem:$0x13E90] =	vst v0  }
0x189: {  	[tilespmem:$0x13EA0] =	vst v0  }
0x18a: {  	[tilespmem:$0x13EB0] =	vst v0  }
0x18b: {  	[tilespmem:$0x13EC0] =	vst v0  }
0x18c: {  	[tilespmem:$0x13ED0] =	vst v0  }
0x18d: {  	[tilespmem:$0x13EE0] =	vst v0  }
0x18e: {  	[tilespmem:$0x13EF0] =	vst v0  }
0x18f: {  	[tilespmem:$0x13F00] =	vst v0  }
0x190: {  	[tilespmem:$0x13F10] =	vst v0  }
0x191: {  	[tilespmem:$0x13F20] =	vst v0  }
0x192: {  	[tilespmem:$0x13F30] =	vst v0  }
0x193: {  	[tilespmem:$0x13F40] =	vst v0  }
0x194: {  	[tilespmem:$0x13F50] =	vst v0  }
0x195: {  	[tilespmem:$0x13F60] =	vst v0  }
0x196: {  	[tilespmem:$0x13F70] =	vst v0  }
0x197: {  	[tilespmem:$0x13F80] =	vst v0  }
0x198: {  	[tilespmem:$0x13F90] =	vst v0  }
0x199: {  	[tilespmem:$0x13FA0] =	vst v0  }
0x19a: {  	[tilespmem:$0x13FB0] =	vst v0  }
0x19b: {  	[tilespmem:$0x13FC0] =	vst v0  }
0x19c: {  	[tilespmem:$0x13FD0] =	vst v0  }
0x19d: {  	[tilespmem:$0x13FE0] =	vst v0  }
0x19e: {  	[tilespmem:$0x13FF0] =	vst v0  }
0x19f: {  	[tilespmem:$0x14000] =	vst v0  }
0x1a0: {  	[tilespmem:$0x14010] =	vst v0  }
0x1a1: {  	[tilespmem:$0x14020] =	vst v0  }
0x1a2: {  	[tilespmem:$0x14030] =	vst v0  }
0x1a3: {  	[tilespmem:$0x14040] =	vst v0  }
0x1a4: {  	[tilespmem:$0x14050] =	vst v0  }
0x1a5: {  	[tilespmem:$0x14060] =	vst v0  }
0x1a6: {  	s24 =	rddreg [dreg:$0x19];
	[tilespmem:$0x14070] =	vst v0  }
0x1a7: {  	[tilespmem:s19], [sflag:$0x1] =	stream.strided.gather [spmem:s24], $0x280, s18, s17, $0x38;
	[tilespmem:$0x19580] =	vst v63  }
0x1a8: {  	_ =	swait.ge [sflag:s13], $0x280  }
0x1a9: {  	[sflag:s13] =	ssyncset.done $0x0  }
0x1aa: {  	s22 =	simm.s32 $0x0;
	[sflag:s13] =	ssyncadd.s32 $0xFFFFFD80  }
0x1ab: {  	s23 =	simm.s32 $0x40;
	v1 =	vld [tilespmem:s22+$0x13B80]  }
.LBB2_38:
0x1ac: {  	p0 =	sne.s32 s23, $0x9C0;
	v2 =	vld [tilespmem:s22+$0x13E00];
	_ =	sdelay $0x2  }
.Ltmp18:
0x1ad: {  	(pc) =	sbr.rel @p0 .LBB2_38-.Ltmp18, $4  }
0x1ae: {  	_ = 	snop  }
0x1af: {  	v2 =	vadd.f32 v1, v2  }
0x1b0: {  	s24 =	sshra.s32 s23, $0x2  }
0x1b1: {  	s23 =	sadd.s32 $0x40, s23;
	v1 =	vld [tilespmem:s24+$0x13B80];
	[tilespmem:s22+$0x13E00] =	vst v2;
	s22 =	smov.u32 s24  }
0x1b2: {  	v2 =	vld [tilespmem:s22+$0x13E00];
	_ =	sdelay $0x4  }
0x1b3: {  	v1 =	vadd.f32 v1, v2;
	_ =	sdelay $0x1  }
0x1b4: {  	s24 =	rddreg [dreg:$0x1a];
	[tilespmem:s22+$0x13E00] =	vst v1  }
0x1b5: {  	[tilespmem:s19], [sflag:$0x1] =	stream.strided.gather [spmem:s24], $0x280, s18, s17, $0x38;
	[tilespmem:$0x19580] =	vst v63  }
0x1b6: {  	_ =	swait.ge [sflag:s13], $0x280  }
0x1b7: {  	[sflag:s13] =	ssyncset.done $0x0  }
0x1b8: {  	s22 =	simm.s32 $0x0;
	[sflag:s13] =	ssyncadd.s32 $0xFFFFFD80  }
0x1b9: {  	s23 =	simm.s32 $0x40;
	v1 =	vld [tilespmem:s22+$0x13B80]  }
.LBB2_40:
0x1ba: {  	p0 =	sne.s32 s23, $0x9C0;
	v2 =	vld [tilespmem:s22+$0x13E00];
	_ =	sdelay $0x2  }
.Ltmp19:
0x1bb: {  	(pc) =	sbr.rel @p0 .LBB2_40-.Ltmp19, $4  }
0x1bc: {  	_ = 	snop  }
0x1bd: {  	v2 =	vadd.f32 v1, v2  }
0x1be: {  	s24 =	sshra.s32 s23, $0x2  }
0x1bf: {  	s23 =	sadd.s32 $0x40, s23;
	v1 =	vld [tilespmem:s24+$0x13B80];
	[tilespmem:s22+$0x13E00] =	vst v2;
	s22 =	smov.u32 s24  }
0x1c0: {  	v2 =	vld [tilespmem:s22+$0x13E00];
	_ =	sdelay $0x4  }
0x1c1: {  	v1 =	vadd.f32 v1, v2;
	_ =	sdelay $0x1  }
0x1c2: {  	s24 =	rddreg [dreg:$0x1b];
	[tilespmem:s22+$0x13E00] =	vst v1  }
0x1c3: {  	[tilespmem:s19], [sflag:$0x1] =	stream.strided.gather [spmem:s24], $0x280, s18, s17, $0x38;
	[tilespmem:$0x19580] =	vst v63  }
0x1c4: {  	_ =	swait.ge [sflag:s13], $0x280  }
0x1c5: {  	[sflag:s13] =	ssyncset.done $0x0  }
0x1c6: {  	s22 =	simm.s32 $0x0;
	[sflag:s13] =	ssyncadd.s32 $0xFFFFFD80  }
0x1c7: {  	s23 =	simm.s32 $0x40;
	v1 =	vld [tilespmem:s22+$0x13B80]  }
.LBB2_42:
0x1c8: {  	p0 =	sne.s32 s23, $0x9C0;
	v2 =	vld [tilespmem:s22+$0x13E00];
	_ =	sdelay $0x2  }
.Ltmp20:
0x1c9: {  	(pc) =	sbr.rel @p0 .LBB2_42-.Ltmp20, $4  }
0x1ca: {  	_ = 	snop  }
0x1cb: {  	v2 =	vadd.f32 v1, v2  }
0x1cc: {  	s24 =	sshra.s32 s23, $0x2  }
0x1cd: {  	s23 =	sadd.s32 $0x40, s23;
	v1 =	vld [tilespmem:s24+$0x13B80];
	[tilespmem:s22+$0x13E00] =	vst v2;
	s22 =	smov.u32 s24  }
0x1ce: {  	v2 =	vld [tilespmem:s22+$0x13E00];
	_ =	sdelay $0x4  }
0x1cf: {  	v1 =	vadd.f32 v1, v2;
	_ =	sdelay $0x1  }
0x1d0: {  	s24 =	rddreg [dreg:$0x1c];
	[tilespmem:s22+$0x13E00] =	vst v1  }
0x1d1: {  	[tilespmem:s19], [sflag:$0x1] =	stream.strided.gather [spmem:s24], $0x280, s18, s17, $0x38;
	[tilespmem:$0x19580] =	vst v63  }
0x1d2: {  	_ =	swait.ge [sflag:s13], $0x280  }
0x1d3: {  	[sflag:s13] =	ssyncset.done $0x0  }
0x1d4: {  	s22 =	simm.s32 $0x0;
	[sflag:s13] =	ssyncadd.s32 $0xFFFFFD80  }
0x1d5: {  	s23 =	simm.s32 $0x40;
	v1 =	vld [tilespmem:s22+$0x13B80]  }
.LBB2_44:
0x1d6: {  	p0 =	sne.s32 s23, $0x9C0;
	v2 =	vld [tilespmem:s22+$0x13E00];
	_ =	sdelay $0x2  }
.Ltmp21:
0x1d7: {  	(pc) =	sbr.rel @p0 .LBB2_44-.Ltmp21, $4  }
0x1d8: {  	_ = 	snop  }
0x1d9: {  	v2 =	vadd.f32 v1, v2  }
0x1da: {  	s24 =	sshra.s32 s23, $0x2  }
0x1db: {  	s23 =	sadd.s32 $0x40, s23;
	v1 =	vld [tilespmem:s24+$0x13B80];
	[tilespmem:s22+$0x13E00] =	vst v2;
	s22 =	smov.u32 s24  }
0x1dc: {  	v2 =	vld [tilespmem:s22+$0x13E00];
	_ =	sdelay $0x4  }
0x1dd: {  	v1 =	vadd.f32 v1, v2;
	_ =	sdelay $0x1  }
0x1de: {  	s24 =	rddreg [dreg:$0x1d];
	[tilespmem:s22+$0x13E00] =	vst v1  }
0x1df: {  	[tilespmem:s19], [sflag:$0x1] =	stream.strided.gather [spmem:s24], $0x280, s18, s17, $0x38;
	[tilespmem:$0x19580] =	vst v63  }
0x1e0: {  	_ =	swait.ge [sflag:s13], $0x280  }
0x1e1: {  	[sflag:s13] =	ssyncset.done $0x0  }
0x1e2: {  	s22 =	simm.s32 $0x0;
	[sflag:s13] =	ssyncadd.s32 $0xFFFFFD80  }
0x1e3: {  	s23 =	simm.s32 $0x40;
	v1 =	vld [tilespmem:s22+$0x13B80]  }
.LBB2_46:
0x1e4: {  	p0 =	sne.s32 s23, $0x9C0;
	v2 =	vld [tilespmem:s22+$0x13E00];
	_ =	sdelay $0x2  }
.Ltmp22:
0x1e5: {  	(pc) =	sbr.rel @p0 .LBB2_46-.Ltmp22, $4  }
0x1e6: {  	_ = 	snop  }
0x1e7: {  	v2 =	vadd.f32 v1, v2  }
0x1e8: {  	s24 =	sshra.s32 s23, $0x2  }
0x1e9: {  	s23 =	sadd.s32 $0x40, s23;
	v1 =	vld [tilespmem:s24+$0x13B80];
	[tilespmem:s22+$0x13E00] =	vst v2;
	s22 =	smov.u32 s24  }
0x1ea: {  	v2 =	vld [tilespmem:s22+$0x13E00];
	_ =	sdelay $0x4  }
0x1eb: {  	v1 =	vadd.f32 v1, v2;
	_ =	sdelay $0x1  }
0x1ec: {  	s24 =	rddreg [dreg:$0x1e];
	[tilespmem:s22+$0x13E00] =	vst v1  }
0x1ed: {  	[tilespmem:s19], [sflag:$0x1] =	stream.strided.gather [spmem:s24], $0x280, s18, s17, $0x38;
	[tilespmem:$0x19580] =	vst v63  }
0x1ee: {  	_ =	swait.ge [sflag:s13], $0x280  }
0x1ef: {  	[sflag:s13] =	ssyncset.done $0x0  }
0x1f0: {  	s22 =	simm.s32 $0x0;
	[sflag:s13] =	ssyncadd.s32 $0xFFFFFD80  }
0x1f1: {  	s23 =	simm.s32 $0x40;
	v1 =	vld [tilespmem:s22+$0x13B80]  }
.LBB2_48:
0x1f2: {  	p0 =	sne.s32 s23, $0x9C0;
	v2 =	vld [tilespmem:s22+$0x13E00];
	_ =	sdelay $0x2  }
.Ltmp23:
0x1f3: {  	(pc) =	sbr.rel @p0 .LBB2_48-.Ltmp23, $4  }
0x1f4: {  	_ = 	snop  }
0x1f5: {  	v2 =	vadd.f32 v1, v2  }
0x1f6: {  	s24 =	sshra.s32 s23, $0x2  }
0x1f7: {  	s23 =	sadd.s32 $0x40, s23;
	v1 =	vld [tilespmem:s24+$0x13B80];
	[tilespmem:s22+$0x13E00] =	vst v2;
	s22 =	smov.u32 s24  }
0x1f8: {  	v2 =	vld [tilespmem:s22+$0x13E00];
	_ =	sdelay $0x4  }
0x1f9: {  	v1 =	vadd.f32 v1, v2;
	_ =	sdelay $0x1  }
0x1fa: {  	[tilespmem:s22+$0x13E00] =	vst v1  }
0x1fb: {  	[tilespmem:s19], [sflag:$0x1] =	stream.strided.gather [spmem:s25], $0x280, s18, s17, $0x38;
	[tilespmem:$0x19580] =	vst v63  }
0x1fc: {  	_ =	swait.ge [sflag:s13], $0x280  }
0x1fd: {  	[sflag:s13] =	ssyncset.done $0x0  }
0x1fe: {  	s22 =	simm.s32 $0x0;
	[sflag:s13] =	ssyncadd.s32 $0xFFFFFD80  }
0x1ff: {  	s23 =	simm.s32 $0x40;
	v1 =	vld [tilespmem:s22+$0x13B80]  }
.LBB2_50:
0x200: {  	p0 =	sne.s32 s23, $0x9C0;
	v2 =	vld [tilespmem:s22+$0x13E00];
	_ =	sdelay $0x2  }
.Ltmp24:
0x201: {  	(pc) =	sbr.rel @p0 .LBB2_50-.Ltmp24, $4  }
0x202: {  	_ = 	snop  }
0x203: {  	v2 =	vadd.f32 v1, v2  }
0x204: {  	s24 =	sshra.s32 s23, $0x2  }
0x205: {  	s23 =	sadd.s32 $0x40, s23;
	v1 =	vld [tilespmem:s24+$0x13B80];
	[tilespmem:s22+$0x13E00] =	vst v2;
	s22 =	smov.u32 s24  }
0x206: {  	v2 =	vld [tilespmem:s22+$0x13E00];
	_ =	sdelay $0x4  }
0x207: {  	v1 =	vadd.f32 v1, v2;
	_ =	sdelay $0x1  }
0x208: {  	[tilespmem:s22+$0x13E00] =	vst v1  }
0x209: {  	[tilespmem:s19], [sflag:$0x1] =	stream.strided.gather [spmem:s26], $0x280, s18, s17, $0x38;
	[tilespmem:$0x19580] =	vst v63  }
0x20a: {  	_ =	swait.ge [sflag:s13], $0x280  }
0x20b: {  	[sflag:s13] =	ssyncset.done $0x0  }
0x20c: {  	s22 =	simm.s32 $0x0;
	[sflag:s13] =	ssyncadd.s32 $0xFFFFFD80  }
0x20d: {  	s23 =	simm.s32 $0x40;
	v1 =	vld [tilespmem:s22+$0x13B80]  }
.LBB2_52:
0x20e: {  	p0 =	sne.s32 s23, $0x9C0;
	v2 =	vld [tilespmem:s22+$0x13E00];
	_ =	sdelay $0x2  }
.Ltmp25:
0x20f: {  	(pc) =	sbr.rel @p0 .LBB2_52-.Ltmp25, $4  }
0x210: {  	_ = 	snop  }
0x211: {  	v2 =	vadd.f32 v1, v2  }
0x212: {  	s24 =	sshra.s32 s23, $0x2  }
0x213: {  	s23 =	sadd.s32 $0x40, s23;
	v1 =	vld [tilespmem:s24+$0x13B80];
	[tilespmem:s22+$0x13E00] =	vst v2;
	s22 =	smov.u32 s24  }
0x214: {  	v2 =	vld [tilespmem:s22+$0x13E00];
	_ =	sdelay $0x4  }
0x215: {  	v1 =	vadd.f32 v1, v2;
	_ =	sdelay $0x1  }
0x216: {  	[tilespmem:s22+$0x13E00] =	vst v1  }
0x217: {  	[tilespmem:s19], [sflag:$0x1] =	stream.strided.gather [spmem:s28], $0x280, s18, s17, $0x38;
	[tilespmem:$0x19580] =	vst v63  }
0x218: {  	_ =	swait.ge [sflag:s13], $0x280  }
0x219: {  	[sflag:s13] =	ssyncset.done $0x0  }
0x21a: {  	s22 =	simm.s32 $0x0;
	[sflag:s13] =	ssyncadd.s32 $0xFFFFFD80  }
0x21b: {  	s23 =	simm.s32 $0x40;
	v1 =	vld [tilespmem:s22+$0x13B80]  }
.LBB2_54:
0x21c: {  	p0 =	sne.s32 s23, $0x9C0;
	v2 =	vld [tilespmem:s22+$0x13E00];
	_ =	sdelay $0x2  }
.Ltmp26:
0x21d: {  	(pc) =	sbr.rel @p0 .LBB2_54-.Ltmp26, $4  }
0x21e: {  	_ = 	snop  }
0x21f: {  	v2 =	vadd.f32 v1, v2  }
0x220: {  	s24 =	sshra.s32 s23, $0x2  }
0x221: {  	s23 =	sadd.s32 $0x40, s23;
	v1 =	vld [tilespmem:s24+$0x13B80];
	[tilespmem:s22+$0x13E00] =	vst v2;
	s22 =	smov.u32 s24  }
0x222: {  	v2 =	vld [tilespmem:s22+$0x13E00];
	_ =	sdelay $0x4  }
0x223: {  	v1 =	vadd.f32 v1, v2;
	_ =	sdelay $0x1  }
0x224: {  	[tilespmem:s22+$0x13E00] =	vst v1  }
0x225: {  	[tilespmem:s19], [sflag:$0x1] =	stream.strided.gather [spmem:s29], $0x280, s18, s17, $0x38;
	[tilespmem:$0x19580] =	vst v63  }
0x226: {  	_ =	swait.ge [sflag:s13], $0x280  }
0x227: {  	[sflag:s13] =	ssyncset.done $0x0  }
0x228: {  	s22 =	simm.s32 $0x0;
	[sflag:s13] =	ssyncadd.s32 $0xFFFFFD80  }
0x229: {  	s23 =	simm.s32 $0x40;
	v1 =	vld [tilespmem:s22+$0x13B80]  }
.LBB2_56:
0x22a: {  	p0 =	sne.s32 s23, $0x9C0;
	v2 =	vld [tilespmem:s22+$0x13E00];
	_ =	sdelay $0x2  }
.Ltmp27:
0x22b: {  	(pc) =	sbr.rel @p0 .LBB2_56-.Ltmp27, $4  }
0x22c: {  	_ = 	snop  }
0x22d: {  	v2 =	vadd.f32 v1, v2  }
0x22e: {  	s24 =	sshra.s32 s23, $0x2  }
0x22f: {  	s23 =	sadd.s32 $0x40, s23;
	v1 =	vld [tilespmem:s24+$0x13B80];
	[tilespmem:s22+$0x13E00] =	vst v2;
	s22 =	smov.u32 s24  }
0x230: {  	v2 =	vld [tilespmem:s22+$0x13E00];
	_ =	sdelay $0x4  }
0x231: {  	v1 =	vadd.f32 v1, v2;
	_ =	sdelay $0x1  }
0x232: {  	[tilespmem:s22+$0x13E00] =	vst v1  }
0x233: {  	[tilespmem:s19], [sflag:$0x1] =	stream.strided.gather [spmem:s30], $0x280, s18, s17, $0x38;
	[tilespmem:$0x19580] =	vst v63  }
0x234: {  	_ =	swait.ge [sflag:s13], $0x280  }
0x235: {  	[sflag:s13] =	ssyncset.done $0x0  }
0x236: {  	s22 =	simm.s32 $0x0;
	[sflag:s13] =	ssyncadd.s32 $0xFFFFFD80  }
0x237: {  	s23 =	simm.s32 $0x40;
	v1 =	vld [tilespmem:s22+$0x13B80]  }
.LBB2_58:
0x238: {  	p0 =	sne.s32 s23, $0x9C0;
	v2 =	vld [tilespmem:s22+$0x13E00];
	_ =	sdelay $0x2  }
.Ltmp28:
0x239: {  	(pc) =	sbr.rel @p0 .LBB2_58-.Ltmp28, $4  }
0x23a: {  	_ = 	snop  }
0x23b: {  	v2 =	vadd.f32 v1, v2  }
0x23c: {  	s24 =	sshra.s32 s23, $0x2  }
0x23d: {  	s23 =	sadd.s32 $0x40, s23;
	v1 =	vld [tilespmem:s24+$0x13B80];
	[tilespmem:s22+$0x13E00] =	vst v2;
	s22 =	smov.u32 s24  }
0x23e: {  	v2 =	vld [tilespmem:s22+$0x13E00];
	_ =	sdelay $0x4  }
0x23f: {  	v1 =	vadd.f32 v1, v2;
	_ =	sdelay $0x1  }
0x240: {  	[tilespmem:s22+$0x13E00] =	vst v1  }
0x241: {  	[tilespmem:s19], [sflag:$0x1] =	stream.strided.gather [spmem:s31], $0x280, s18, s17, $0x38;
	[tilespmem:$0x19580] =	vst v63  }
0x242: {  	_ =	swait.ge [sflag:s13], $0x280  }
0x243: {  	[sflag:s13] =	ssyncset.done $0x0  }
0x244: {  	s22 =	simm.s32 $0x0;
	[sflag:s13] =	ssyncadd.s32 $0xFFFFFD80  }
0x245: {  	s23 =	simm.s32 $0x40;
	v1 =	vld [tilespmem:s22+$0x13B80]  }
.LBB2_60:
0x246: {  	p0 =	sne.s32 s23, $0x9C0;
	v2 =	vld [tilespmem:s22+$0x13E00];
	_ =	sdelay $0x2  }
.Ltmp29:
0x247: {  	(pc) =	sbr.rel @p0 .LBB2_60-.Ltmp29, $4  }
0x248: {  	_ = 	snop  }
0x249: {  	v2 =	vadd.f32 v1, v2  }
0x24a: {  	s24 =	sshra.s32 s23, $0x2  }
0x24b: {  	s23 =	sadd.s32 $0x40, s23;
	v1 =	vld [tilespmem:s24+$0x13B80];
	[tilespmem:s22+$0x13E00] =	vst v2;
	s22 =	smov.u32 s24  }
0x24c: {  	v2 =	vld [tilespmem:s22+$0x13E00];
	_ =	sdelay $0x4  }
0x24d: {  	v1 =	vadd.f32 v1, v2;
	_ =	sdelay $0x1  }
0x24e: {  	[tilespmem:s22+$0x13E00] =	vst v1  }
0x24f: {  	[tilespmem:s19], [sflag:$0x1] =	stream.strided.gather [spmem:s0], $0x280, s18, s17, $0x38;
	[tilespmem:$0x19580] =	vst v63  }
0x250: {  	_ =	swait.ge [sflag:s13], $0x280  }
0x251: {  	[sflag:s13] =	ssyncset.done $0x0  }
0x252: {  	s22 =	simm.s32 $0x0;
	[sflag:s13] =	ssyncadd.s32 $0xFFFFFD80  }
0x253: {  	s23 =	simm.s32 $0x40;
	v1 =	vld [tilespmem:s22+$0x13B80]  }
.LBB2_62:
0x254: {  	p0 =	sne.s32 s23, $0x9C0;
	v2 =	vld [tilespmem:s22+$0x13E00];
	_ =	sdelay $0x2  }
.Ltmp30:
0x255: {  	(pc) =	sbr.rel @p0 .LBB2_62-.Ltmp30, $4  }
0x256: {  	_ = 	snop  }
0x257: {  	v2 =	vadd.f32 v1, v2  }
0x258: {  	s24 =	sshra.s32 s23, $0x2  }
0x259: {  	s23 =	sadd.s32 $0x40, s23;
	v1 =	vld [tilespmem:s24+$0x13B80];
	[tilespmem:s22+$0x13E00] =	vst v2;
	s22 =	smov.u32 s24  }
0x25a: {  	v2 =	vld [tilespmem:s22+$0x13E00];
	_ =	sdelay $0x4  }
0x25b: {  	v1 =	vadd.f32 v1, v2;
	_ =	sdelay $0x1  }
0x25c: {  	[tilespmem:s22+$0x13E00] =	vst v1  }
0x25d: {  	[tilespmem:s19], [sflag:$0x1] =	stream.strided.gather [spmem:s1], $0x280, s18, s17, $0x38;
	[tilespmem:$0x19580] =	vst v63  }
0x25e: {  	_ =	swait.ge [sflag:s13], $0x280  }
0x25f: {  	[sflag:s13] =	ssyncset.done $0x0  }
0x260: {  	s22 =	simm.s32 $0x0;
	[sflag:s13] =	ssyncadd.s32 $0xFFFFFD80  }
0x261: {  	s23 =	simm.s32 $0x40;
	v1 =	vld [tilespmem:s22+$0x13B80]  }
.LBB2_64:
0x262: {  	p0 =	sne.s32 s23, $0x9C0;
	v2 =	vld [tilespmem:s22+$0x13E00];
	_ =	sdelay $0x2  }
.Ltmp31:
0x263: {  	(pc) =	sbr.rel @p0 .LBB2_64-.Ltmp31, $4  }
0x264: {  	_ = 	snop  }
0x265: {  	v2 =	vadd.f32 v1, v2  }
0x266: {  	s24 =	sshra.s32 s23, $0x2  }
0x267: {  	s23 =	sadd.s32 $0x40, s23;
	v1 =	vld [tilespmem:s24+$0x13B80];
	[tilespmem:s22+$0x13E00] =	vst v2;
	s22 =	smov.u32 s24  }
0x268: {  	v2 =	vld [tilespmem:s22+$0x13E00];
	_ =	sdelay $0x4  }
0x269: {  	v1 =	vadd.f32 v1, v2;
	_ =	sdelay $0x1  }
0x26a: {  	[tilespmem:s22+$0x13E00] =	vst v1  }
0x26b: {  	[tilespmem:s19], [sflag:$0x1] =	stream.strided.gather [spmem:s2], $0x280, s18, s17, $0x38;
	[tilespmem:$0x19580] =	vst v63  }
0x26c: {  	_ =	swait.ge [sflag:s13], $0x280  }
0x26d: {  	[sflag:s13] =	ssyncset.done $0x0  }
0x26e: {  	s22 =	simm.s32 $0x0;
	[sflag:s13] =	ssyncadd.s32 $0xFFFFFD80  }
0x26f: {  	s23 =	simm.s32 $0x40;
	v1 =	vld [tilespmem:s22+$0x13B80]  }
.LBB2_66:
0x270: {  	p0 =	sne.s32 s23, $0x9C0;
	v2 =	vld [tilespmem:s22+$0x13E00];
	_ =	sdelay $0x2  }
.Ltmp32:
0x271: {  	(pc) =	sbr.rel @p0 .LBB2_66-.Ltmp32, $4  }
0x272: {  	_ = 	snop  }
0x273: {  	v2 =	vadd.f32 v1, v2  }
0x274: {  	s24 =	sshra.s32 s23, $0x2  }
0x275: {  	s23 =	sadd.s32 $0x40, s23;
	v1 =	vld [tilespmem:s24+$0x13B80];
	[tilespmem:s22+$0x13E00] =	vst v2;
	s22 =	smov.u32 s24  }
0x276: {  	v2 =	vld [tilespmem:s22+$0x13E00];
	_ =	sdelay $0x4  }
0x277: {  	v1 =	vadd.f32 v1, v2;
	_ =	sdelay $0x1  }
0x278: {  	[tilespmem:s22+$0x13E00] =	vst v1  }
0x279: {  	[tilespmem:s19], [sflag:$0x1] =	stream.strided.gather [spmem:s4], $0x280, s18, s17, $0x38;
	[tilespmem:$0x19580] =	vst v63  }
0x27a: {  	_ =	swait.ge [sflag:s13], $0x280  }
0x27b: {  	[sflag:s13] =	ssyncset.done $0x0  }
0x27c: {  	s22 =	simm.s32 $0x0;
	[sflag:s13] =	ssyncadd.s32 $0xFFFFFD80  }
0x27d: {  	s23 =	simm.s32 $0x40;
	v1 =	vld [tilespmem:s22+$0x13B80]  }
.LBB2_68:
0x27e: {  	p0 =	sne.s32 s23, $0x9C0;
	v2 =	vld [tilespmem:s22+$0x13E00];
	_ =	sdelay $0x2  }
.Ltmp33:
0x27f: {  	(pc) =	sbr.rel @p0 .LBB2_68-.Ltmp33, $4  }
0x280: {  	_ = 	snop  }
0x281: {  	v2 =	vadd.f32 v1, v2  }
0x282: {  	s24 =	sshra.s32 s23, $0x2  }
0x283: {  	s23 =	sadd.s32 $0x40, s23;
	v1 =	vld [tilespmem:s24+$0x13B80];
	[tilespmem:s22+$0x13E00] =	vst v2;
	s22 =	smov.u32 s24  }
0x284: {  	v2 =	vld [tilespmem:s22+$0x13E00];
	_ =	sdelay $0x4  }
0x285: {  	v1 =	vadd.f32 v1, v2;
	_ =	sdelay $0x1  }
0x286: {  	[tilespmem:s22+$0x13E00] =	vst v1  }
0x287: {  	[spmem:s11] =	stream.linear.scatter [tilespmem:s20], [sflag:$0x1], $0x280, $0x38;
	[tilespmem:$0x19580] =	vst v63  }
0x288: {  	_ =	swait.ge [sflag:s13], $0x280  }
0x289: {  	[sflag:s13] =	ssyncset.done $0x0  }
0x28a: {  	[sflag:s13] =	ssyncadd.s32 $0xFFFFFD80  }
0x28b: {  	[bflag:$0x0] =	sbarrier.arrive $0xFFFF  }
0x28c: {  	s23 =	rddreg [dreg:$0x4]  }
0x28d: {  	[tilespmem:s15], [sflag:$0x1] =	stream.linear.gather [spmem:s23], $0x2800, $0x38;
	[tilespmem:$0x19580] =	vst v63  }
0x28e: {  	_ =	swait.ge [sflag:s13], $0x2800  }
0x28f: {  	[sflag:s13] =	ssyncset.done $0x0  }
0x290: {  	[sflag:s13] =	ssyncadd.s32 $0xFFFFD800  }
0x291: {  	s24 =	rddreg [dreg:$0x5]  }
0x292: {  	[tilespmem:s16], [sflag:$0x1] =	stream.linear.gather [spmem:s24], $0x2800, $0x38;
	[tilespmem:$0x19580] =	vst v63  }
0x293: {  	_ =	swait.ge [sflag:s13], $0x2800  }
0x294: {  	[sflag:s13] =	ssyncset.done $0x0  }
0x295: {  	s22 =	simm.s32 $0x0;
	[sflag:s13] =	ssyncadd.s32 $0xFFFFD800  }
0x296: {  	v1 =	vld [tilespmem:s22+$0x9D00];
	_ =	sdelay $0x7  }
0x297: {  	v2 =	vld.idx.msk [tilespmem:v1+s15+$0x0], $0xffff;
	_ =	sdelay $0x4  }
0x298: {  	(erf) = vrcp.f32 v2;
	_ =	sdelay $0x4  }
0x299: {  	v2 =	vld [tilespmem:s22+$0x0];
	_ =	sdelay $0x3  }
0x29a: {  	v3 =	vpop (erf)  }
0x29b: {  	v2 =	vmul.f32 v3, v2;
	_ =	sdelay $0x1  }
0x29c: {  	[tilespmem:s22+$0x0] =	vst v2  }
0x29d: {  	v1 =	vld.idx.msk [tilespmem:v1+s16+$0x0], $0xffff;
	_ =	sdelay $0x4  }
0x29e: {  	(erf) = vrcp.f32 v1;
	_ =	sdelay $0x2  }
0x29f: {  	s24 =	simm.s32 $0x10  }
0x2a0: {  	s23 =	simm.s32 $0x80;
	v1 =	vld [tilespmem:s24+$0x9D00]  }
.LBB2_70:
0x2a1: {  	p0 =	sne.s32 s23, $0x13840;
	v2 =	vld [tilespmem:s22+$0x4E80];
	_ =	sdelay $0x3  }
0x2a2: {  	v3 =	vpop (erf)  }
0x2a3: {  	v2 =	vmul.f32 v3, v2;
	_ =	sdelay $0x1  }
0x2a4: {  	[tilespmem:s22+$0x4E80] =	vst v2;
	s22 =	smov.u32 s24  }
0x2a5: {  	v2 =	vld.idx.msk [tilespmem:v1+s15+$0x0], $0xffff;
	_ =	sdelay $0x5  }
0x2a6: {  	(erf) = vrcp.f32 v2;
	_ =	sdelay $0x4  }
0x2a7: {  	v2 =	vld [tilespmem:s22+$0x0];
	_ =	sdelay $0x3  }
0x2a8: {  	v3 =	vpop (erf)  }
0x2a9: {  	v2 =	vmul.f32 v3, v2;
	_ =	sdelay $0x1  }
0x2aa: {  	[tilespmem:s22+$0x0] =	vst v2  }
0x2ab: {  	v1 =	vld.idx.msk [tilespmem:v1+s16+$0x0], $0xffff;
	_ =	sdelay $0x5  }
.Ltmp34:
0x2ac: {  	(erf) = vrcp.f32 v1;
	(pc) =	sbr.rel @p0 .LBB2_70-.Ltmp34, $3  }
0x2ad: {  	_ =	sdelay $0x1  }
0x2ae: {  	s24 =	sshra.s32 s23, $0x2  }
0x2af: {  	s23 =	sadd.s32 $0x40, s23;
	v1 =	vld [tilespmem:s24+$0x9D00]  }
0x2b0: {  	v2 =	vld [tilespmem:s22+$0x4E80];
	_ =	sdelay $0x3  }
0x2b1: {  	v3 =	vpop (erf)  }
0x2b2: {  	v2 =	vmul.f32 v3, v2;
	_ =	sdelay $0x1  }
0x2b3: {  	[tilespmem:s22+$0x4E80] =	vst v2  }
0x2b4: {  	v2 =	vld.idx.msk [tilespmem:v1+s15+$0x0], $0xffff;
	_ =	sdelay $0x4  }
0x2b5: {  	(erf) = vrcp.f32 v2;
	_ =	sdelay $0x4  }
0x2b6: {  	v2 =	vld [tilespmem:s24+$0x0];
	_ =	sdelay $0x3  }
0x2b7: {  	v3 =	vpop (erf)  }
0x2b8: {  	v2 =	vmul.f32 v3, v2;
	_ =	sdelay $0x1  }
0x2b9: {  	[tilespmem:s24+$0x0] =	vst v2  }
0x2ba: {  	v1 =	vld.idx.msk [tilespmem:v1+s16+$0x0], $0xffff;
	_ =	sdelay $0x4  }
0x2bb: {  	(erf) = vrcp.f32 v1;
	_ =	sdelay $0x4  }
0x2bc: {  	v1 =	vld [tilespmem:s24+$0x4E80];
	_ =	sdelay $0x3  }
0x2bd: {  	v2 =	vpop (erf)  }
0x2be: {  	v1 =	vmul.f32 v2, v1;
	_ =	sdelay $0x1  }
0x2bf: {  	[tilespmem:s24+$0x4E80] =	vst v1  }
0x2c0: {  	[hbm4b:s7+s3] =	stream.linear.scatter [tilespmem:s3], [sflag:$0x1], $0x4E20, $0x38;
	[tilespmem:$0x19580] =	vst v63  }
0x2c1: {  	s21 =	sadd.s32 $0x1, s21;
	_ =	swait.ge [sflag:s13], $0x4E20  }
0x2c2: {  	p0 =	sne.s32 s21, s12;
	[sflag:s13] =	ssyncset.done $0x0  }
.Ltmp35:
0x2c3: {  	[sflag:s13] =	ssyncadd.s32 $0xFFFFB1E0;
	(pc) =	sbr.rel @p0 .LBB2_1-.Ltmp35, $4  }
0x2c4: {  	[hbm4b:s8+s3] =	stream.linear.scatter [tilespmem:s14], [sflag:$0x1], $0x4E20, $0x38;
	[tilespmem:$0x19580] =	vst v63  }
0x2c5: {  	_ =	swait.ge [sflag:s13], $0x4E20  }
0x2c6: {  	[sflag:s13] =	ssyncset.done $0x0  }
0x2c7: {  	[sflag:s13] =	ssyncadd.s32 $0xFFFFB1E0  }
0x2c8: {  	_ =	sfence.sel $0x180000  }
0x2c9: {  	[bflag:$0x0] =	sbarrier.arrive $0xFFFF  }
0x2ca: {  	_ =	strace $0x90000047  }
0x2cb: {  	s0 =	stileid.u32;
	[bflag:$0x2] =	sbarrier.arrive $0xFFFF  }
0x2cc: {  	p0 =	sne.s32 s0, $0x0;
	s0 =	rddreg [dreg:$0x6]  }
0x2cd: {  	s0 =	sadd.s32 @!p0 $0x100000, s0  }
0x2ce: {  	[sflag:s0] =	ssyncadd.tile.s32 @!p0 $0x1;
	_ =	shalt  }
.Lfunc_end2:
_tile_overlayer_lowered:
.L_overlay_start_2:
0x2cf: {  	(tag) =	ssettag $0x2  }
0x2d0: {  	s0 =	rddreg [dreg:$0x0];
	s2 =	stileid.u32  }
0x2d1: {  	s1 =	rddreg [dreg:$0x1];
	p0 =	sne.s32 s2, $0x0  }
0x2d2: {  	s3 =	rddreg [dreg:$0x2];
	[bflag:$0x3] =	sbarrier.arrive $0xFFFF;
	s2 =	simm.s32 @!p0 $0x1C01  }
0x2d3: {  	[timem:s3], [sflag:s2] =	dma.local @!p0 [hbm:s0], s1  }
0x2d4: {  	s0 =	simm.s32 @!p0 $0x1  }
0x2d5: {  	_ =	swait.ge @!p0 [sflag:s0], s1  }
0x2d6: {  	s1 =	ssub.s32 @!p0 $0x0, s1;
	[sflag:s0] =	ssyncset.done @!p0 $0x0  }
0x2d7: {  	[sflag:s0] =	ssyncadd.s32 @!p0 s1  }
0x2d8: {  	[bflag:$0x3] =	sbarrier.arrive $0xFFFF  }
0x2d9: {  	_ =	shalt  }

</sc_bundles>
